<compile_context>
chip_gen: v7x
topology: tpu7x:2x2x1
jax: 0.10.2.dev20260603
libtpu: 0.0.44.dev20260713+nightly
codegen_flags: <defaults>
</compile_context>

<pallas_src>
import functools

import jax
import jax.numpy as jnp
from jax import lax
from jax.experimental import pallas as pl
from jax.experimental.pallas import tpu as pltpu
from jax.experimental.pallas import tpu_sc as plsc

N = 10000
E = 160000
D_IN = 256
H = 128

NC = 2
NS = 16
NW = NC * NS
CH = 128
NCH = 40
EPT = CH * NCH
EPAD = NW * EPT
SPAN = 640
ACCR = NS * SPAN
TRASH = N

BLK = 1000
GRID = N // BLK

_sc_mesh = plsc.VectorSubcoreMesh(core_axis_name="c", subcore_axis_name="s")


@functools.partial(
    pl.kernel,
    out_type=jax.ShapeDtypeStruct((NC, ACCR), jnp.float32),
    mesh=_sc_mesh,
    scratch_types=[
        pltpu.VMEM((NCH, CH), jnp.int32),
        pltpu.VMEM((SPAN,), jnp.float32),
        pltpu.VMEM((CH,), jnp.float32),
        pltpu.VMEM_SHARED((ACCR,), jnp.float32),
        pltpu.SemaphoreType.DMA,
    ],
)
def _degree(dstp, out, dstv, buf, ones, deg, dsem):
    c = lax.axis_index("c")
    s = lax.axis_index("s")
    w = c * NS + s

    for i in range(SPAN // 16):
        buf[pl.ds(i * 16, 16)] = jnp.zeros((16,), jnp.float32)
    for i in range(CH // 16):
        ones[pl.ds(i * 16, 16)] = jnp.ones((16,), jnp.float32)

    base = s * SPAN
    pltpu.sync_copy(buf, deg.at[pl.ds(base, SPAN)])
    plsc.subcore_barrier()

    pltpu.sync_copy(dstp.at[w], dstv)

    @pl.loop(0, NCH)
    def _(j):
        pltpu.async_copy(ones, deg.at[dstv.at[j]], dsem, add=True)

    @pl.loop(0, NCH)
    def _(j):
        pltpu.make_async_copy(ones, deg.at[dstv.at[j]], dsem).wait()

    plsc.subcore_barrier()
    pltpu.sync_copy(deg.at[pl.ds(base, SPAN)], buf)
    pltpu.sync_copy(buf, out.at[c, pl.ds(base, SPAN)])


@functools.partial(
    pl.kernel,
    out_type=jax.ShapeDtypeStruct((NC, ACCR, H), jnp.float32),
    mesh=_sc_mesh,
    scratch_types=[
        pltpu.VMEM((NCH, CH), jnp.int32),
        pltpu.VMEM((NCH, CH), jnp.int32),
        pltpu.VMEM((CH, H), jnp.float32),
        pltpu.VMEM((CH, H), jnp.float32),
        pltpu.VMEM_SHARED((ACCR, H), jnp.float32),
        pltpu.SemaphoreType.DMA,
    ],
)
def _propagate(hw, srcp, dstp, out, srcv, dstv, rows0, rows1, acc, sem):
    c = lax.axis_index("c")
    s = lax.axis_index("s")
    w = c * NS + s

    @pl.loop(0, CH)
    def _(r):
        for k in range(H // 16):
            rows0[r, pl.ds(k * 16, 16)] = jnp.zeros((16,), jnp.float32)

    base = s * SPAN
    for k in range(SPAN // CH):
        pltpu.sync_copy(rows0, acc.at[pl.ds(base + k * CH, CH)])
    plsc.subcore_barrier()

    ia = pltpu.async_copy(srcp.at[w], srcv, sem)
    ib = pltpu.async_copy(dstp.at[w], dstv, sem)
    ia.wait()
    ib.wait()

    def gather(j, buf):
        return pltpu.async_copy(hw.at[srcv.at[j]], buf, sem)

    def gwait(j, buf):
        pltpu.make_async_copy(hw.at[srcv.at[j]], buf, sem).wait()

    def scat(j, buf):
        pltpu.sync_copy(buf, acc.at[dstv.at[j]], add=True)

    gather(0, rows0)

    @pl.loop(0, NCH // 2 - 1)
    def _(t):
        j = 2 * t
        gwait(j, rows0)
        gather(j + 1, rows1)
        scat(j, rows0)
        gwait(j + 1, rows1)
        gather(j + 2, rows0)
        scat(j + 1, rows1)

    gwait(NCH - 2, rows0)
    gather(NCH - 1, rows1)
    scat(NCH - 2, rows0)
    gwait(NCH - 1, rows1)
    scat(NCH - 1, rows1)

    plsc.subcore_barrier()
    for k in range(SPAN // CH):
        pltpu.sync_copy(acc.at[pl.ds(base + k * CH, CH)], rows0)
        pltpu.sync_copy(rows0, out.at[c, pl.ds(base + k * CH, CH)])


def _k1_body(d0_ref, d1_ref, x_ref, w1_ref, hwp_ref, dinv_ref):
    d = d0_ref[...].reshape(BLK, 1) + d1_ref[...].reshape(BLK, 1) + 1.0
    dinv = lax.rsqrt(d)
    hw = jnp.dot(x_ref[...], w1_ref[...], preferred_element_type=jnp.float32)
    hwp_ref[...] = hw * dinv
    dinv_ref[...] = dinv


def _k2_body(p0_ref, p1_ref, hwp_ref, dinv_ref, b1_ref, w2_ref, out_ref):
    p = p0_ref[...].reshape(BLK, H) + p1_ref[...].reshape(BLK, H)
    dinv = dinv_ref[...]
    h = jax.nn.relu(dinv * (p + hwp_ref[...]) + b1_ref[...])
    out_ref[...] = dinv * jnp.dot(h, w2_ref[...],
                                  preferred_element_type=jnp.float32)


def _k3_body(q0_ref, q1_ref, hwp_ref, dinv_ref, b2_ref, out_ref):
    q = q0_ref[...].reshape(BLK, H) + q1_ref[...].reshape(BLK, H)
    out_ref[...] = dinv_ref[...] * (q + hwp_ref[...]) + b2_ref[...]


def _row_spec(width):
    return pl.BlockSpec((BLK, width), lambda i: (i, 0))


def _part_spec(width):
    def mk(part):
        return pl.BlockSpec((1, BLK, width), lambda i, p=part: (p, i, 0))
    return mk


_k1 = pl.pallas_call(
    _k1_body,
    grid=(GRID,),
    in_specs=[
        _part_spec(1)(0),
        _part_spec(1)(1),
        _row_spec(D_IN),
        pl.BlockSpec((D_IN, H), lambda i: (0, 0)),
    ],
    out_specs=[_row_spec(H), _row_spec(1)],
    out_shape=[
        jax.ShapeDtypeStruct((N, H), jnp.float32),
        jax.ShapeDtypeStruct((N, 1), jnp.float32),
    ],
)

_k2 = pl.pallas_call(
    _k2_body,
    grid=(GRID,),
    in_specs=[
        _part_spec(H)(0),
        _part_spec(H)(1),
        _row_spec(H),
        _row_spec(1),
        pl.BlockSpec((1, H), lambda i: (0, 0)),
        pl.BlockSpec((H, H), lambda i: (0, 0)),
    ],
    out_specs=_row_spec(H),
    out_shape=jax.ShapeDtypeStruct((N, H), jnp.float32),
)

_k3 = pl.pallas_call(
    _k3_body,
    grid=(GRID,),
    in_specs=[
        _part_spec(H)(0),
        _part_spec(H)(1),
        _row_spec(H),
        _row_spec(1),
        pl.BlockSpec((1, H), lambda i: (0, 0)),
    ],
    out_specs=_row_spec(H),
    out_shape=jax.ShapeDtypeStruct((N, H), jnp.float32),
)


def kernel(x, edge_index, W1, b1, W2, b2):
    pad = EPAD - E
    srcp = jnp.concatenate(
        [edge_index[0], jnp.zeros((pad,), jnp.int32)]).reshape(NW, NCH, CH)
    dstp = jnp.concatenate(
        [edge_index[1], jnp.full((pad,), TRASH, jnp.int32)]).reshape(NW, NCH, CH)

    degp = _degree(dstp)
    degr = degp[:, :N].reshape(NC, N, 1)
    hw1p, dinv = _k1(degr, degr, x, W1)
    p = _propagate(hw1p, srcp, dstp)
    hw2p = _k2(p, p, hw1p, dinv, b1.reshape(1, H), W2)
    q = _propagate(hw2p, srcp, dstp)
    out = _k3(q, q, hw2p, dinv, b2.reshape(1, H))
    return out

# --- scband reference (transcript-rebuilt; emitter-appended) ---
"""Pipeline reference for scband-gnn-46394236732069 (READ-ONLY COPY).

The authoritative reference and input builder live on the scoring server;
editing this copy changes nothing except your own understanding.
"""

import jax, jax.numpy as jnp
import numpy as np

N = 10000
E = 160000
D_IN = 256
H = 128
OUT = 128


def setup_inputs(seed: int = 0) -> dict:
    key = jax.random.key(seed)
    k1, k2, k3, k4 = jax.random.split(key, 4)
    x = jax.random.normal(k1, (N, D_IN), dtype=jnp.float32)
    edge_index = jax.random.randint(k2, (2, E), 0, N, dtype=jnp.int32)
    W1 = jax.random.normal(k3, (D_IN, H), dtype=jnp.float32) * (1.0 / np.sqrt(D_IN))
    b1 = jnp.zeros((H,), dtype=jnp.float32)
    W2 = jax.random.normal(k4, (H, OUT), dtype=jnp.float32) * (1.0 / np.sqrt(H))
    b2 = jnp.zeros((OUT,), dtype=jnp.float32)
    return {"x": x, "edge_index": edge_index, "W1": W1, "b1": b1, "W2": W2, "b2": b2}


def reference(x, edge_index, W1, b1, W2, b2):
    # GCN normalization with self-loops (this is what CachedGCNConv caches per cache_name)
    loops = jnp.arange(N, dtype=edge_index.dtype)
    src = jnp.concatenate([edge_index[0], loops])
    dst = jnp.concatenate([edge_index[1], loops])
    deg = jnp.zeros((N,), dtype=jnp.float32).at[dst].add(1.0)
    deg_inv_sqrt = jnp.where(deg > 0, jax.lax.rsqrt(deg), 0.0)
    norm = deg_inv_sqrt[src] * deg_inv_sqrt[dst]

    def gcn_conv(h, W, b):
        hw = h @ W
        msg = hw[src] * norm[:, None]
        agg = jax.ops.segment_sum(msg, dst, num_segments=N)
        return agg + b

    h = gcn_conv(x, W1, b1)
    h = jax.nn.relu(h)
    # dropout(p=0.1) is identity in eval mode
    out = gcn_conv(h, W2, b2)
    return out

if __name__ == "__main__":
    import jax
    _d = setup_inputs()
    print(jax.jit(kernel)(*tuple(_d.values())))

</pallas_src>

<mosaic_0001>
#map = affine_map<(d0, d1) -> (0, 0)>
#map1 = affine_map<(d0, d1) -> (0, 0, 0)>
module attributes {stable_mosaic.version = 14 : i64} {
  func.func @_propagate(%arg0: i32, %arg1: i32, %arg2: memref<10000x128xf32, #tpu.memory_space<hbm>>, %arg3: memref<32x40x128xi32, #tpu.memory_space<hbm>>, %arg4: memref<32x40x128xi32, #tpu.memory_space<hbm>>, %arg5: memref<2x10240x128xf32, #tpu.memory_space<hbm>>, %arg6: memref<40x128xi32, #tpu.memory_space<vmem>>, %arg7: memref<40x128xi32, #tpu.memory_space<vmem>>, %arg8: memref<128x128xf32, #tpu.memory_space<vmem>>, %arg9: memref<128x128xf32, #tpu.memory_space<vmem>>, %arg10: memref<10240x128xf32, #tpu.memory_space<vmem_shared>>, %arg11: memref<!tpu.dma_semaphore, #tpu.memory_space<semaphore_mem>>) attributes {dimension_semantics = [#tpu.dimension_semantics<core_parallel>, #tpu.dimension_semantics<subcore_parallel>], iteration_bounds = array<i64: 2, 16>, scalar_prefetch = 0 : i64, scratch_operands = 6 : i64, tpu.core_type = #tpu.core_type<sc_vector_subcore>, window_params = [{transform_indices = #map}, {transform_indices = #map1}, {transform_indices = #map1}, {transform_indices = #map1}]} {
    %mul3A = arith.constant 16 : i32
    %mul3A_0 = arith.muli %arg0, %mul3A : i32
    %add3A = arith.addi %mul3A_0, %arg1 : i32
    %scan3A = arith.constant 0 : i32
    %scan3A_1 = arith.constant 128 : i32
    %scan3A_2 = arith.addi %scan3A, %scan3A_1 : i32
    %scan3A_3 = arith.constant 1 : i32
    scf.for %scan3A_102 = %scan3A to %scan3A_2 step %scan3A_3  : i32 {
      %mul3A_103 = arith.constant 1 : i32
      %mul3A_104 = arith.muli %scan3A_102, %mul3A_103 : i32
      %add3A_105 = arith.constant 0 : i32
      %add3A_106 = arith.addi %add3A_105, %mul3A_104 : i32
      %broadcast_in_dim3A = arith.constant 0.000000e+00 : f32
      %broadcast_in_dim3A_107 = vector.broadcast %broadcast_in_dim3A : f32 to vector<16xf32>
      %swap3A = arith.index_cast %add3A_106 : i32 to index
      %swap3A_108 = arith.constant 0 : index
      %swap3A_109 = tpu.vector_load %arg8[%swap3A, %swap3A_108] {strides = array<i32>} : memref<128x128xf32, #tpu.memory_space<vmem>>, vector<1x16xf32>,
      %swap3A_110 = vector.shape_cast %swap3A_109 : vector<1x16xf32> to vector<16xf32>
      %swap3A_111 = vector.shape_cast %broadcast_in_dim3A_107 : vector<16xf32> to vector<1x16xf32>
      tpu.vector_store %arg8[%swap3A, %swap3A_108], %swap3A_111 {strides = array<i32>} : memref<128x128xf32, #tpu.memory_space<vmem>>, vector<1x16xf32>,
      %broadcast_in_dim3A_112 = arith.constant 0.000000e+00 : f32
      %broadcast_in_dim3A_113 = vector.broadcast %broadcast_in_dim3A_112 : f32 to vector<16xf32>
      %swap3A_114 = arith.index_cast %add3A_106 : i32 to index
      %swap3A_115 = arith.constant 16 : index
      %swap3A_116 = tpu.vector_load %arg8[%swap3A_114, %swap3A_115] {strides = array<i32>} : memref<128x128xf32, #tpu.memory_space<vmem>>, vector<1x16xf32>,
      %swap3A_117 = vector.shape_cast %swap3A_116 : vector<1x16xf32> to vector<16xf32>
      %swap3A_118 = vector.shape_cast %broadcast_in_dim3A_113 : vector<16xf32> to vector<1x16xf32>
      tpu.vector_store %arg8[%swap3A_114, %swap3A_115], %swap3A_118 {strides = array<i32>} : memref<128x128xf32, #tpu.memory_space<vmem>>, vector<1x16xf32>,
      %broadcast_in_dim3A_119 = arith.constant 0.000000e+00 : f32
      %broadcast_in_dim3A_120 = vector.broadcast %broadcast_in_dim3A_119 : f32 to vector<16xf32>
      %swap3A_121 = arith.index_cast %add3A_106 : i32 to index
      %swap3A_122 = arith.constant 32 : index
      %swap3A_123 = tpu.vector_load %arg8[%swap3A_121, %swap3A_122] {strides = array<i32>} : memref<128x128xf32, #tpu.memory_space<vmem>>, vector<1x16xf32>,
      %swap3A_124 = vector.shape_cast %swap3A_123 : vector<1x16xf32> to vector<16xf32>
      %swap3A_125 = vector.shape_cast %broadcast_in_dim3A_120 : vector<16xf32> to vector<1x16xf32>
      tpu.vector_store %arg8[%swap3A_121, %swap3A_122], %swap3A_125 {strides = array<i32>} : memref<128x128xf32, #tpu.memory_space<vmem>>, vector<1x16xf32>,
      %broadcast_in_dim3A_126 = arith.constant 0.000000e+00 : f32
      %broadcast_in_dim3A_127 = vector.broadcast %broadcast_in_dim3A_126 : f32 to vector<16xf32>
      %swap3A_128 = arith.index_cast %add3A_106 : i32 to index
      %swap3A_129 = arith.constant 48 : index
      %swap3A_130 = tpu.vector_load %arg8[%swap3A_128, %swap3A_129] {strides = array<i32>} : memref<128x128xf32, #tpu.memory_space<vmem>>, vector<1x16xf32>,
      %swap3A_131 = vector.shape_cast %swap3A_130 : vector<1x16xf32> to vector<16xf32>
      %swap3A_132 = vector.shape_cast %broadcast_in_dim3A_127 : vector<16xf32> to vector<1x16xf32>
      tpu.vector_store %arg8[%swap3A_128, %swap3A_129], %swap3A_132 {strides = array<i32>} : memref<128x128xf32, #tpu.memory_space<vmem>>, vector<1x16xf32>,
      %broadcast_in_dim3A_133 = arith.constant 0.000000e+00 : f32
      %broadcast_in_dim3A_134 = vector.broadcast %broadcast_in_dim3A_133 : f32 to vector<16xf32>
      %swap3A_135 = arith.index_cast %add3A_106 : i32 to index
      %swap3A_136 = arith.constant 64 : index
      %swap3A_137 = tpu.vector_load %arg8[%swap3A_135, %swap3A_136] {strides = array<i32>} : memref<128x128xf32, #tpu.memory_space<vmem>>, vector<1x16xf32>,
      %swap3A_138 = vector.shape_cast %swap3A_137 : vector<1x16xf32> to vector<16xf32>
      %swap3A_139 = vector.shape_cast %broadcast_in_dim3A_134 : vector<16xf32> to vector<1x16xf32>
      tpu.vector_store %arg8[%swap3A_135, %swap3A_136], %swap3A_139 {strides = array<i32>} : memref<128x128xf32, #tpu.memory_space<vmem>>, vector<1x16xf32>,
      %broadcast_in_dim3A_140 = arith.constant 0.000000e+00 : f32
      %broadcast_in_dim3A_141 = vector.broadcast %broadcast_in_dim3A_140 : f32 to vector<16xf32>
      %swap3A_142 = arith.index_cast %add3A_106 : i32 to index
      %swap3A_143 = arith.constant 80 : index
      %swap3A_144 = tpu.vector_load %arg8[%swap3A_142, %swap3A_143] {strides = array<i32>} : memref<128x128xf32, #tpu.memory_space<vmem>>, vector<1x16xf32>,
      %swap3A_145 = vector.shape_cast %swap3A_144 : vector<1x16xf32> to vector<16xf32>
      %swap3A_146 = vector.shape_cast %broadcast_in_dim3A_141 : vector<16xf32> to vector<1x16xf32>
      tpu.vector_store %arg8[%swap3A_142, %swap3A_143], %swap3A_146 {strides = array<i32>} : memref<128x128xf32, #tpu.memory_space<vmem>>, vector<1x16xf32>,
      %broadcast_in_dim3A_147 = arith.constant 0.000000e+00 : f32
      %broadcast_in_dim3A_148 = vector.broadcast %broadcast_in_dim3A_147 : f32 to vector<16xf32>
      %swap3A_149 = arith.index_cast %add3A_106 : i32 to index
      %swap3A_150 = arith.constant 96 : index
      %swap3A_151 = tpu.vector_load %arg8[%swap3A_149, %swap3A_150] {strides = array<i32>} : memref<128x128xf32, #tpu.memory_space<vmem>>, vector<1x16xf32>,
      %swap3A_152 = vector.shape_cast %swap3A_151 : vector<1x16xf32> to vector<16xf32>
      %swap3A_153 = vector.shape_cast %broadcast_in_dim3A_148 : vector<16xf32> to vector<1x16xf32>
      tpu.vector_store %arg8[%swap3A_149, %swap3A_150], %swap3A_153 {strides = array<i32>} : memref<128x128xf32, #tpu.memory_space<vmem>>, vector<1x16xf32>,
      %broadcast_in_dim3A_154 = arith.constant 0.000000e+00 : f32
      %broadcast_in_dim3A_155 = vector.broadcast %broadcast_in_dim3A_154 : f32 to vector<16xf32>
      %swap3A_156 = arith.index_cast %add3A_106 : i32 to index
      %swap3A_157 = arith.constant 112 : index
      %swap3A_158 = tpu.vector_load %arg8[%swap3A_156, %swap3A_157] {strides = array<i32>} : memref<128x128xf32, #tpu.memory_space<vmem>>, vector<1x16xf32>,
      %swap3A_159 = vector.shape_cast %swap3A_158 : vector<1x16xf32> to vector<16xf32>
      %swap3A_160 = vector.shape_cast %broadcast_in_dim3A_155 : vector<16xf32> to vector<1x16xf32>
      tpu.vector_store %arg8[%swap3A_156, %swap3A_157], %swap3A_160 {strides = array<i32>} : memref<128x128xf32, #tpu.memory_space<vmem>>, vector<1x16xf32>,
    }
    %scan3A_4 = arith.constant 128 : i32
    %mul3A_5 = arith.constant 640 : i32
    %mul3A_6 = arith.muli %arg1, %mul3A_5 : i32
    %add3A_7 = arith.constant 0 : i32
    %add3A_8 = arith.addi %mul3A_6, %add3A_7 : i32
    "tpu.region"() ({
      %run_scoped3A_102 = tpu.sem_alloc : memref<!tpu.dma_semaphore, #tpu.memory_space<semaphore_mem>>
      %dma_start3A_103 = arith.constant 0 : i32
      %dma_start3A_104 = tpu.memref_slice %arg10[%add3A_8, %dma_start3A_103] : memref<10240x128xf32, #tpu.memory_space<vmem_shared>> -> memref<128x128xf32, #tpu.memory_space<vmem_shared>>
      %dma_start3A_105 = arith.constant 0 : i32
      %dma_start3A_106 = tpu.memref_slice %arg10[%add3A_8, %dma_start3A_105] : memref<10240x128xf32, #tpu.memory_space<vmem_shared>> -> memref<128x128xf32, #tpu.memory_space<vmem_shared>>
      tpu.enqueue_dma source(%arg8 : memref<128x128xf32, #tpu.memory_space<vmem>>) target(%dma_start3A_106 : memref<128x128xf32, #tpu.memory_space<vmem_shared>>) target_semaphore(%run_scoped3A_102 : memref<!tpu.dma_semaphore, #tpu.memory_space<semaphore_mem>>)
      %dma_wait3A_107 = arith.constant 0 : i32
      %dma_wait3A_108 = tpu.memref_slice %arg10[%add3A_8, %dma_wait3A_107] : memref<10240x128xf32, #tpu.memory_space<vmem_shared>> -> memref<128x128xf32, #tpu.memory_space<vmem_shared>>
      %dma_wait3A_109 = arith.constant 0 : i32
      %dma_wait3A_110 = tpu.memref_slice %arg10[%add3A_8, %dma_wait3A_109] : memref<10240x128xf32, #tpu.memory_space<vmem_shared>> -> memref<128x128xf32, #tpu.memory_space<vmem_shared>>
      tpu.wait_dma2 semaphore(%run_scoped3A_102 : memref<!tpu.dma_semaphore, #tpu.memory_space<semaphore_mem>>) src(%arg8 : memref<128x128xf32, #tpu.memory_space<vmem>>) dst(%dma_wait3A_110 : memref<128x128xf32, #tpu.memory_space<vmem_shared>>)
      tpu.yield
    }) : () -> ()
    %add3A_9 = arith.constant 128 : i32
    %add3A_10 = arith.addi %mul3A_6, %add3A_9 : i32
    "tpu.region"() ({
      %run_scoped3A_102 = tpu.sem_alloc : memref<!tpu.dma_semaphore, #tpu.memory_space<semaphore_mem>>
      %dma_start3A_103 = arith.constant 0 : i32
      %dma_start3A_104 = tpu.memref_slice %arg10[%add3A_10, %dma_start3A_103] : memref<10240x128xf32, #tpu.memory_space<vmem_shared>> -> memref<128x128xf32, #tpu.memory_space<vmem_shared>>
      %dma_start3A_105 = arith.constant 0 : i32
      %dma_start3A_106 = tpu.memref_slice %arg10[%add3A_10, %dma_start3A_105] : memref<10240x128xf32, #tpu.memory_space<vmem_shared>> -> memref<128x128xf32, #tpu.memory_space<vmem_shared>>
      tpu.enqueue_dma source(%arg8 : memref<128x128xf32, #tpu.memory_space<vmem>>) target(%dma_start3A_106 : memref<128x128xf32, #tpu.memory_space<vmem_shared>>) target_semaphore(%run_scoped3A_102 : memref<!tpu.dma_semaphore, #tpu.memory_space<semaphore_mem>>)
      %dma_wait3A_107 = arith.constant 0 : i32
      %dma_wait3A_108 = tpu.memref_slice %arg10[%add3A_10, %dma_wait3A_107] : memref<10240x128xf32, #tpu.memory_space<vmem_shared>> -> memref<128x128xf32, #tpu.memory_space<vmem_shared>>
      %dma_wait3A_109 = arith.constant 0 : i32
      %dma_wait3A_110 = tpu.memref_slice %arg10[%add3A_10, %dma_wait3A_109] : memref<10240x128xf32, #tpu.memory_space<vmem_shared>> -> memref<128x128xf32, #tpu.memory_space<vmem_shared>>
      tpu.wait_dma2 semaphore(%run_scoped3A_102 : memref<!tpu.dma_semaphore, #tpu.memory_space<semaphore_mem>>) src(%arg8 : memref<128x128xf32, #tpu.memory_space<vmem>>) dst(%dma_wait3A_110 : memref<128x128xf32, #tpu.memory_space<vmem_shared>>)
      tpu.yield
    }) : () -> ()
    %add3A_11 = arith.constant 256 : i32
    %add3A_12 = arith.addi %mul3A_6, %add3A_11 : i32
    "tpu.region"() ({
      %run_scoped3A_102 = tpu.sem_alloc : memref<!tpu.dma_semaphore, #tpu.memory_space<semaphore_mem>>
      %dma_start3A_103 = arith.constant 0 : i32
      %dma_start3A_104 = tpu.memref_slice %arg10[%add3A_12, %dma_start3A_103] : memref<10240x128xf32, #tpu.memory_space<vmem_shared>> -> memref<128x128xf32, #tpu.memory_space<vmem_shared>>
      %dma_start3A_105 = arith.constant 0 : i32
      %dma_start3A_106 = tpu.memref_slice %arg10[%add3A_12, %dma_start3A_105] : memref<10240x128xf32, #tpu.memory_space<vmem_shared>> -> memref<128x128xf32, #tpu.memory_space<vmem_shared>>
      tpu.enqueue_dma source(%arg8 : memref<128x128xf32, #tpu.memory_space<vmem>>) target(%dma_start3A_106 : memref<128x128xf32, #tpu.memory_space<vmem_shared>>) target_semaphore(%run_scoped3A_102 : memref<!tpu.dma_semaphore, #tpu.memory_space<semaphore_mem>>)
      %dma_wait3A_107 = arith.constant 0 : i32
      %dma_wait3A_108 = tpu.memref_slice %arg10[%add3A_12, %dma_wait3A_107] : memref<10240x128xf32, #tpu.memory_space<vmem_shared>> -> memref<128x128xf32, #tpu.memory_space<vmem_shared>>
      %dma_wait3A_109 = arith.constant 0 : i32
      %dma_wait3A_110 = tpu.memref_slice %arg10[%add3A_12, %dma_wait3A_109] : memref<10240x128xf32, #tpu.memory_space<vmem_shared>> -> memref<128x128xf32, #tpu.memory_space<vmem_shared>>
      tpu.wait_dma2 semaphore(%run_scoped3A_102 : memref<!tpu.dma_semaphore, #tpu.memory_space<semaphore_mem>>) src(%arg8 : memref<128x128xf32, #tpu.memory_space<vmem>>) dst(%dma_wait3A_110 : memref<128x128xf32, #tpu.memory_space<vmem_shared>>)
      tpu.yield
    }) : () -> ()
    %add3A_13 = arith.constant 384 : i32
    %add3A_14 = arith.addi %mul3A_6, %add3A_13 : i32
    "tpu.region"() ({
      %run_scoped3A_102 = tpu.sem_alloc : memref<!tpu.dma_semaphore, #tpu.memory_space<semaphore_mem>>
      %dma_start3A_103 = arith.constant 0 : i32
      %dma_start3A_104 = tpu.memref_slice %arg10[%add3A_14, %dma_start3A_103] : memref<10240x128xf32, #tpu.memory_space<vmem_shared>> -> memref<128x128xf32, #tpu.memory_space<vmem_shared>>
      %dma_start3A_105 = arith.constant 0 : i32
      %dma_start3A_106 = tpu.memref_slice %arg10[%add3A_14, %dma_start3A_105] : memref<10240x128xf32, #tpu.memory_space<vmem_shared>> -> memref<128x128xf32, #tpu.memory_space<vmem_shared>>
      tpu.enqueue_dma source(%arg8 : memref<128x128xf32, #tpu.memory_space<vmem>>) target(%dma_start3A_106 : memref<128x128xf32, #tpu.memory_space<vmem_shared>>) target_semaphore(%run_scoped3A_102 : memref<!tpu.dma_semaphore, #tpu.memory_space<semaphore_mem>>)
      %dma_wait3A_107 = arith.constant 0 : i32
      %dma_wait3A_108 = tpu.memref_slice %arg10[%add3A_14, %dma_wait3A_107] : memref<10240x128xf32, #tpu.memory_space<vmem_shared>> -> memref<128x128xf32, #tpu.memory_space<vmem_shared>>
      %dma_wait3A_109 = arith.constant 0 : i32
      %dma_wait3A_110 = tpu.memref_slice %arg10[%add3A_14, %dma_wait3A_109] : memref<10240x128xf32, #tpu.memory_space<vmem_shared>> -> memref<128x128xf32, #tpu.memory_space<vmem_shared>>
      tpu.wait_dma2 semaphore(%run_scoped3A_102 : memref<!tpu.dma_semaphore, #tpu.memory_space<semaphore_mem>>) src(%arg8 : memref<128x128xf32, #tpu.memory_space<vmem>>) dst(%dma_wait3A_110 : memref<128x128xf32, #tpu.memory_space<vmem_shared>>)
      tpu.yield
    }) : () -> ()
    %add3A_15 = arith.constant 512 : i32
    %add3A_16 = arith.addi %mul3A_6, %add3A_15 : i32
    "tpu.region"() ({
      %run_scoped3A_102 = tpu.sem_alloc : memref<!tpu.dma_semaphore, #tpu.memory_space<semaphore_mem>>
      %dma_start3A_103 = arith.constant 0 : i32
      %dma_start3A_104 = tpu.memref_slice %arg10[%add3A_16, %dma_start3A_103] : memref<10240x128xf32, #tpu.memory_space<vmem_shared>> -> memref<128x128xf32, #tpu.memory_space<vmem_shared>>
      %dma_start3A_105 = arith.constant 0 : i32
      %dma_start3A_106 = tpu.memref_slice %arg10[%add3A_16, %dma_start3A_105] : memref<10240x128xf32, #tpu.memory_space<vmem_shared>> -> memref<128x128xf32, #tpu.memory_space<vmem_shared>>
      tpu.enqueue_dma source(%arg8 : memref<128x128xf32, #tpu.memory_space<vmem>>) target(%dma_start3A_106 : memref<128x128xf32, #tpu.memory_space<vmem_shared>>) target_semaphore(%run_scoped3A_102 : memref<!tpu.dma_semaphore, #tpu.memory_space<semaphore_mem>>)
      %dma_wait3A_107 = arith.constant 0 : i32
      %dma_wait3A_108 = tpu.memref_slice %arg10[%add3A_16, %dma_wait3A_107] : memref<10240x128xf32, #tpu.memory_space<vmem_shared>> -> memref<128x128xf32, #tpu.memory_space<vmem_shared>>
      %dma_wait3A_109 = arith.constant 0 : i32
      %dma_wait3A_110 = tpu.memref_slice %arg10[%add3A_16, %dma_wait3A_109] : memref<10240x128xf32, #tpu.memory_space<vmem_shared>> -> memref<128x128xf32, #tpu.memory_space<vmem_shared>>
      tpu.wait_dma2 semaphore(%run_scoped3A_102 : memref<!tpu.dma_semaphore, #tpu.memory_space<semaphore_mem>>) src(%arg8 : memref<128x128xf32, #tpu.memory_space<vmem>>) dst(%dma_wait3A_110 : memref<128x128xf32, #tpu.memory_space<vmem_shared>>)
      tpu.yield
    }) : () -> ()
    %barrier3A = arith.constant 0 : index
    tpu.barrier barrier_id(%barrier3A)
    %dma_start3A = arith.constant 0 : i32
    %dma_start3A_17 = arith.constant 0 : i32
    %dma_start3A_18 = tpu.memref_slice %arg3[%add3A, %dma_start3A, %dma_start3A_17] : memref<32x40x128xi32, #tpu.memory_space<hbm>> -> memref<1x40x128xi32, #tpu.memory_space<hbm>>
    %dma_start3A_19 = tpu.memref_squeeze %dma_start3A_18 : memref<1x40x128xi32, #tpu.memory_space<hbm>> -> memref<40x128xi32, #tpu.memory_space<hbm>>
    %dma_start3A_20 = arith.constant 0 : i32
    %dma_start3A_21 = arith.constant 0 : i32
    %dma_start3A_22 = tpu.memref_slice %arg3[%add3A, %dma_start3A_20, %dma_start3A_21] : memref<32x40x128xi32, #tpu.memory_space<hbm>> -> memref<1x40x128xi32, #tpu.memory_space<hbm>>
    %dma_start3A_23 = tpu.memref_squeeze %dma_start3A_22 : memref<1x40x128xi32, #tpu.memory_space<hbm>> -> memref<40x128xi32, #tpu.memory_space<hbm>>
    tpu.enqueue_dma source(%dma_start3A_23 : memref<40x128xi32, #tpu.memory_space<hbm>>) target(%arg6 : memref<40x128xi32, #tpu.memory_space<vmem>>) target_semaphore(%arg11 : memref<!tpu.dma_semaphore, #tpu.memory_space<semaphore_mem>>)
    %dma_start3A_24 = arith.constant 0 : i32
    %dma_start3A_25 = arith.constant 0 : i32
    %dma_start3A_26 = tpu.memref_slice %arg4[%add3A, %dma_start3A_24, %dma_start3A_25] : memref<32x40x128xi32, #tpu.memory_space<hbm>> -> memref<1x40x128xi32, #tpu.memory_space<hbm>>
    %dma_start3A_27 = tpu.memref_squeeze %dma_start3A_26 : memref<1x40x128xi32, #tpu.memory_space<hbm>> -> memref<40x128xi32, #tpu.memory_space<hbm>>
    %dma_start3A_28 = arith.constant 0 : i32
    %dma_start3A_29 = arith.constant 0 : i32
    %dma_start3A_30 = tpu.memref_slice %arg4[%add3A, %dma_start3A_28, %dma_start3A_29] : memref<32x40x128xi32, #tpu.memory_space<hbm>> -> memref<1x40x128xi32, #tpu.memory_space<hbm>>
    %dma_start3A_31 = tpu.memref_squeeze %dma_start3A_30 : memref<1x40x128xi32, #tpu.memory_space<hbm>> -> memref<40x128xi32, #tpu.memory_space<hbm>>
    tpu.enqueue_dma source(%dma_start3A_31 : memref<40x128xi32, #tpu.memory_space<hbm>>) target(%arg7 : memref<40x128xi32, #tpu.memory_space<vmem>>) target_semaphore(%arg11 : memref<!tpu.dma_semaphore, #tpu.memory_space<semaphore_mem>>)
    %dma_wait3A = arith.constant 0 : i32
    %dma_wait3A_32 = arith.constant 0 : i32
    %dma_wait3A_33 = tpu.memref_slice %arg3[%add3A, %dma_wait3A, %dma_wait3A_32] : memref<32x40x128xi32, #tpu.memory_space<hbm>> -> memref<1x40x128xi32, #tpu.memory_space<hbm>>
    %dma_wait3A_34 = tpu.memref_squeeze %dma_wait3A_33 : memref<1x40x128xi32, #tpu.memory_space<hbm>> -> memref<40x128xi32, #tpu.memory_space<hbm>>
    %dma_wait3A_35 = arith.constant 0 : i32
    %dma_wait3A_36 = arith.constant 0 : i32
    %dma_wait3A_37 = tpu.memref_slice %arg3[%add3A, %dma_wait3A_35, %dma_wait3A_36] : memref<32x40x128xi32, #tpu.memory_space<hbm>> -> memref<1x40x128xi32, #tpu.memory_space<hbm>>
    %dma_wait3A_38 = tpu.memref_squeeze %dma_wait3A_37 : memref<1x40x128xi32, #tpu.memory_space<hbm>> -> memref<40x128xi32, #tpu.memory_space<hbm>>
    tpu.wait_dma2 semaphore(%arg11 : memref<!tpu.dma_semaphore, #tpu.memory_space<semaphore_mem>>) src(%dma_wait3A_38 : memref<40x128xi32, #tpu.memory_space<hbm>>) dst(%arg6 : memref<40x128xi32, #tpu.memory_space<vmem>>)
    %dma_wait3A_39 = arith.constant 0 : i32
    %dma_wait3A_40 = arith.constant 0 : i32
    %dma_wait3A_41 = tpu.memref_slice %arg4[%add3A, %dma_wait3A_39, %dma_wait3A_40] : memref<32x40x128xi32, #tpu.memory_space<hbm>> -> memref<1x40x128xi32, #tpu.memory_space<hbm>>
    %dma_wait3A_42 = tpu.memref_squeeze %dma_wait3A_41 : memref<1x40x128xi32, #tpu.memory_space<hbm>> -> memref<40x128xi32, #tpu.memory_space<hbm>>
    %dma_wait3A_43 = arith.constant 0 : i32
    %dma_wait3A_44 = arith.constant 0 : i32
    %dma_wait3A_45 = tpu.memref_slice %arg4[%add3A, %dma_wait3A_43, %dma_wait3A_44] : memref<32x40x128xi32, #tpu.memory_space<hbm>> -> memref<1x40x128xi32, #tpu.memory_space<hbm>>
    %dma_wait3A_46 = tpu.memref_squeeze %dma_wait3A_45 : memref<1x40x128xi32, #tpu.memory_space<hbm>> -> memref<40x128xi32, #tpu.memory_space<hbm>>
    tpu.wait_dma2 semaphore(%arg11 : memref<!tpu.dma_semaphore, #tpu.memory_space<semaphore_mem>>) src(%dma_wait3A_46 : memref<40x128xi32, #tpu.memory_space<hbm>>) dst(%arg7 : memref<40x128xi32, #tpu.memory_space<vmem>>)
    %dma_start3A_47 = arith.constant 0 : i32
    %dma_start3A_48 = arith.constant 0 : i32
    %dma_start3A_49 = tpu.memref_slice %arg6[%dma_start3A_47, %dma_start3A_48] : memref<40x128xi32, #tpu.memory_space<vmem>> -> memref<1x128xi32, #tpu.memory_space<vmem>>
    %dma_start3A_50 = tpu.memref_squeeze %dma_start3A_49 : memref<1x128xi32, #tpu.memory_space<vmem>> -> memref<128xi32, #tpu.memory_space<vmem>>
    %dma_start3A_51 = arith.constant 0 : i32
    %dma_start3A_52 = arith.constant 0 : i32
    %dma_start3A_53 = tpu.memref_slice %arg2[%dma_start3A_51, %dma_start3A_52] : memref<10000x128xf32, #tpu.memory_space<hbm>> -> memref<10000x128xf32, #tpu.memory_space<hbm>>
    tpu.enqueue_indirect_dma source(%dma_start3A_53 : memref<10000x128xf32, #tpu.memory_space<hbm>>) target(%arg8 : memref<128x128xf32, #tpu.memory_space<vmem>>) offsets(%dma_start3A_50 : memref<128xi32, #tpu.memory_space<vmem>>) semaphore(%arg11 : memref<!tpu.dma_semaphore, #tpu.memory_space<semaphore_mem>>)
    %scan3A_54 = arith.constant 0 : i32
    %scan3A_55 = arith.constant 19 : i32
    %scan3A_56 = arith.addi %scan3A_54, %scan3A_55 : i32
    %scan3A_57 = arith.constant 1 : i32
    scf.for %scan3A_102 = %scan3A_54 to %scan3A_56 step %scan3A_57  : i32 {
      %mul3A_103 = arith.constant 1 : i32
      %mul3A_104 = arith.muli %scan3A_102, %mul3A_103 : i32
      %add3A_105 = arith.constant 0 : i32
      %add3A_106 = arith.addi %add3A_105, %mul3A_104 : i32
      %mul3A_107 = arith.constant 2 : i32
      %mul3A_108 = arith.muli %mul3A_107, %add3A_106 : i32
      %dma_wait3A_109 = arith.constant 0 : i32
      %dma_wait3A_110 = tpu.memref_slice %arg6[%mul3A_108, %dma_wait3A_109] : memref<40x128xi32, #tpu.memory_space<vmem>> -> memref<1x128xi32, #tpu.memory_space<vmem>>
      %dma_wait3A_111 = tpu.memref_squeeze %dma_wait3A_110 : memref<1x128xi32, #tpu.memory_space<vmem>> -> memref<128xi32, #tpu.memory_space<vmem>>
      %dma_wait3A_112 = arith.constant 0 : i32
      %dma_wait3A_113 = arith.constant 0 : i32
      %dma_wait3A_114 = tpu.memref_slice %arg2[%dma_wait3A_112, %dma_wait3A_113] : memref<10000x128xf32, #tpu.memory_space<hbm>> -> memref<10000x128xf32, #tpu.memory_space<hbm>>
      tpu.wait_indirect_dma semaphore(%arg11 : memref<!tpu.dma_semaphore, #tpu.memory_space<semaphore_mem>>) src(%dma_wait3A_114 : memref<10000x128xf32, #tpu.memory_space<hbm>>) dst(%arg8 : memref<128x128xf32, #tpu.memory_space<vmem>>)
      %add3A_115 = arith.constant 1 : i32
      %add3A_116 = arith.addi %mul3A_108, %add3A_115 : i32
      %dma_start3A_117 = arith.constant 0 : i32
      %dma_start3A_118 = tpu.memref_slice %arg6[%add3A_116, %dma_start3A_117] : memref<40x128xi32, #tpu.memory_space<vmem>> -> memref<1x128xi32, #tpu.memory_space<vmem>>
      %dma_start3A_119 = tpu.memref_squeeze %dma_start3A_118 : memref<1x128xi32, #tpu.memory_space<vmem>> -> memref<128xi32, #tpu.memory_space<vmem>>
      %dma_start3A_120 = arith.constant 0 : i32
      %dma_start3A_121 = arith.constant 0 : i32
      %dma_start3A_122 = tpu.memref_slice %arg2[%dma_start3A_120, %dma_start3A_121] : memref<10000x128xf32, #tpu.memory_space<hbm>> -> memref<10000x128xf32, #tpu.memory_space<hbm>>
      tpu.enqueue_indirect_dma source(%dma_start3A_122 : memref<10000x128xf32, #tpu.memory_space<hbm>>) target(%arg9 : memref<128x128xf32, #tpu.memory_space<vmem>>) offsets(%dma_start3A_119 : memref<128xi32, #tpu.memory_space<vmem>>) semaphore(%arg11 : memref<!tpu.dma_semaphore, #tpu.memory_space<semaphore_mem>>)
      "tpu.region"() ({
        %run_scoped3A_141 = tpu.sem_alloc : memref<!tpu.dma_semaphore, #tpu.memory_space<semaphore_mem>>
        %dma_start3A_142 = arith.constant 0 : i32
        %dma_start3A_143 = tpu.memref_slice %arg7[%mul3A_108, %dma_start3A_142] : memref<40x128xi32, #tpu.memory_space<vmem>> -> memref<1x128xi32, #tpu.memory_space<vmem>>
        %dma_start3A_144 = tpu.memref_squeeze %dma_start3A_143 : memref<1x128xi32, #tpu.memory_space<vmem>> -> memref<128xi32, #tpu.memory_space<vmem>>
        %dma_start3A_145 = arith.constant 0 : i32
        %dma_start3A_146 = arith.constant 0 : i32
        %dma_start3A_147 = tpu.memref_slice %arg10[%dma_start3A_145, %dma_start3A_146] : memref<10240x128xf32, #tpu.memory_space<vmem_shared>> -> memref<10240x128xf32, #tpu.memory_space<vmem_shared>>
        tpu.enqueue_indirect_dma source(%arg8 : memref<128x128xf32, #tpu.memory_space<vmem>>) target(%dma_start3A_147 : memref<10240x128xf32, #tpu.memory_space<vmem_shared>>) offsets(%dma_start3A_144 : memref<128xi32, #tpu.memory_space<vmem>>) semaphore(%run_scoped3A_141 : memref<!tpu.dma_semaphore, #tpu.memory_space<semaphore_mem>>) {add = true}
        %dma_wait3A_148 = arith.constant 0 : i32
        %dma_wait3A_149 = tpu.memref_slice %arg7[%mul3A_108, %dma_wait3A_148] : memref<40x128xi32, #tpu.memory_space<vmem>> -> memref<1x128xi32, #tpu.memory_space<vmem>>
        %dma_wait3A_150 = tpu.memref_squeeze %dma_wait3A_149 : memref<1x128xi32, #tpu.memory_space<vmem>> -> memref<128xi32, #tpu.memory_space<vmem>>
        %dma_wait3A_151 = arith.constant 0 : i32
        %dma_wait3A_152 = arith.constant 0 : i32
        %dma_wait3A_153 = tpu.memref_slice %arg10[%dma_wait3A_151, %dma_wait3A_152] : memref<10240x128xf32, #tpu.memory_space<vmem_shared>> -> memref<10240x128xf32, #tpu.memory_space<vmem_shared>>
        tpu.wait_indirect_dma semaphore(%run_scoped3A_141 : memref<!tpu.dma_semaphore, #tpu.memory_space<semaphore_mem>>) src(%arg8 : memref<128x128xf32, #tpu.memory_space<vmem>>) dst(%dma_wait3A_153 : memref<10240x128xf32, #tpu.memory_space<vmem_shared>>)
        tpu.yield
      }) : () -> ()
      %add3A_123 = arith.constant 1 : i32
      %add3A_124 = arith.addi %mul3A_108, %add3A_123 : i32
      %dma_wait3A_125 = arith.constant 0 : i32
      %dma_wait3A_126 = tpu.memref_slice %arg6[%add3A_124, %dma_wait3A_125] : memref<40x128xi32, #tpu.memory_space<vmem>> -> memref<1x128xi32, #tpu.memory_space<vmem>>
      %dma_wait3A_127 = tpu.memref_squeeze %dma_wait3A_126 : memref<1x128xi32, #tpu.memory_space<vmem>> -> memref<128xi32, #tpu.memory_space<vmem>>
      %dma_wait3A_128 = arith.constant 0 : i32
      %dma_wait3A_129 = arith.constant 0 : i32
      %dma_wait3A_130 = tpu.memref_slice %arg2[%dma_wait3A_128, %dma_wait3A_129] : memref<10000x128xf32, #tpu.memory_space<hbm>> -> memref<10000x128xf32, #tpu.memory_space<hbm>>
      tpu.wait_indirect_dma semaphore(%arg11 : memref<!tpu.dma_semaphore, #tpu.memory_space<semaphore_mem>>) src(%dma_wait3A_130 : memref<10000x128xf32, #tpu.memory_space<hbm>>) dst(%arg9 : memref<128x128xf32, #tpu.memory_space<vmem>>)
      %add3A_131 = arith.constant 2 : i32
      %add3A_132 = arith.addi %mul3A_108, %add3A_131 : i32
      %dma_start3A_133 = arith.constant 0 : i32
      %dma_start3A_134 = tpu.memref_slice %arg6[%add3A_132, %dma_start3A_133] : memref<40x128xi32, #tpu.memory_space<vmem>> -> memref<1x128xi32, #tpu.memory_space<vmem>>
      %dma_start3A_135 = tpu.memref_squeeze %dma_start3A_134 : memref<1x128xi32, #tpu.memory_space<vmem>> -> memref<128xi32, #tpu.memory_space<vmem>>
      %dma_start3A_136 = arith.constant 0 : i32
      %dma_start3A_137 = arith.constant 0 : i32
      %dma_start3A_138 = tpu.memref_slice %arg2[%dma_start3A_136, %dma_start3A_137] : memref<10000x128xf32, #tpu.memory_space<hbm>> -> memref<10000x128xf32, #tpu.memory_space<hbm>>
      tpu.enqueue_indirect_dma source(%dma_start3A_138 : memref<10000x128xf32, #tpu.memory_space<hbm>>) target(%arg8 : memref<128x128xf32, #tpu.memory_space<vmem>>) offsets(%dma_start3A_135 : memref<128xi32, #tpu.memory_space<vmem>>) semaphore(%arg11 : memref<!tpu.dma_semaphore, #tpu.memory_space<semaphore_mem>>)
      %add3A_139 = arith.constant 1 : i32
      %add3A_140 = arith.addi %mul3A_108, %add3A_139 : i32
      "tpu.region"() ({
        %run_scoped3A_141 = tpu.sem_alloc : memref<!tpu.dma_semaphore, #tpu.memory_space<semaphore_mem>>
        %dma_start3A_142 = arith.constant 0 : i32
        %dma_start3A_143 = tpu.memref_slice %arg7[%add3A_140, %dma_start3A_142] : memref<40x128xi32, #tpu.memory_space<vmem>> -> memref<1x128xi32, #tpu.memory_space<vmem>>
        %dma_start3A_144 = tpu.memref_squeeze %dma_start3A_143 : memref<1x128xi32, #tpu.memory_space<vmem>> -> memref<128xi32, #tpu.memory_space<vmem>>
        %dma_start3A_145 = arith.constant 0 : i32
        %dma_start3A_146 = arith.constant 0 : i32
        %dma_start3A_147 = tpu.memref_slice %arg10[%dma_start3A_145, %dma_start3A_146] : memref<10240x128xf32, #tpu.memory_space<vmem_shared>> -> memref<10240x128xf32, #tpu.memory_space<vmem_shared>>
        tpu.enqueue_indirect_dma source(%arg9 : memref<128x128xf32, #tpu.memory_space<vmem>>) target(%dma_start3A_147 : memref<10240x128xf32, #tpu.memory_space<vmem_shared>>) offsets(%dma_start3A_144 : memref<128xi32, #tpu.memory_space<vmem>>) semaphore(%run_scoped3A_141 : memref<!tpu.dma_semaphore, #tpu.memory_space<semaphore_mem>>) {add = true}
        %dma_wait3A_148 = arith.constant 0 : i32
        %dma_wait3A_149 = tpu.memref_slice %arg7[%add3A_140, %dma_wait3A_148] : memref<40x128xi32, #tpu.memory_space<vmem>> -> memref<1x128xi32, #tpu.memory_space<vmem>>
        %dma_wait3A_150 = tpu.memref_squeeze %dma_wait3A_149 : memref<1x128xi32, #tpu.memory_space<vmem>> -> memref<128xi32, #tpu.memory_space<vmem>>
        %dma_wait3A_151 = arith.constant 0 : i32
        %dma_wait3A_152 = arith.constant 0 : i32
        %dma_wait3A_153 = tpu.memref_slice %arg10[%dma_wait3A_151, %dma_wait3A_152] : memref<10240x128xf32, #tpu.memory_space<vmem_shared>> -> memref<10240x128xf32, #tpu.memory_space<vmem_shared>>
        tpu.wait_indirect_dma semaphore(%run_scoped3A_141 : memref<!tpu.dma_semaphore, #tpu.memory_space<semaphore_mem>>) src(%arg9 : memref<128x128xf32, #tpu.memory_space<vmem>>) dst(%dma_wait3A_153 : memref<10240x128xf32, #tpu.memory_space<vmem_shared>>)
        tpu.yield
      }) : () -> ()
    }
    %scan3A_58 = arith.constant 19 : i32
    %dma_wait3A_59 = arith.constant 38 : i32
    %dma_wait3A_60 = arith.constant 0 : i32
    %dma_wait3A_61 = tpu.memref_slice %arg6[%dma_wait3A_59, %dma_wait3A_60] : memref<40x128xi32, #tpu.memory_space<vmem>> -> memref<1x128xi32, #tpu.memory_space<vmem>>
    %dma_wait3A_62 = tpu.memref_squeeze %dma_wait3A_61 : memref<1x128xi32, #tpu.memory_space<vmem>> -> memref<128xi32, #tpu.memory_space<vmem>>
    %dma_wait3A_63 = arith.constant 0 : i32
    %dma_wait3A_64 = arith.constant 0 : i32
    %dma_wait3A_65 = tpu.memref_slice %arg2[%dma_wait3A_63, %dma_wait3A_64] : memref<10000x128xf32, #tpu.memory_space<hbm>> -> memref<10000x128xf32, #tpu.memory_space<hbm>>
    tpu.wait_indirect_dma semaphore(%arg11 : memref<!tpu.dma_semaphore, #tpu.memory_space<semaphore_mem>>) src(%dma_wait3A_65 : memref<10000x128xf32, #tpu.memory_space<hbm>>) dst(%arg8 : memref<128x128xf32, #tpu.memory_space<vmem>>)
    %dma_start3A_66 = arith.constant 39 : i32
    %dma_start3A_67 = arith.constant 0 : i32
    %dma_start3A_68 = tpu.memref_slice %arg6[%dma_start3A_66, %dma_start3A_67] : memref<40x128xi32, #tpu.memory_space<vmem>> -> memref<1x128xi32, #tpu.memory_space<vmem>>
    %dma_start3A_69 = tpu.memref_squeeze %dma_start3A_68 : memref<1x128xi32, #tpu.memory_space<vmem>> -> memref<128xi32, #tpu.memory_space<vmem>>
    %dma_start3A_70 = arith.constant 0 : i32
    %dma_start3A_71 = arith.constant 0 : i32
    %dma_start3A_72 = tpu.memref_slice %arg2[%dma_start3A_70, %dma_start3A_71] : memref<10000x128xf32, #tpu.memory_space<hbm>> -> memref<10000x128xf32, #tpu.memory_space<hbm>>
    tpu.enqueue_indirect_dma source(%dma_start3A_72 : memref<10000x128xf32, #tpu.memory_space<hbm>>) target(%arg9 : memref<128x128xf32, #tpu.memory_space<vmem>>) offsets(%dma_start3A_69 : memref<128xi32, #tpu.memory_space<vmem>>) semaphore(%arg11 : memref<!tpu.dma_semaphore, #tpu.memory_space<semaphore_mem>>)
    %run_scoped3A = arith.constant 38 : i32
    "tpu.region"() ({
      %run_scoped3A_102 = tpu.sem_alloc : memref<!tpu.dma_semaphore, #tpu.memory_space<semaphore_mem>>
      %dma_start3A_103 = arith.constant 0 : i32
      %dma_start3A_104 = tpu.memref_slice %arg7[%run_scoped3A, %dma_start3A_103] : memref<40x128xi32, #tpu.memory_space<vmem>> -> memref<1x128xi32, #tpu.memory_space<vmem>>
      %dma_start3A_105 = tpu.memref_squeeze %dma_start3A_104 : memref<1x128xi32, #tpu.memory_space<vmem>> -> memref<128xi32, #tpu.memory_space<vmem>>
      %dma_start3A_106 = arith.constant 0 : i32
      %dma_start3A_107 = arith.constant 0 : i32
      %dma_start3A_108 = tpu.memref_slice %arg10[%dma_start3A_106, %dma_start3A_107] : memref<10240x128xf32, #tpu.memory_space<vmem_shared>> -> memref<10240x128xf32, #tpu.memory_space<vmem_shared>>
      tpu.enqueue_indirect_dma source(%arg8 : memref<128x128xf32, #tpu.memory_space<vmem>>) target(%dma_start3A_108 : memref<10240x128xf32, #tpu.memory_space<vmem_shared>>) offsets(%dma_start3A_105 : memref<128xi32, #tpu.memory_space<vmem>>) semaphore(%run_scoped3A_102 : memref<!tpu.dma_semaphore, #tpu.memory_space<semaphore_mem>>) {add = true}
      %dma_wait3A_109 = arith.constant 0 : i32
      %dma_wait3A_110 = tpu.memref_slice %arg7[%run_scoped3A, %dma_wait3A_109] : memref<40x128xi32, #tpu.memory_space<vmem>> -> memref<1x128xi32, #tpu.memory_space<vmem>>
      %dma_wait3A_111 = tpu.memref_squeeze %dma_wait3A_110 : memref<1x128xi32, #tpu.memory_space<vmem>> -> memref<128xi32, #tpu.memory_space<vmem>>
      %dma_wait3A_112 = arith.constant 0 : i32
      %dma_wait3A_113 = arith.constant 0 : i32
      %dma_wait3A_114 = tpu.memref_slice %arg10[%dma_wait3A_112, %dma_wait3A_113] : memref<10240x128xf32, #tpu.memory_space<vmem_shared>> -> memref<10240x128xf32, #tpu.memory_space<vmem_shared>>
      tpu.wait_indirect_dma semaphore(%run_scoped3A_102 : memref<!tpu.dma_semaphore, #tpu.memory_space<semaphore_mem>>) src(%arg8 : memref<128x128xf32, #tpu.memory_space<vmem>>) dst(%dma_wait3A_114 : memref<10240x128xf32, #tpu.memory_space<vmem_shared>>)
      tpu.yield
    }) : () -> ()
    %dma_wait3A_73 = arith.constant 39 : i32
    %dma_wait3A_74 = arith.constant 0 : i32
    %dma_wait3A_75 = tpu.memref_slice %arg6[%dma_wait3A_73, %dma_wait3A_74] : memref<40x128xi32, #tpu.memory_space<vmem>> -> memref<1x128xi32, #tpu.memory_space<vmem>>
    %dma_wait3A_76 = tpu.memref_squeeze %dma_wait3A_75 : memref<1x128xi32, #tpu.memory_space<vmem>> -> memref<128xi32, #tpu.memory_space<vmem>>
    %dma_wait3A_77 = arith.constant 0 : i32
    %dma_wait3A_78 = arith.constant 0 : i32
    %dma_wait3A_79 = tpu.memref_slice %arg2[%dma_wait3A_77, %dma_wait3A_78] : memref<10000x128xf32, #tpu.memory_space<hbm>> -> memref<10000x128xf32, #tpu.memory_space<hbm>>
    tpu.wait_indirect_dma semaphore(%arg11 : memref<!tpu.dma_semaphore, #tpu.memory_space<semaphore_mem>>) src(%dma_wait3A_79 : memref<10000x128xf32, #tpu.memory_space<hbm>>) dst(%arg9 : memref<128x128xf32, #tpu.memory_space<vmem>>)
    %run_scoped3A_80 = arith.constant 39 : i32
    "tpu.region"() ({
      %run_scoped3A_102 = tpu.sem_alloc : memref<!tpu.dma_semaphore, #tpu.memory_space<semaphore_mem>>
      %dma_start3A_103 = arith.constant 0 : i32
      %dma_start3A_104 = tpu.memref_slice %arg7[%run_scoped3A_80, %dma_start3A_103] : memref<40x128xi32, #tpu.memory_space<vmem>> -> memref<1x128xi32, #tpu.memory_space<vmem>>
      %dma_start3A_105 = tpu.memref_squeeze %dma_start3A_104 : memref<1x128xi32, #tpu.memory_space<vmem>> -> memref<128xi32, #tpu.memory_space<vmem>>
      %dma_start3A_106 = arith.constant 0 : i32
      %dma_start3A_107 = arith.constant 0 : i32
      %dma_start3A_108 = tpu.memref_slice %arg10[%dma_start3A_106, %dma_start3A_107] : memref<10240x128xf32, #tpu.memory_space<vmem_shared>> -> memref<10240x128xf32, #tpu.memory_space<vmem_shared>>
      tpu.enqueue_indirect_dma source(%arg9 : memref<128x128xf32, #tpu.memory_space<vmem>>) target(%dma_start3A_108 : memref<10240x128xf32, #tpu.memory_space<vmem_shared>>) offsets(%dma_start3A_105 : memref<128xi32, #tpu.memory_space<vmem>>) semaphore(%run_scoped3A_102 : memref<!tpu.dma_semaphore, #tpu.memory_space<semaphore_mem>>) {add = true}
      %dma_wait3A_109 = arith.constant 0 : i32
      %dma_wait3A_110 = tpu.memref_slice %arg7[%run_scoped3A_80, %dma_wait3A_109] : memref<40x128xi32, #tpu.memory_space<vmem>> -> memref<1x128xi32, #tpu.memory_space<vmem>>
      %dma_wait3A_111 = tpu.memref_squeeze %dma_wait3A_110 : memref<1x128xi32, #tpu.memory_space<vmem>> -> memref<128xi32, #tpu.memory_space<vmem>>
      %dma_wait3A_112 = arith.constant 0 : i32
      %dma_wait3A_113 = arith.constant 0 : i32
      %dma_wait3A_114 = tpu.memref_slice %arg10[%dma_wait3A_112, %dma_wait3A_113] : memref<10240x128xf32, #tpu.memory_space<vmem_shared>> -> memref<10240x128xf32, #tpu.memory_space<vmem_shared>>
      tpu.wait_indirect_dma semaphore(%run_scoped3A_102 : memref<!tpu.dma_semaphore, #tpu.memory_space<semaphore_mem>>) src(%arg9 : memref<128x128xf32, #tpu.memory_space<vmem>>) dst(%dma_wait3A_114 : memref<10240x128xf32, #tpu.memory_space<vmem_shared>>)
      tpu.yield
    }) : () -> ()
    %barrier3A_81 = arith.constant 0 : index
    tpu.barrier barrier_id(%barrier3A_81)
    %add3A_82 = arith.constant 0 : i32
    %add3A_83 = arith.addi %mul3A_6, %add3A_82 : i32
    "tpu.region"() ({
      %run_scoped3A_102 = tpu.sem_alloc : memref<!tpu.dma_semaphore, #tpu.memory_space<semaphore_mem>>
      %dma_start3A_103 = arith.constant 0 : i32
      %dma_start3A_104 = tpu.memref_slice %arg10[%add3A_83, %dma_start3A_103] : memref<10240x128xf32, #tpu.memory_space<vmem_shared>> -> memref<128x128xf32, #tpu.memory_space<vmem_shared>>
      %dma_start3A_105 = arith.constant 0 : i32
      %dma_start3A_106 = tpu.memref_slice %arg10[%add3A_83, %dma_start3A_105] : memref<10240x128xf32, #tpu.memory_space<vmem_shared>> -> memref<128x128xf32, #tpu.memory_space<vmem_shared>>
      tpu.enqueue_dma source(%dma_start3A_106 : memref<128x128xf32, #tpu.memory_space<vmem_shared>>) target(%arg8 : memref<128x128xf32, #tpu.memory_space<vmem>>) target_semaphore(%run_scoped3A_102 : memref<!tpu.dma_semaphore, #tpu.memory_space<semaphore_mem>>)
      %dma_wait3A_107 = arith.constant 0 : i32
      %dma_wait3A_108 = tpu.memref_slice %arg10[%add3A_83, %dma_wait3A_107] : memref<10240x128xf32, #tpu.memory_space<vmem_shared>> -> memref<128x128xf32, #tpu.memory_space<vmem_shared>>
      %dma_wait3A_109 = arith.constant 0 : i32
      %dma_wait3A_110 = tpu.memref_slice %arg10[%add3A_83, %dma_wait3A_109] : memref<10240x128xf32, #tpu.memory_space<vmem_shared>> -> memref<128x128xf32, #tpu.memory_space<vmem_shared>>
      tpu.wait_dma2 semaphore(%run_scoped3A_102 : memref<!tpu.dma_semaphore, #tpu.memory_space<semaphore_mem>>) src(%dma_wait3A_110 : memref<128x128xf32, #tpu.memory_space<vmem_shared>>) dst(%arg8 : memref<128x128xf32, #tpu.memory_space<vmem>>)
      tpu.yield
    }) : () -> ()
    %add3A_84 = arith.constant 0 : i32
    %add3A_85 = arith.addi %mul3A_6, %add3A_84 : i32
    "tpu.region"() ({
      %run_scoped3A_102 = tpu.sem_alloc : memref<!tpu.dma_semaphore, #tpu.memory_space<semaphore_mem>>
      %dma_start3A_103 = arith.constant 0 : i32
      %dma_start3A_104 = tpu.memref_slice %arg5[%arg0, %add3A_85, %dma_start3A_103] : memref<2x10240x128xf32, #tpu.memory_space<hbm>> -> memref<1x128x128xf32, #tpu.memory_space<hbm>>
      %dma_start3A_105 = tpu.memref_squeeze %dma_start3A_104 : memref<1x128x128xf32, #tpu.memory_space<hbm>> -> memref<128x128xf32, #tpu.memory_space<hbm>>
      %dma_start3A_106 = arith.constant 0 : i32
      %dma_start3A_107 = tpu.memref_slice %arg5[%arg0, %add3A_85, %dma_start3A_106] : memref<2x10240x128xf32, #tpu.memory_space<hbm>> -> memref<1x128x128xf32, #tpu.memory_space<hbm>>
      %dma_start3A_108 = tpu.memref_squeeze %dma_start3A_107 : memref<1x128x128xf32, #tpu.memory_space<hbm>> -> memref<128x128xf32, #tpu.memory_space<hbm>>
      tpu.enqueue_dma source(%arg8 : memref<128x128xf32, #tpu.memory_space<vmem>>) target(%dma_start3A_108 : memref<128x128xf32, #tpu.memory_space<hbm>>) target_semaphore(%run_scoped3A_102 : memref<!tpu.dma_semaphore, #tpu.memory_space<semaphore_mem>>)
      %dma_wait3A_109 = arith.constant 0 : i32
      %dma_wait3A_110 = tpu.memref_slice %arg5[%arg0, %add3A_85, %dma_wait3A_109] : memref<2x10240x128xf32, #tpu.memory_space<hbm>> -> memref<1x128x128xf32, #tpu.memory_space<hbm>>
      %dma_wait3A_111 = tpu.memref_squeeze %dma_wait3A_110 : memref<1x128x128xf32, #tpu.memory_space<hbm>> -> memref<128x128xf32, #tpu.memory_space<hbm>>
      %dma_wait3A_112 = arith.constant 0 : i32
      %dma_wait3A_113 = tpu.memref_slice %arg5[%arg0, %add3A_85, %dma_wait3A_112] : memref<2x10240x128xf32, #tpu.memory_space<hbm>> -> memref<1x128x128xf32, #tpu.memory_space<hbm>>
      %dma_wait3A_114 = tpu.memref_squeeze %dma_wait3A_113 : memref<1x128x128xf32, #tpu.memory_space<hbm>> -> memref<128x128xf32, #tpu.memory_space<hbm>>
      tpu.wait_dma2 semaphore(%run_scoped3A_102 : memref<!tpu.dma_semaphore, #tpu.memory_space<semaphore_mem>>) src(%arg8 : memref<128x128xf32, #tpu.memory_space<vmem>>) dst(%dma_wait3A_114 : memref<128x128xf32, #tpu.memory_space<hbm>>)
      tpu.yield
    }) : () -> ()
    %add3A_86 = arith.constant 128 : i32
    %add3A_87 = arith.addi %mul3A_6, %add3A_86 : i32
    "tpu.region"() ({
      %run_scoped3A_102 = tpu.sem_alloc : memref<!tpu.dma_semaphore, #tpu.memory_space<semaphore_mem>>
      %dma_start3A_103 = arith.constant 0 : i32
      %dma_start3A_104 = tpu.memref_slice %arg10[%add3A_87, %dma_start3A_103] : memref<10240x128xf32, #tpu.memory_space<vmem_shared>> -> memref<128x128xf32, #tpu.memory_space<vmem_shared>>
      %dma_start3A_105 = arith.constant 0 : i32
      %dma_start3A_106 = tpu.memref_slice %arg10[%add3A_87, %dma_start3A_105] : memref<10240x128xf32, #tpu.memory_space<vmem_shared>> -> memref<128x128xf32, #tpu.memory_space<vmem_shared>>
      tpu.enqueue_dma source(%dma_start3A_106 : memref<128x128xf32, #tpu.memory_space<vmem_shared>>) target(%arg8 : memref<128x128xf32, #tpu.memory_space<vmem>>) target_semaphore(%run_scoped3A_102 : memref<!tpu.dma_semaphore, #tpu.memory_space<semaphore_mem>>)
      %dma_wait3A_107 = arith.constant 0 : i32
      %dma_wait3A_108 = tpu.memref_slice %arg10[%add3A_87, %dma_wait3A_107] : memref<10240x128xf32, #tpu.memory_space<vmem_shared>> -> memref<128x128xf32, #tpu.memory_space<vmem_shared>>
      %dma_wait3A_109 = arith.constant 0 : i32
      %dma_wait3A_110 = tpu.memref_slice %arg10[%add3A_87, %dma_wait3A_109] : memref<10240x128xf32, #tpu.memory_space<vmem_shared>> -> memref<128x128xf32, #tpu.memory_space<vmem_shared>>
      tpu.wait_dma2 semaphore(%run_scoped3A_102 : memref<!tpu.dma_semaphore, #tpu.memory_space<semaphore_mem>>) src(%dma_wait3A_110 : memref<128x128xf32, #tpu.memory_space<vmem_shared>>) dst(%arg8 : memref<128x128xf32, #tpu.memory_space<vmem>>)
      tpu.yield
    }) : () -> ()
    %add3A_88 = arith.constant 128 : i32
    %add3A_89 = arith.addi %mul3A_6, %add3A_88 : i32
    "tpu.region"() ({
      %run_scoped3A_102 = tpu.sem_alloc : memref<!tpu.dma_semaphore, #tpu.memory_space<semaphore_mem>>
      %dma_start3A_103 = arith.constant 0 : i32
      %dma_start3A_104 = tpu.memref_slice %arg5[%arg0, %add3A_89, %dma_start3A_103] : memref<2x10240x128xf32, #tpu.memory_space<hbm>> -> memref<1x128x128xf32, #tpu.memory_space<hbm>>
      %dma_start3A_105 = tpu.memref_squeeze %dma_start3A_104 : memref<1x128x128xf32, #tpu.memory_space<hbm>> -> memref<128x128xf32, #tpu.memory_space<hbm>>
      %dma_start3A_106 = arith.constant 0 : i32
      %dma_start3A_107 = tpu.memref_slice %arg5[%arg0, %add3A_89, %dma_start3A_106] : memref<2x10240x128xf32, #tpu.memory_space<hbm>> -> memref<1x128x128xf32, #tpu.memory_space<hbm>>
      %dma_start3A_108 = tpu.memref_squeeze %dma_start3A_107 : memref<1x128x128xf32, #tpu.memory_space<hbm>> -> memref<128x128xf32, #tpu.memory_space<hbm>>
      tpu.enqueue_dma source(%arg8 : memref<128x128xf32, #tpu.memory_space<vmem>>) target(%dma_start3A_108 : memref<128x128xf32, #tpu.memory_space<hbm>>) target_semaphore(%run_scoped3A_102 : memref<!tpu.dma_semaphore, #tpu.memory_space<semaphore_mem>>)
      %dma_wait3A_109 = arith.constant 0 : i32
      %dma_wait3A_110 = tpu.memref_slice %arg5[%arg0, %add3A_89, %dma_wait3A_109] : memref<2x10240x128xf32, #tpu.memory_space<hbm>> -> memref<1x128x128xf32, #tpu.memory_space<hbm>>
      %dma_wait3A_111 = tpu.memref_squeeze %dma_wait3A_110 : memref<1x128x128xf32, #tpu.memory_space<hbm>> -> memref<128x128xf32, #tpu.memory_space<hbm>>
      %dma_wait3A_112 = arith.constant 0 : i32
      %dma_wait3A_113 = tpu.memref_slice %arg5[%arg0, %add3A_89, %dma_wait3A_112] : memref<2x10240x128xf32, #tpu.memory_space<hbm>> -> memref<1x128x128xf32, #tpu.memory_space<hbm>>
      %dma_wait3A_114 = tpu.memref_squeeze %dma_wait3A_113 : memref<1x128x128xf32, #tpu.memory_space<hbm>> -> memref<128x128xf32, #tpu.memory_space<hbm>>
      tpu.wait_dma2 semaphore(%run_scoped3A_102 : memref<!tpu.dma_semaphore, #tpu.memory_space<semaphore_mem>>) src(%arg8 : memref<128x128xf32, #tpu.memory_space<vmem>>) dst(%dma_wait3A_114 : memref<128x128xf32, #tpu.memory_space<hbm>>)
      tpu.yield
    }) : () -> ()
    %add3A_90 = arith.constant 256 : i32
    %add3A_91 = arith.addi %mul3A_6, %add3A_90 : i32
    "tpu.region"() ({
      %run_scoped3A_102 = tpu.sem_alloc : memref<!tpu.dma_semaphore, #tpu.memory_space<semaphore_mem>>
      %dma_start3A_103 = arith.constant 0 : i32
      %dma_start3A_104 = tpu.memref_slice %arg10[%add3A_91, %dma_start3A_103] : memref<10240x128xf32, #tpu.memory_space<vmem_shared>> -> memref<128x128xf32, #tpu.memory_space<vmem_shared>>
      %dma_start3A_105 = arith.constant 0 : i32
      %dma_start3A_106 = tpu.memref_slice %arg10[%add3A_91, %dma_start3A_105] : memref<10240x128xf32, #tpu.memory_space<vmem_shared>> -> memref<128x128xf32, #tpu.memory_space<vmem_shared>>
      tpu.enqueue_dma source(%dma_start3A_106 : memref<128x128xf32, #tpu.memory_space<vmem_shared>>) target(%arg8 : memref<128x128xf32, #tpu.memory_space<vmem>>) target_semaphore(%run_scoped3A_102 : memref<!tpu.dma_semaphore, #tpu.memory_space<semaphore_mem>>)
      %dma_wait3A_107 = arith.constant 0 : i32
      %dma_wait3A_108 = tpu.memref_slice %arg10[%add3A_91, %dma_wait3A_107] : memref<10240x128xf32, #tpu.memory_space<vmem_shared>> -> memref<128x128xf32, #tpu.memory_space<vmem_shared>>
      %dma_wait3A_109 = arith.constant 0 : i32
      %dma_wait3A_110 = tpu.memref_slice %arg10[%add3A_91, %dma_wait3A_109] : memref<10240x128xf32, #tpu.memory_space<vmem_shared>> -> memref<128x128xf32, #tpu.memory_space<vmem_shared>>
      tpu.wait_dma2 semaphore(%run_scoped3A_102 : memref<!tpu.dma_semaphore, #tpu.memory_space<semaphore_mem>>) src(%dma_wait3A_110 : memref<128x128xf32, #tpu.memory_space<vmem_shared>>) dst(%arg8 : memref<128x128xf32, #tpu.memory_space<vmem>>)
      tpu.yield
    }) : () -> ()
    %add3A_92 = arith.constant 256 : i32
    %add3A_93 = arith.addi %mul3A_6, %add3A_92 : i32
    "tpu.region"() ({
      %run_scoped3A_102 = tpu.sem_alloc : memref<!tpu.dma_semaphore, #tpu.memory_space<semaphore_mem>>
      %dma_start3A_103 = arith.constant 0 : i32
      %dma_start3A_104 = tpu.memref_slice %arg5[%arg0, %add3A_93, %dma_start3A_103] : memref<2x10240x128xf32, #tpu.memory_space<hbm>> -> memref<1x128x128xf32, #tpu.memory_space<hbm>>
      %dma_start3A_105 = tpu.memref_squeeze %dma_start3A_104 : memref<1x128x128xf32, #tpu.memory_space<hbm>> -> memref<128x128xf32, #tpu.memory_space<hbm>>
      %dma_start3A_106 = arith.constant 0 : i32
      %dma_start3A_107 = tpu.memref_slice %arg5[%arg0, %add3A_93, %dma_start3A_106] : memref<2x10240x128xf32, #tpu.memory_space<hbm>> -> memref<1x128x128xf32, #tpu.memory_space<hbm>>
      %dma_start3A_108 = tpu.memref_squeeze %dma_start3A_107 : memref<1x128x128xf32, #tpu.memory_space<hbm>> -> memref<128x128xf32, #tpu.memory_space<hbm>>
      tpu.enqueue_dma source(%arg8 : memref<128x128xf32, #tpu.memory_space<vmem>>) target(%dma_start3A_108 : memref<128x128xf32, #tpu.memory_space<hbm>>) target_semaphore(%run_scoped3A_102 : memref<!tpu.dma_semaphore, #tpu.memory_space<semaphore_mem>>)
      %dma_wait3A_109 = arith.constant 0 : i32
      %dma_wait3A_110 = tpu.memref_slice %arg5[%arg0, %add3A_93, %dma_wait3A_109] : memref<2x10240x128xf32, #tpu.memory_space<hbm>> -> memref<1x128x128xf32, #tpu.memory_space<hbm>>
      %dma_wait3A_111 = tpu.memref_squeeze %dma_wait3A_110 : memref<1x128x128xf32, #tpu.memory_space<hbm>> -> memref<128x128xf32, #tpu.memory_space<hbm>>
      %dma_wait3A_112 = arith.constant 0 : i32
      %dma_wait3A_113 = tpu.memref_slice %arg5[%arg0, %add3A_93, %dma_wait3A_112] : memref<2x10240x128xf32, #tpu.memory_space<hbm>> -> memref<1x128x128xf32, #tpu.memory_space<hbm>>
      %dma_wait3A_114 = tpu.memref_squeeze %dma_wait3A_113 : memref<1x128x128xf32, #tpu.memory_space<hbm>> -> memref<128x128xf32, #tpu.memory_space<hbm>>
      tpu.wait_dma2 semaphore(%run_scoped3A_102 : memref<!tpu.dma_semaphore, #tpu.memory_space<semaphore_mem>>) src(%arg8 : memref<128x128xf32, #tpu.memory_space<vmem>>) dst(%dma_wait3A_114 : memref<128x128xf32, #tpu.memory_space<hbm>>)
      tpu.yield
    }) : () -> ()
    %add3A_94 = arith.constant 384 : i32
    %add3A_95 = arith.addi %mul3A_6, %add3A_94 : i32
    "tpu.region"() ({
      %run_scoped3A_102 = tpu.sem_alloc : memref<!tpu.dma_semaphore, #tpu.memory_space<semaphore_mem>>
      %dma_start3A_103 = arith.constant 0 : i32
      %dma_start3A_104 = tpu.memref_slice %arg10[%add3A_95, %dma_start3A_103] : memref<10240x128xf32, #tpu.memory_space<vmem_shared>> -> memref<128x128xf32, #tpu.memory_space<vmem_shared>>
      %dma_start3A_105 = arith.constant 0 : i32
      %dma_start3A_106 = tpu.memref_slice %arg10[%add3A_95, %dma_start3A_105] : memref<10240x128xf32, #tpu.memory_space<vmem_shared>> -> memref<128x128xf32, #tpu.memory_space<vmem_shared>>
      tpu.enqueue_dma source(%dma_start3A_106 : memref<128x128xf32, #tpu.memory_space<vmem_shared>>) target(%arg8 : memref<128x128xf32, #tpu.memory_space<vmem>>) target_semaphore(%run_scoped3A_102 : memref<!tpu.dma_semaphore, #tpu.memory_space<semaphore_mem>>)
      %dma_wait3A_107 = arith.constant 0 : i32
      %dma_wait3A_108 = tpu.memref_slice %arg10[%add3A_95, %dma_wait3A_107] : memref<10240x128xf32, #tpu.memory_space<vmem_shared>> -> memref<128x128xf32, #tpu.memory_space<vmem_shared>>
      %dma_wait3A_109 = arith.constant 0 : i32
      %dma_wait3A_110 = tpu.memref_slice %arg10[%add3A_95, %dma_wait3A_109] : memref<10240x128xf32, #tpu.memory_space<vmem_shared>> -> memref<128x128xf32, #tpu.memory_space<vmem_shared>>
      tpu.wait_dma2 semaphore(%run_scoped3A_102 : memref<!tpu.dma_semaphore, #tpu.memory_space<semaphore_mem>>) src(%dma_wait3A_110 : memref<128x128xf32, #tpu.memory_space<vmem_shared>>) dst(%arg8 : memref<128x128xf32, #tpu.memory_space<vmem>>)
      tpu.yield
    }) : () -> ()
    %add3A_96 = arith.constant 384 : i32
    %add3A_97 = arith.addi %mul3A_6, %add3A_96 : i32
    "tpu.region"() ({
      %run_scoped3A_102 = tpu.sem_alloc : memref<!tpu.dma_semaphore, #tpu.memory_space<semaphore_mem>>
      %dma_start3A_103 = arith.constant 0 : i32
      %dma_start3A_104 = tpu.memref_slice %arg5[%arg0, %add3A_97, %dma_start3A_103] : memref<2x10240x128xf32, #tpu.memory_space<hbm>> -> memref<1x128x128xf32, #tpu.memory_space<hbm>>
      %dma_start3A_105 = tpu.memref_squeeze %dma_start3A_104 : memref<1x128x128xf32, #tpu.memory_space<hbm>> -> memref<128x128xf32, #tpu.memory_space<hbm>>
      %dma_start3A_106 = arith.constant 0 : i32
      %dma_start3A_107 = tpu.memref_slice %arg5[%arg0, %add3A_97, %dma_start3A_106] : memref<2x10240x128xf32, #tpu.memory_space<hbm>> -> memref<1x128x128xf32, #tpu.memory_space<hbm>>
      %dma_start3A_108 = tpu.memref_squeeze %dma_start3A_107 : memref<1x128x128xf32, #tpu.memory_space<hbm>> -> memref<128x128xf32, #tpu.memory_space<hbm>>
      tpu.enqueue_dma source(%arg8 : memref<128x128xf32, #tpu.memory_space<vmem>>) target(%dma_start3A_108 : memref<128x128xf32, #tpu.memory_space<hbm>>) target_semaphore(%run_scoped3A_102 : memref<!tpu.dma_semaphore, #tpu.memory_space<semaphore_mem>>)
      %dma_wait3A_109 = arith.constant 0 : i32
      %dma_wait3A_110 = tpu.memref_slice %arg5[%arg0, %add3A_97, %dma_wait3A_109] : memref<2x10240x128xf32, #tpu.memory_space<hbm>> -> memref<1x128x128xf32, #tpu.memory_space<hbm>>
      %dma_wait3A_111 = tpu.memref_squeeze %dma_wait3A_110 : memref<1x128x128xf32, #tpu.memory_space<hbm>> -> memref<128x128xf32, #tpu.memory_space<hbm>>
      %dma_wait3A_112 = arith.constant 0 : i32
      %dma_wait3A_113 = tpu.memref_slice %arg5[%arg0, %add3A_97, %dma_wait3A_112] : memref<2x10240x128xf32, #tpu.memory_space<hbm>> -> memref<1x128x128xf32, #tpu.memory_space<hbm>>
      %dma_wait3A_114 = tpu.memref_squeeze %dma_wait3A_113 : memref<1x128x128xf32, #tpu.memory_space<hbm>> -> memref<128x128xf32, #tpu.memory_space<hbm>>
      tpu.wait_dma2 semaphore(%run_scoped3A_102 : memref<!tpu.dma_semaphore, #tpu.memory_space<semaphore_mem>>) src(%arg8 : memref<128x128xf32, #tpu.memory_space<vmem>>) dst(%dma_wait3A_114 : memref<128x128xf32, #tpu.memory_space<hbm>>)
      tpu.yield
    }) : () -> ()
    %add3A_98 = arith.constant 512 : i32
    %add3A_99 = arith.addi %mul3A_6, %add3A_98 : i32
    "tpu.region"() ({
      %run_scoped3A_102 = tpu.sem_alloc : memref<!tpu.dma_semaphore, #tpu.memory_space<semaphore_mem>>
      %dma_start3A_103 = arith.constant 0 : i32
      %dma_start3A_104 = tpu.memref_slice %arg10[%add3A_99, %dma_start3A_103] : memref<10240x128xf32, #tpu.memory_space<vmem_shared>> -> memref<128x128xf32, #tpu.memory_space<vmem_shared>>
      %dma_start3A_105 = arith.constant 0 : i32
      %dma_start3A_106 = tpu.memref_slice %arg10[%add3A_99, %dma_start3A_105] : memref<10240x128xf32, #tpu.memory_space<vmem_shared>> -> memref<128x128xf32, #tpu.memory_space<vmem_shared>>
      tpu.enqueue_dma source(%dma_start3A_106 : memref<128x128xf32, #tpu.memory_space<vmem_shared>>) target(%arg8 : memref<128x128xf32, #tpu.memory_space<vmem>>) target_semaphore(%run_scoped3A_102 : memref<!tpu.dma_semaphore, #tpu.memory_space<semaphore_mem>>)
      %dma_wait3A_107 = arith.constant 0 : i32
      %dma_wait3A_108 = tpu.memref_slice %arg10[%add3A_99, %dma_wait3A_107] : memref<10240x128xf32, #tpu.memory_space<vmem_shared>> -> memref<128x128xf32, #tpu.memory_space<vmem_shared>>
      %dma_wait3A_109 = arith.constant 0 : i32
      %dma_wait3A_110 = tpu.memref_slice %arg10[%add3A_99, %dma_wait3A_109] : memref<10240x128xf32, #tpu.memory_space<vmem_shared>> -> memref<128x128xf32, #tpu.memory_space<vmem_shared>>
      tpu.wait_dma2 semaphore(%run_scoped3A_102 : memref<!tpu.dma_semaphore, #tpu.memory_space<semaphore_mem>>) src(%dma_wait3A_110 : memref<128x128xf32, #tpu.memory_space<vmem_shared>>) dst(%arg8 : memref<128x128xf32, #tpu.memory_space<vmem>>)
      tpu.yield
    }) : () -> ()
    %add3A_100 = arith.constant 512 : i32
    %add3A_101 = arith.addi %mul3A_6, %add3A_100 : i32
    "tpu.region"() ({
      %run_scoped3A_102 = tpu.sem_alloc : memref<!tpu.dma_semaphore, #tpu.memory_space<semaphore_mem>>
      %dma_start3A_103 = arith.constant 0 : i32
      %dma_start3A_104 = tpu.memref_slice %arg5[%arg0, %add3A_101, %dma_start3A_103] : memref<2x10240x128xf32, #tpu.memory_space<hbm>> -> memref<1x128x128xf32, #tpu.memory_space<hbm>>
      %dma_start3A_105 = tpu.memref_squeeze %dma_start3A_104 : memref<1x128x128xf32, #tpu.memory_space<hbm>> -> memref<128x128xf32, #tpu.memory_space<hbm>>
      %dma_start3A_106 = arith.constant 0 : i32
      %dma_start3A_107 = tpu.memref_slice %arg5[%arg0, %add3A_101, %dma_start3A_106] : memref<2x10240x128xf32, #tpu.memory_space<hbm>> -> memref<1x128x128xf32, #tpu.memory_space<hbm>>
      %dma_start3A_108 = tpu.memref_squeeze %dma_start3A_107 : memref<1x128x128xf32, #tpu.memory_space<hbm>> -> memref<128x128xf32, #tpu.memory_space<hbm>>
      tpu.enqueue_dma source(%arg8 : memref<128x128xf32, #tpu.memory_space<vmem>>) target(%dma_start3A_108 : memref<128x128xf32, #tpu.memory_space<hbm>>) target_semaphore(%run_scoped3A_102 : memref<!tpu.dma_semaphore, #tpu.memory_space<semaphore_mem>>)
      %dma_wait3A_109 = arith.constant 0 : i32
      %dma_wait3A_110 = tpu.memref_slice %arg5[%arg0, %add3A_101, %dma_wait3A_109] : memref<2x10240x128xf32, #tpu.memory_space<hbm>> -> memref<1x128x128xf32, #tpu.memory_space<hbm>>
      %dma_wait3A_111 = tpu.memref_squeeze %dma_wait3A_110 : memref<1x128x128xf32, #tpu.memory_space<hbm>> -> memref<128x128xf32, #tpu.memory_space<hbm>>
      %dma_wait3A_112 = arith.constant 0 : i32
      %dma_wait3A_113 = tpu.memref_slice %arg5[%arg0, %add3A_101, %dma_wait3A_112] : memref<2x10240x128xf32, #tpu.memory_space<hbm>> -> memref<1x128x128xf32, #tpu.memory_space<hbm>>
      %dma_wait3A_114 = tpu.memref_squeeze %dma_wait3A_113 : memref<1x128x128xf32, #tpu.memory_space<hbm>> -> memref<128x128xf32, #tpu.memory_space<hbm>>
      tpu.wait_dma2 semaphore(%run_scoped3A_102 : memref<!tpu.dma_semaphore, #tpu.memory_space<semaphore_mem>>) src(%arg8 : memref<128x128xf32, #tpu.memory_space<vmem>>) dst(%dma_wait3A_114 : memref<128x128xf32, #tpu.memory_space<hbm>>)
      tpu.yield
    }) : () -> ()
    return
  }
}

#map = affine_map<(d0, d1) -> (0, 0, 0)>
#map1 = affine_map<(d0, d1) -> (0, 0)>
module attributes {stable_mosaic.version = 14 : i64} {
  func.func @_degree(%arg0: i32, %arg1: i32, %arg2: memref<32x40x128xi32, #tpu.memory_space<hbm>>, %arg3: memref<2x10240xf32, #tpu.memory_space<hbm>>, %arg4: memref<40x128xi32, #tpu.memory_space<vmem>>, %arg5: memref<640xf32, #tpu.memory_space<vmem>>, %arg6: memref<128xf32, #tpu.memory_space<vmem>>, %arg7: memref<10240xf32, #tpu.memory_space<vmem_shared>>, %arg8: memref<!tpu.dma_semaphore, #tpu.memory_space<semaphore_mem>>) attributes {dimension_semantics = [#tpu.dimension_semantics<core_parallel>, #tpu.dimension_semantics<subcore_parallel>], iteration_bounds = array<i64: 2, 16>, scalar_prefetch = 0 : i64, scratch_operands = 5 : i64, tpu.core_type = #tpu.core_type<sc_vector_subcore>, window_params = [{transform_indices = #map}, {transform_indices = #map1}]} {
    %mul3A = arith.constant 16 : i32
    %mul3A_0 = arith.muli %arg0, %mul3A : i32
    %add3A = arith.addi %mul3A_0, %arg1 : i32
    %broadcast_in_dim3A = arith.constant 0.000000e+00 : f32
    %broadcast_in_dim3A_1 = vector.broadcast %broadcast_in_dim3A : f32 to vector<16xf32>
    %swap3A = arith.constant 0 : index
    %swap3A_2 = tpu.vector_load %arg5[%swap3A] {strides = array<i32>} : memref<640xf32, #tpu.memory_space<vmem>>, vector<16xf32>,
    %swap3A_3 = vector.shape_cast %swap3A_2 : vector<16xf32> to vector<16xf32>
    %swap3A_4 = vector.shape_cast %broadcast_in_dim3A_1 : vector<16xf32> to vector<16xf32>
    tpu.vector_store %arg5[%swap3A], %swap3A_4 {strides = array<i32>} : memref<640xf32, #tpu.memory_space<vmem>>, vector<16xf32>,
    %broadcast_in_dim3A_5 = arith.constant 0.000000e+00 : f32
    %broadcast_in_dim3A_6 = vector.broadcast %broadcast_in_dim3A_5 : f32 to vector<16xf32>
    %swap3A_7 = arith.constant 16 : index
    %swap3A_8 = tpu.vector_load %arg5[%swap3A_7] {strides = array<i32>} : memref<640xf32, #tpu.memory_space<vmem>>, vector<16xf32>,
    %swap3A_9 = vector.shape_cast %swap3A_8 : vector<16xf32> to vector<16xf32>
    %swap3A_10 = vector.shape_cast %broadcast_in_dim3A_6 : vector<16xf32> to vector<16xf32>
    tpu.vector_store %arg5[%swap3A_7], %swap3A_10 {strides = array<i32>} : memref<640xf32, #tpu.memory_space<vmem>>, vector<16xf32>,
    %broadcast_in_dim3A_11 = arith.constant 0.000000e+00 : f32
    %broadcast_in_dim3A_12 = vector.broadcast %broadcast_in_dim3A_11 : f32 to vector<16xf32>
    %swap3A_13 = arith.constant 32 : index
    %swap3A_14 = tpu.vector_load %arg5[%swap3A_13] {strides = array<i32>} : memref<640xf32, #tpu.memory_space<vmem>>, vector<16xf32>,
    %swap3A_15 = vector.shape_cast %swap3A_14 : vector<16xf32> to vector<16xf32>
    %swap3A_16 = vector.shape_cast %broadcast_in_dim3A_12 : vector<16xf32> to vector<16xf32>
    tpu.vector_store %arg5[%swap3A_13], %swap3A_16 {strides = array<i32>} : memref<640xf32, #tpu.memory_space<vmem>>, vector<16xf32>,
    %broadcast_in_dim3A_17 = arith.constant 0.000000e+00 : f32
    %broadcast_in_dim3A_18 = vector.broadcast %broadcast_in_dim3A_17 : f32 to vector<16xf32>
    %swap3A_19 = arith.constant 48 : index
    %swap3A_20 = tpu.vector_load %arg5[%swap3A_19] {strides = array<i32>} : memref<640xf32, #tpu.memory_space<vmem>>, vector<16xf32>,
    %swap3A_21 = vector.shape_cast %swap3A_20 : vector<16xf32> to vector<16xf32>
    %swap3A_22 = vector.shape_cast %broadcast_in_dim3A_18 : vector<16xf32> to vector<16xf32>
    tpu.vector_store %arg5[%swap3A_19], %swap3A_22 {strides = array<i32>} : memref<640xf32, #tpu.memory_space<vmem>>, vector<16xf32>,
    %broadcast_in_dim3A_23 = arith.constant 0.000000e+00 : f32
    %broadcast_in_dim3A_24 = vector.broadcast %broadcast_in_dim3A_23 : f32 to vector<16xf32>
    %swap3A_25 = arith.constant 64 : index
    %swap3A_26 = tpu.vector_load %arg5[%swap3A_25] {strides = array<i32>} : memref<640xf32, #tpu.memory_space<vmem>>, vector<16xf32>,
    %swap3A_27 = vector.shape_cast %swap3A_26 : vector<16xf32> to vector<16xf32>
    %swap3A_28 = vector.shape_cast %broadcast_in_dim3A_24 : vector<16xf32> to vector<16xf32>
    tpu.vector_store %arg5[%swap3A_25], %swap3A_28 {strides = array<i32>} : memref<640xf32, #tpu.memory_space<vmem>>, vector<16xf32>,
    %broadcast_in_dim3A_29 = arith.constant 0.000000e+00 : f32
    %broadcast_in_dim3A_30 = vector.broadcast %broadcast_in_dim3A_29 : f32 to vector<16xf32>
    %swap3A_31 = arith.constant 80 : index
    %swap3A_32 = tpu.vector_load %arg5[%swap3A_31] {strides = array<i32>} : memref<640xf32, #tpu.memory_space<vmem>>, vector<16xf32>,
    %swap3A_33 = vector.shape_cast %swap3A_32 : vector<16xf32> to vector<16xf32>
    %swap3A_34 = vector.shape_cast %broadcast_in_dim3A_30 : vector<16xf32> to vector<16xf32>
    tpu.vector_store %arg5[%swap3A_31], %swap3A_34 {strides = array<i32>} : memref<640xf32, #tpu.memory_space<vmem>>, vector<16xf32>,
    %broadcast_in_dim3A_35 = arith.constant 0.000000e+00 : f32
    %broadcast_in_dim3A_36 = vector.broadcast %broadcast_in_dim3A_35 : f32 to vector<16xf32>
    %swap3A_37 = arith.constant 96 : index
    %swap3A_38 = tpu.vector_load %arg5[%swap3A_37] {strides = array<i32>} : memref<640xf32, #tpu.memory_space<vmem>>, vector<16xf32>,
    %swap3A_39 = vector.shape_cast %swap3A_38 : vector<16xf32> to vector<16xf32>
    %swap3A_40 = vector.shape_cast %broadcast_in_dim3A_36 : vector<16xf32> to vector<16xf32>
    tpu.vector_store %arg5[%swap3A_37], %swap3A_40 {strides = array<i32>} : memref<640xf32, #tpu.memory_space<vmem>>, vector<16xf32>,
    %broadcast_in_dim3A_41 = arith.constant 0.000000e+00 : f32
    %broadcast_in_dim3A_42 = vector.broadcast %broadcast_in_dim3A_41 : f32 to vector<16xf32>
    %swap3A_43 = arith.constant 112 : index
    %swap3A_44 = tpu.vector_load %arg5[%swap3A_43] {strides = array<i32>} : memref<640xf32, #tpu.memory_space<vmem>>, vector<16xf32>,
    %swap3A_45 = vector.shape_cast %swap3A_44 : vector<16xf32> to vector<16xf32>
    %swap3A_46 = vector.shape_cast %broadcast_in_dim3A_42 : vector<16xf32> to vector<16xf32>
    tpu.vector_store %arg5[%swap3A_43], %swap3A_46 {strides = array<i32>} : memref<640xf32, #tpu.memory_space<vmem>>, vector<16xf32>,
    %broadcast_in_dim3A_47 = arith.constant 0.000000e+00 : f32
    %broadcast_in_dim3A_48 = vector.broadcast %broadcast_in_dim3A_47 : f32 to vector<16xf32>
    %swap3A_49 = arith.constant 128 : index
    %swap3A_50 = tpu.vector_load %arg5[%swap3A_49] {strides = array<i32>} : memref<640xf32, #tpu.memory_space<vmem>>, vector<16xf32>,
    %swap3A_51 = vector.shape_cast %swap3A_50 : vector<16xf32> to vector<16xf32>
    %swap3A_52 = vector.shape_cast %broadcast_in_dim3A_48 : vector<16xf32> to vector<16xf32>
    tpu.vector_store %arg5[%swap3A_49], %swap3A_52 {strides = array<i32>} : memref<640xf32, #tpu.memory_space<vmem>>, vector<16xf32>,
    %broadcast_in_dim3A_53 = arith.constant 0.000000e+00 : f32
    %broadcast_in_dim3A_54 = vector.broadcast %broadcast_in_dim3A_53 : f32 to vector<16xf32>
    %swap3A_55 = arith.constant 144 : index
    %swap3A_56 = tpu.vector_load %arg5[%swap3A_55] {strides = array<i32>} : memref<640xf32, #tpu.memory_space<vmem>>, vector<16xf32>,
    %swap3A_57 = vector.shape_cast %swap3A_56 : vector<16xf32> to vector<16xf32>
    %swap3A_58 = vector.shape_cast %broadcast_in_dim3A_54 : vector<16xf32> to vector<16xf32>
    tpu.vector_store %arg5[%swap3A_55], %swap3A_58 {strides = array<i32>} : memref<640xf32, #tpu.memory_space<vmem>>, vector<16xf32>,
    %broadcast_in_dim3A_59 = arith.constant 0.000000e+00 : f32
    %broadcast_in_dim3A_60 = vector.broadcast %broadcast_in_dim3A_59 : f32 to vector<16xf32>
    %swap3A_61 = arith.constant 160 : index
    %swap3A_62 = tpu.vector_load %arg5[%swap3A_61] {strides = array<i32>} : memref<640xf32, #tpu.memory_space<vmem>>, vector<16xf32>,
    %swap3A_63 = vector.shape_cast %swap3A_62 : vector<16xf32> to vector<16xf32>
    %swap3A_64 = vector.shape_cast %broadcast_in_dim3A_60 : vector<16xf32> to vector<16xf32>
    tpu.vector_store %arg5[%swap3A_61], %swap3A_64 {strides = array<i32>} : memref<640xf32, #tpu.memory_space<vmem>>, vector<16xf32>,
    %broadcast_in_dim3A_65 = arith.constant 0.000000e+00 : f32
    %broadcast_in_dim3A_66 = vector.broadcast %broadcast_in_dim3A_65 : f32 to vector<16xf32>
    %swap3A_67 = arith.constant 176 : index
    %swap3A_68 = tpu.vector_load %arg5[%swap3A_67] {strides = array<i32>} : memref<640xf32, #tpu.memory_space<vmem>>, vector<16xf32>,
    %swap3A_69 = vector.shape_cast %swap3A_68 : vector<16xf32> to vector<16xf32>
    %swap3A_70 = vector.shape_cast %broadcast_in_dim3A_66 : vector<16xf32> to vector<16xf32>
    tpu.vector_store %arg5[%swap3A_67], %swap3A_70 {strides = array<i32>} : memref<640xf32, #tpu.memory_space<vmem>>, vector<16xf32>,
    %broadcast_in_dim3A_71 = arith.constant 0.000000e+00 : f32
    %broadcast_in_dim3A_72 = vector.broadcast %broadcast_in_dim3A_71 : f32 to vector<16xf32>
    %swap3A_73 = arith.constant 192 : index
    %swap3A_74 = tpu.vector_load %arg5[%swap3A_73] {strides = array<i32>} : memref<640xf32, #tpu.memory_space<vmem>>, vector<16xf32>,
    %swap3A_75 = vector.shape_cast %swap3A_74 : vector<16xf32> to vector<16xf32>
    %swap3A_76 = vector.shape_cast %broadcast_in_dim3A_72 : vector<16xf32> to vector<16xf32>
    tpu.vector_store %arg5[%swap3A_73], %swap3A_76 {strides = array<i32>} : memref<640xf32, #tpu.memory_space<vmem>>, vector<16xf32>,
    %broadcast_in_dim3A_77 = arith.constant 0.000000e+00 : f32
    %broadcast_in_dim3A_78 = vector.broadcast %broadcast_in_dim3A_77 : f32 to vector<16xf32>
    %swap3A_79 = arith.constant 208 : index
    %swap3A_80 = tpu.vector_load %arg5[%swap3A_79] {strides = array<i32>} : memref<640xf32, #tpu.memory_space<vmem>>, vector<16xf32>,
    %swap3A_81 = vector.shape_cast %swap3A_80 : vector<16xf32> to vector<16xf32>
    %swap3A_82 = vector.shape_cast %broadcast_in_dim3A_78 : vector<16xf32> to vector<16xf32>
    tpu.vector_store %arg5[%swap3A_79], %swap3A_82 {strides = array<i32>} : memref<640xf32, #tpu.memory_space<vmem>>, vector<16xf32>,
    %broadcast_in_dim3A_83 = arith.constant 0.000000e+00 : f32
    %broadcast_in_dim3A_84 = vector.broadcast %broadcast_in_dim3A_83 : f32 to vector<16xf32>
    %swap3A_85 = arith.constant 224 : index
    %swap3A_86 = tpu.vector_load %arg5[%swap3A_85] {strides = array<i32>} : memref<640xf32, #tpu.memory_space<vmem>>, vector<16xf32>,
    %swap3A_87 = vector.shape_cast %swap3A_86 : vector<16xf32> to vector<16xf32>
    %swap3A_88 = vector.shape_cast %broadcast_in_dim3A_84 : vector<16xf32> to vector<16xf32>
    tpu.vector_store %arg5[%swap3A_85], %swap3A_88 {strides = array<i32>} : memref<640xf32, #tpu.memory_space<vmem>>, vector<16xf32>,
    %broadcast_in_dim3A_89 = arith.constant 0.000000e+00 : f32
    %broadcast_in_dim3A_90 = vector.broadcast %broadcast_in_dim3A_89 : f32 to vector<16xf32>
    %swap3A_91 = arith.constant 240 : index
    %swap3A_92 = tpu.vector_load %arg5[%swap3A_91] {strides = array<i32>} : memref<640xf32, #tpu.memory_space<vmem>>, vector<16xf32>,
    %swap3A_93 = vector.shape_cast %swap3A_92 : vector<16xf32> to vector<16xf32>
    %swap3A_94 = vector.shape_cast %broadcast_in_dim3A_90 : vector<16xf32> to vector<16xf32>
    tpu.vector_store %arg5[%swap3A_91], %swap3A_94 {strides = array<i32>} : memref<640xf32, #tpu.memory_space<vmem>>, vector<16xf32>,
    %broadcast_in_dim3A_95 = arith.constant 0.000000e+00 : f32
    %broadcast_in_dim3A_96 = vector.broadcast %broadcast_in_dim3A_95 : f32 to vector<16xf32>
    %swap3A_97 = arith.constant 256 : index
    %swap3A_98 = tpu.vector_load %arg5[%swap3A_97] {strides = array<i32>} : memref<640xf32, #tpu.memory_space<vmem>>, vector<16xf32>,
    %swap3A_99 = vector.shape_cast %swap3A_98 : vector<16xf32> to vector<16xf32>
    %swap3A_100 = vector.shape_cast %broadcast_in_dim3A_96 : vector<16xf32> to vector<16xf32>
    tpu.vector_store %arg5[%swap3A_97], %swap3A_100 {strides = array<i32>} : memref<640xf32, #tpu.memory_space<vmem>>, vector<16xf32>,
    %broadcast_in_dim3A_101 = arith.constant 0.000000e+00 : f32
    %broadcast_in_dim3A_102 = vector.broadcast %broadcast_in_dim3A_101 : f32 to vector<16xf32>
    %swap3A_103 = arith.constant 272 : index
    %swap3A_104 = tpu.vector_load %arg5[%swap3A_103] {strides = array<i32>} : memref<640xf32, #tpu.memory_space<vmem>>, vector<16xf32>,
    %swap3A_105 = vector.shape_cast %swap3A_104 : vector<16xf32> to vector<16xf32>
    %swap3A_106 = vector.shape_cast %broadcast_in_dim3A_102 : vector<16xf32> to vector<16xf32>
    tpu.vector_store %arg5[%swap3A_103], %swap3A_106 {strides = array<i32>} : memref<640xf32, #tpu.memory_space<vmem>>, vector<16xf32>,
    %broadcast_in_dim3A_107 = arith.constant 0.000000e+00 : f32
    %broadcast_in_dim3A_108 = vector.broadcast %broadcast_in_dim3A_107 : f32 to vector<16xf32>
    %swap3A_109 = arith.constant 288 : index
    %swap3A_110 = tpu.vector_load %arg5[%swap3A_109] {strides = array<i32>} : memref<640xf32, #tpu.memory_space<vmem>>, vector<16xf32>,
    %swap3A_111 = vector.shape_cast %swap3A_110 : vector<16xf32> to vector<16xf32>
    %swap3A_112 = vector.shape_cast %broadcast_in_dim3A_108 : vector<16xf32> to vector<16xf32>
    tpu.vector_store %arg5[%swap3A_109], %swap3A_112 {strides = array<i32>} : memref<640xf32, #tpu.memory_space<vmem>>, vector<16xf32>,
    %broadcast_in_dim3A_113 = arith.constant 0.000000e+00 : f32
    %broadcast_in_dim3A_114 = vector.broadcast %broadcast_in_dim3A_113 : f32 to vector<16xf32>
    %swap3A_115 = arith.constant 304 : index
    %swap3A_116 = tpu.vector_load %arg5[%swap3A_115] {strides = array<i32>} : memref<640xf32, #tpu.memory_space<vmem>>, vector<16xf32>,
    %swap3A_117 = vector.shape_cast %swap3A_116 : vector<16xf32> to vector<16xf32>
    %swap3A_118 = vector.shape_cast %broadcast_in_dim3A_114 : vector<16xf32> to vector<16xf32>
    tpu.vector_store %arg5[%swap3A_115], %swap3A_118 {strides = array<i32>} : memref<640xf32, #tpu.memory_space<vmem>>, vector<16xf32>,
    %broadcast_in_dim3A_119 = arith.constant 0.000000e+00 : f32
    %broadcast_in_dim3A_120 = vector.broadcast %broadcast_in_dim3A_119 : f32 to vector<16xf32>
    %swap3A_121 = arith.constant 320 : index
    %swap3A_122 = tpu.vector_load %arg5[%swap3A_121] {strides = array<i32>} : memref<640xf32, #tpu.memory_space<vmem>>, vector<16xf32>,
    %swap3A_123 = vector.shape_cast %swap3A_122 : vector<16xf32> to vector<16xf32>
    %swap3A_124 = vector.shape_cast %broadcast_in_dim3A_120 : vector<16xf32> to vector<16xf32>
    tpu.vector_store %arg5[%swap3A_121], %swap3A_124 {strides = array<i32>} : memref<640xf32, #tpu.memory_space<vmem>>, vector<16xf32>,
    %broadcast_in_dim3A_125 = arith.constant 0.000000e+00 : f32
    %broadcast_in_dim3A_126 = vector.broadcast %broadcast_in_dim3A_125 : f32 to vector<16xf32>
    %swap3A_127 = arith.constant 336 : index
    %swap3A_128 = tpu.vector_load %arg5[%swap3A_127] {strides = array<i32>} : memref<640xf32, #tpu.memory_space<vmem>>, vector<16xf32>,
    %swap3A_129 = vector.shape_cast %swap3A_128 : vector<16xf32> to vector<16xf32>
    %swap3A_130 = vector.shape_cast %broadcast_in_dim3A_126 : vector<16xf32> to vector<16xf32>
    tpu.vector_store %arg5[%swap3A_127], %swap3A_130 {strides = array<i32>} : memref<640xf32, #tpu.memory_space<vmem>>, vector<16xf32>,
    %broadcast_in_dim3A_131 = arith.constant 0.000000e+00 : f32
    %broadcast_in_dim3A_132 = vector.broadcast %broadcast_in_dim3A_131 : f32 to vector<16xf32>
    %swap3A_133 = arith.constant 352 : index
    %swap3A_134 = tpu.vector_load %arg5[%swap3A_133] {strides = array<i32>} : memref<640xf32, #tpu.memory_space<vmem>>, vector<16xf32>,
    %swap3A_135 = vector.shape_cast %swap3A_134 : vector<16xf32> to vector<16xf32>
    %swap3A_136 = vector.shape_cast %broadcast_in_dim3A_132 : vector<16xf32> to vector<16xf32>
    tpu.vector_store %arg5[%swap3A_133], %swap3A_136 {strides = array<i32>} : memref<640xf32, #tpu.memory_space<vmem>>, vector<16xf32>,
    %broadcast_in_dim3A_137 = arith.constant 0.000000e+00 : f32
    %broadcast_in_dim3A_138 = vector.broadcast %broadcast_in_dim3A_137 : f32 to vector<16xf32>
    %swap3A_139 = arith.constant 368 : index
    %swap3A_140 = tpu.vector_load %arg5[%swap3A_139] {strides = array<i32>} : memref<640xf32, #tpu.memory_space<vmem>>, vector<16xf32>,
    %swap3A_141 = vector.shape_cast %swap3A_140 : vector<16xf32> to vector<16xf32>
    %swap3A_142 = vector.shape_cast %broadcast_in_dim3A_138 : vector<16xf32> to vector<16xf32>
    tpu.vector_store %arg5[%swap3A_139], %swap3A_142 {strides = array<i32>} : memref<640xf32, #tpu.memory_space<vmem>>, vector<16xf32>,
    %broadcast_in_dim3A_143 = arith.constant 0.000000e+00 : f32
    %broadcast_in_dim3A_144 = vector.broadcast %broadcast_in_dim3A_143 : f32 to vector<16xf32>
    %swap3A_145 = arith.constant 384 : index
    %swap3A_146 = tpu.vector_load %arg5[%swap3A_145] {strides = array<i32>} : memref<640xf32, #tpu.memory_space<vmem>>, vector<16xf32>,
    %swap3A_147 = vector.shape_cast %swap3A_146 : vector<16xf32> to vector<16xf32>
    %swap3A_148 = vector.shape_cast %broadcast_in_dim3A_144 : vector<16xf32> to vector<16xf32>
    tpu.vector_store %arg5[%swap3A_145], %swap3A_148 {strides = array<i32>} : memref<640xf32, #tpu.memory_space<vmem>>, vector<16xf32>,
    %broadcast_in_dim3A_149 = arith.constant 0.000000e+00 : f32
    %broadcast_in_dim3A_150 = vector.broadcast %broadcast_in_dim3A_149 : f32 to vector<16xf32>
    %swap3A_151 = arith.constant 400 : index
    %swap3A_152 = tpu.vector_load %arg5[%swap3A_151] {strides = array<i32>} : memref<640xf32, #tpu.memory_space<vmem>>, vector<16xf32>,
    %swap3A_153 = vector.shape_cast %swap3A_152 : vector<16xf32> to vector<16xf32>
    %swap3A_154 = vector.shape_cast %broadcast_in_dim3A_150 : vector<16xf32> to vector<16xf32>
    tpu.vector_store %arg5[%swap3A_151], %swap3A_154 {strides = array<i32>} : memref<640xf32, #tpu.memory_space<vmem>>, vector<16xf32>,
    %broadcast_in_dim3A_155 = arith.constant 0.000000e+00 : f32
    %broadcast_in_dim3A_156 = vector.broadcast %broadcast_in_dim3A_155 : f32 to vector<16xf32>
    %swap3A_157 = arith.constant 416 : index
    %swap3A_158 = tpu.vector_load %arg5[%swap3A_157] {strides = array<i32>} : memref<640xf32, #tpu.memory_space<vmem>>, vector<16xf32>,
    %swap3A_159 = vector.shape_cast %swap3A_158 : vector<16xf32> to vector<16xf32>
    %swap3A_160 = vector.shape_cast %broadcast_in_dim3A_156 : vector<16xf32> to vector<16xf32>
    tpu.vector_store %arg5[%swap3A_157], %swap3A_160 {strides = array<i32>} : memref<640xf32, #tpu.memory_space<vmem>>, vector<16xf32>,
    %broadcast_in_dim3A_161 = arith.constant 0.000000e+00 : f32
    %broadcast_in_dim3A_162 = vector.broadcast %broadcast_in_dim3A_161 : f32 to vector<16xf32>
    %swap3A_163 = arith.constant 432 : index
    %swap3A_164 = tpu.vector_load %arg5[%swap3A_163] {strides = array<i32>} : memref<640xf32, #tpu.memory_space<vmem>>, vector<16xf32>,
    %swap3A_165 = vector.shape_cast %swap3A_164 : vector<16xf32> to vector<16xf32>
    %swap3A_166 = vector.shape_cast %broadcast_in_dim3A_162 : vector<16xf32> to vector<16xf32>
    tpu.vector_store %arg5[%swap3A_163], %swap3A_166 {strides = array<i32>} : memref<640xf32, #tpu.memory_space<vmem>>, vector<16xf32>,
    %broadcast_in_dim3A_167 = arith.constant 0.000000e+00 : f32
    %broadcast_in_dim3A_168 = vector.broadcast %broadcast_in_dim3A_167 : f32 to vector<16xf32>
    %swap3A_169 = arith.constant 448 : index
    %swap3A_170 = tpu.vector_load %arg5[%swap3A_169] {strides = array<i32>} : memref<640xf32, #tpu.memory_space<vmem>>, vector<16xf32>,
    %swap3A_171 = vector.shape_cast %swap3A_170 : vector<16xf32> to vector<16xf32>
    %swap3A_172 = vector.shape_cast %broadcast_in_dim3A_168 : vector<16xf32> to vector<16xf32>
    tpu.vector_store %arg5[%swap3A_169], %swap3A_172 {strides = array<i32>} : memref<640xf32, #tpu.memory_space<vmem>>, vector<16xf32>,
    %broadcast_in_dim3A_173 = arith.constant 0.000000e+00 : f32
    %broadcast_in_dim3A_174 = vector.broadcast %broadcast_in_dim3A_173 : f32 to vector<16xf32>
    %swap3A_175 = arith.constant 464 : index
    %swap3A_176 = tpu.vector_load %arg5[%swap3A_175] {strides = array<i32>} : memref<640xf32, #tpu.memory_space<vmem>>, vector<16xf32>,
    %swap3A_177 = vector.shape_cast %swap3A_176 : vector<16xf32> to vector<16xf32>
    %swap3A_178 = vector.shape_cast %broadcast_in_dim3A_174 : vector<16xf32> to vector<16xf32>
    tpu.vector_store %arg5[%swap3A_175], %swap3A_178 {strides = array<i32>} : memref<640xf32, #tpu.memory_space<vmem>>, vector<16xf32>,
    %broadcast_in_dim3A_179 = arith.constant 0.000000e+00 : f32
    %broadcast_in_dim3A_180 = vector.broadcast %broadcast_in_dim3A_179 : f32 to vector<16xf32>
    %swap3A_181 = arith.constant 480 : index
    %swap3A_182 = tpu.vector_load %arg5[%swap3A_181] {strides = array<i32>} : memref<640xf32, #tpu.memory_space<vmem>>, vector<16xf32>,
    %swap3A_183 = vector.shape_cast %swap3A_182 : vector<16xf32> to vector<16xf32>
    %swap3A_184 = vector.shape_cast %broadcast_in_dim3A_180 : vector<16xf32> to vector<16xf32>
    tpu.vector_store %arg5[%swap3A_181], %swap3A_184 {strides = array<i32>} : memref<640xf32, #tpu.memory_space<vmem>>, vector<16xf32>,
    %broadcast_in_dim3A_185 = arith.constant 0.000000e+00 : f32
    %broadcast_in_dim3A_186 = vector.broadcast %broadcast_in_dim3A_185 : f32 to vector<16xf32>
    %swap3A_187 = arith.constant 496 : index
    %swap3A_188 = tpu.vector_load %arg5[%swap3A_187] {strides = array<i32>} : memref<640xf32, #tpu.memory_space<vmem>>, vector<16xf32>,
    %swap3A_189 = vector.shape_cast %swap3A_188 : vector<16xf32> to vector<16xf32>
    %swap3A_190 = vector.shape_cast %broadcast_in_dim3A_186 : vector<16xf32> to vector<16xf32>
    tpu.vector_store %arg5[%swap3A_187], %swap3A_190 {strides = array<i32>} : memref<640xf32, #tpu.memory_space<vmem>>, vector<16xf32>,
    %broadcast_in_dim3A_191 = arith.constant 0.000000e+00 : f32
    %broadcast_in_dim3A_192 = vector.broadcast %broadcast_in_dim3A_191 : f32 to vector<16xf32>
    %swap3A_193 = arith.constant 512 : index
    %swap3A_194 = tpu.vector_load %arg5[%swap3A_193] {strides = array<i32>} : memref<640xf32, #tpu.memory_space<vmem>>, vector<16xf32>,
    %swap3A_195 = vector.shape_cast %swap3A_194 : vector<16xf32> to vector<16xf32>
    %swap3A_196 = vector.shape_cast %broadcast_in_dim3A_192 : vector<16xf32> to vector<16xf32>
    tpu.vector_store %arg5[%swap3A_193], %swap3A_196 {strides = array<i32>} : memref<640xf32, #tpu.memory_space<vmem>>, vector<16xf32>,
    %broadcast_in_dim3A_197 = arith.constant 0.000000e+00 : f32
    %broadcast_in_dim3A_198 = vector.broadcast %broadcast_in_dim3A_197 : f32 to vector<16xf32>
    %swap3A_199 = arith.constant 528 : index
    %swap3A_200 = tpu.vector_load %arg5[%swap3A_199] {strides = array<i32>} : memref<640xf32, #tpu.memory_space<vmem>>, vector<16xf32>,
    %swap3A_201 = vector.shape_cast %swap3A_200 : vector<16xf32> to vector<16xf32>
    %swap3A_202 = vector.shape_cast %broadcast_in_dim3A_198 : vector<16xf32> to vector<16xf32>
    tpu.vector_store %arg5[%swap3A_199], %swap3A_202 {strides = array<i32>} : memref<640xf32, #tpu.memory_space<vmem>>, vector<16xf32>,
    %broadcast_in_dim3A_203 = arith.constant 0.000000e+00 : f32
    %broadcast_in_dim3A_204 = vector.broadcast %broadcast_in_dim3A_203 : f32 to vector<16xf32>
    %swap3A_205 = arith.constant 544 : index
    %swap3A_206 = tpu.vector_load %arg5[%swap3A_205] {strides = array<i32>} : memref<640xf32, #tpu.memory_space<vmem>>, vector<16xf32>,
    %swap3A_207 = vector.shape_cast %swap3A_206 : vector<16xf32> to vector<16xf32>
    %swap3A_208 = vector.shape_cast %broadcast_in_dim3A_204 : vector<16xf32> to vector<16xf32>
    tpu.vector_store %arg5[%swap3A_205], %swap3A_208 {strides = array<i32>} : memref<640xf32, #tpu.memory_space<vmem>>, vector<16xf32>,
    %broadcast_in_dim3A_209 = arith.constant 0.000000e+00 : f32
    %broadcast_in_dim3A_210 = vector.broadcast %broadcast_in_dim3A_209 : f32 to vector<16xf32>
    %swap3A_211 = arith.constant 560 : index
    %swap3A_212 = tpu.vector_load %arg5[%swap3A_211] {strides = array<i32>} : memref<640xf32, #tpu.memory_space<vmem>>, vector<16xf32>,
    %swap3A_213 = vector.shape_cast %swap3A_212 : vector<16xf32> to vector<16xf32>
    %swap3A_214 = vector.shape_cast %broadcast_in_dim3A_210 : vector<16xf32> to vector<16xf32>
    tpu.vector_store %arg5[%swap3A_211], %swap3A_214 {strides = array<i32>} : memref<640xf32, #tpu.memory_space<vmem>>, vector<16xf32>,
    %broadcast_in_dim3A_215 = arith.constant 0.000000e+00 : f32
    %broadcast_in_dim3A_216 = vector.broadcast %broadcast_in_dim3A_215 : f32 to vector<16xf32>
    %swap3A_217 = arith.constant 576 : index
    %swap3A_218 = tpu.vector_load %arg5[%swap3A_217] {strides = array<i32>} : memref<640xf32, #tpu.memory_space<vmem>>, vector<16xf32>,
    %swap3A_219 = vector.shape_cast %swap3A_218 : vector<16xf32> to vector<16xf32>
    %swap3A_220 = vector.shape_cast %broadcast_in_dim3A_216 : vector<16xf32> to vector<16xf32>
    tpu.vector_store %arg5[%swap3A_217], %swap3A_220 {strides = array<i32>} : memref<640xf32, #tpu.memory_space<vmem>>, vector<16xf32>,
    %broadcast_in_dim3A_221 = arith.constant 0.000000e+00 : f32
    %broadcast_in_dim3A_222 = vector.broadcast %broadcast_in_dim3A_221 : f32 to vector<16xf32>
    %swap3A_223 = arith.constant 592 : index
    %swap3A_224 = tpu.vector_load %arg5[%swap3A_223] {strides = array<i32>} : memref<640xf32, #tpu.memory_space<vmem>>, vector<16xf32>,
    %swap3A_225 = vector.shape_cast %swap3A_224 : vector<16xf32> to vector<16xf32>
    %swap3A_226 = vector.shape_cast %broadcast_in_dim3A_222 : vector<16xf32> to vector<16xf32>
    tpu.vector_store %arg5[%swap3A_223], %swap3A_226 {strides = array<i32>} : memref<640xf32, #tpu.memory_space<vmem>>, vector<16xf32>,
    %broadcast_in_dim3A_227 = arith.constant 0.000000e+00 : f32
    %broadcast_in_dim3A_228 = vector.broadcast %broadcast_in_dim3A_227 : f32 to vector<16xf32>
    %swap3A_229 = arith.constant 608 : index
    %swap3A_230 = tpu.vector_load %arg5[%swap3A_229] {strides = array<i32>} : memref<640xf32, #tpu.memory_space<vmem>>, vector<16xf32>,
    %swap3A_231 = vector.shape_cast %swap3A_230 : vector<16xf32> to vector<16xf32>
    %swap3A_232 = vector.shape_cast %broadcast_in_dim3A_228 : vector<16xf32> to vector<16xf32>
    tpu.vector_store %arg5[%swap3A_229], %swap3A_232 {strides = array<i32>} : memref<640xf32, #tpu.memory_space<vmem>>, vector<16xf32>,
    %broadcast_in_dim3A_233 = arith.constant 0.000000e+00 : f32
    %broadcast_in_dim3A_234 = vector.broadcast %broadcast_in_dim3A_233 : f32 to vector<16xf32>
    %swap3A_235 = arith.constant 624 : index
    %swap3A_236 = tpu.vector_load %arg5[%swap3A_235] {strides = array<i32>} : memref<640xf32, #tpu.memory_space<vmem>>, vector<16xf32>,
    %swap3A_237 = vector.shape_cast %swap3A_236 : vector<16xf32> to vector<16xf32>
    %swap3A_238 = vector.shape_cast %broadcast_in_dim3A_234 : vector<16xf32> to vector<16xf32>
    tpu.vector_store %arg5[%swap3A_235], %swap3A_238 {strides = array<i32>} : memref<640xf32, #tpu.memory_space<vmem>>, vector<16xf32>,
    %broadcast_in_dim3A_239 = arith.constant 1.000000e+00 : f32
    %broadcast_in_dim3A_240 = vector.broadcast %broadcast_in_dim3A_239 : f32 to vector<16xf32>
    %swap3A_241 = arith.constant 0 : index
    %swap3A_242 = tpu.vector_load %arg6[%swap3A_241] {strides = array<i32>} : memref<128xf32, #tpu.memory_space<vmem>>, vector<16xf32>,
    %swap3A_243 = vector.shape_cast %swap3A_242 : vector<16xf32> to vector<16xf32>
    %swap3A_244 = vector.shape_cast %broadcast_in_dim3A_240 : vector<16xf32> to vector<16xf32>
    tpu.vector_store %arg6[%swap3A_241], %swap3A_244 {strides = array<i32>} : memref<128xf32, #tpu.memory_space<vmem>>, vector<16xf32>,
    %broadcast_in_dim3A_245 = arith.constant 1.000000e+00 : f32
    %broadcast_in_dim3A_246 = vector.broadcast %broadcast_in_dim3A_245 : f32 to vector<16xf32>
    %swap3A_247 = arith.constant 16 : index
    %swap3A_248 = tpu.vector_load %arg6[%swap3A_247] {strides = array<i32>} : memref<128xf32, #tpu.memory_space<vmem>>, vector<16xf32>,
    %swap3A_249 = vector.shape_cast %swap3A_248 : vector<16xf32> to vector<16xf32>
    %swap3A_250 = vector.shape_cast %broadcast_in_dim3A_246 : vector<16xf32> to vector<16xf32>
    tpu.vector_store %arg6[%swap3A_247], %swap3A_250 {strides = array<i32>} : memref<128xf32, #tpu.memory_space<vmem>>, vector<16xf32>,
    %broadcast_in_dim3A_251 = arith.constant 1.000000e+00 : f32
    %broadcast_in_dim3A_252 = vector.broadcast %broadcast_in_dim3A_251 : f32 to vector<16xf32>
    %swap3A_253 = arith.constant 32 : index
    %swap3A_254 = tpu.vector_load %arg6[%swap3A_253] {strides = array<i32>} : memref<128xf32, #tpu.memory_space<vmem>>, vector<16xf32>,
    %swap3A_255 = vector.shape_cast %swap3A_254 : vector<16xf32> to vector<16xf32>
    %swap3A_256 = vector.shape_cast %broadcast_in_dim3A_252 : vector<16xf32> to vector<16xf32>
    tpu.vector_store %arg6[%swap3A_253], %swap3A_256 {strides = array<i32>} : memref<128xf32, #tpu.memory_space<vmem>>, vector<16xf32>,
    %broadcast_in_dim3A_257 = arith.constant 1.000000e+00 : f32
    %broadcast_in_dim3A_258 = vector.broadcast %broadcast_in_dim3A_257 : f32 to vector<16xf32>
    %swap3A_259 = arith.constant 48 : index
    %swap3A_260 = tpu.vector_load %arg6[%swap3A_259] {strides = array<i32>} : memref<128xf32, #tpu.memory_space<vmem>>, vector<16xf32>,
    %swap3A_261 = vector.shape_cast %swap3A_260 : vector<16xf32> to vector<16xf32>
    %swap3A_262 = vector.shape_cast %broadcast_in_dim3A_258 : vector<16xf32> to vector<16xf32>
    tpu.vector_store %arg6[%swap3A_259], %swap3A_262 {strides = array<i32>} : memref<128xf32, #tpu.memory_space<vmem>>, vector<16xf32>,
    %broadcast_in_dim3A_263 = arith.constant 1.000000e+00 : f32
    %broadcast_in_dim3A_264 = vector.broadcast %broadcast_in_dim3A_263 : f32 to vector<16xf32>
    %swap3A_265 = arith.constant 64 : index
    %swap3A_266 = tpu.vector_load %arg6[%swap3A_265] {strides = array<i32>} : memref<128xf32, #tpu.memory_space<vmem>>, vector<16xf32>,
    %swap3A_267 = vector.shape_cast %swap3A_266 : vector<16xf32> to vector<16xf32>
    %swap3A_268 = vector.shape_cast %broadcast_in_dim3A_264 : vector<16xf32> to vector<16xf32>
    tpu.vector_store %arg6[%swap3A_265], %swap3A_268 {strides = array<i32>} : memref<128xf32, #tpu.memory_space<vmem>>, vector<16xf32>,
    %broadcast_in_dim3A_269 = arith.constant 1.000000e+00 : f32
    %broadcast_in_dim3A_270 = vector.broadcast %broadcast_in_dim3A_269 : f32 to vector<16xf32>
    %swap3A_271 = arith.constant 80 : index
    %swap3A_272 = tpu.vector_load %arg6[%swap3A_271] {strides = array<i32>} : memref<128xf32, #tpu.memory_space<vmem>>, vector<16xf32>,
    %swap3A_273 = vector.shape_cast %swap3A_272 : vector<16xf32> to vector<16xf32>
    %swap3A_274 = vector.shape_cast %broadcast_in_dim3A_270 : vector<16xf32> to vector<16xf32>
    tpu.vector_store %arg6[%swap3A_271], %swap3A_274 {strides = array<i32>} : memref<128xf32, #tpu.memory_space<vmem>>, vector<16xf32>,
    %broadcast_in_dim3A_275 = arith.constant 1.000000e+00 : f32
    %broadcast_in_dim3A_276 = vector.broadcast %broadcast_in_dim3A_275 : f32 to vector<16xf32>
    %swap3A_277 = arith.constant 96 : index
    %swap3A_278 = tpu.vector_load %arg6[%swap3A_277] {strides = array<i32>} : memref<128xf32, #tpu.memory_space<vmem>>, vector<16xf32>,
    %swap3A_279 = vector.shape_cast %swap3A_278 : vector<16xf32> to vector<16xf32>
    %swap3A_280 = vector.shape_cast %broadcast_in_dim3A_276 : vector<16xf32> to vector<16xf32>
    tpu.vector_store %arg6[%swap3A_277], %swap3A_280 {strides = array<i32>} : memref<128xf32, #tpu.memory_space<vmem>>, vector<16xf32>,
    %broadcast_in_dim3A_281 = arith.constant 1.000000e+00 : f32
    %broadcast_in_dim3A_282 = vector.broadcast %broadcast_in_dim3A_281 : f32 to vector<16xf32>
    %swap3A_283 = arith.constant 112 : index
    %swap3A_284 = tpu.vector_load %arg6[%swap3A_283] {strides = array<i32>} : memref<128xf32, #tpu.memory_space<vmem>>, vector<16xf32>,
    %swap3A_285 = vector.shape_cast %swap3A_284 : vector<16xf32> to vector<16xf32>
    %swap3A_286 = vector.shape_cast %broadcast_in_dim3A_282 : vector<16xf32> to vector<16xf32>
    tpu.vector_store %arg6[%swap3A_283], %swap3A_286 {strides = array<i32>} : memref<128xf32, #tpu.memory_space<vmem>>, vector<16xf32>,
    %mul3A_287 = arith.constant 640 : i32
    %mul3A_288 = arith.muli %arg1, %mul3A_287 : i32
    "tpu.region"() ({
      %run_scoped3A = tpu.sem_alloc : memref<!tpu.dma_semaphore, #tpu.memory_space<semaphore_mem>>
      %dma_start3A = tpu.memref_slice %arg7[%mul3A_288] : memref<10240xf32, #tpu.memory_space<vmem_shared>> -> memref<640xf32, #tpu.memory_space<vmem_shared>>
      %dma_start3A_299 = tpu.memref_slice %arg7[%mul3A_288] : memref<10240xf32, #tpu.memory_space<vmem_shared>> -> memref<640xf32, #tpu.memory_space<vmem_shared>>
      tpu.enqueue_dma source(%arg5 : memref<640xf32, #tpu.memory_space<vmem>>) target(%dma_start3A_299 : memref<640xf32, #tpu.memory_space<vmem_shared>>) target_semaphore(%run_scoped3A : memref<!tpu.dma_semaphore, #tpu.memory_space<semaphore_mem>>)
      %dma_wait3A = tpu.memref_slice %arg7[%mul3A_288] : memref<10240xf32, #tpu.memory_space<vmem_shared>> -> memref<640xf32, #tpu.memory_space<vmem_shared>>
      %dma_wait3A_300 = tpu.memref_slice %arg7[%mul3A_288] : memref<10240xf32, #tpu.memory_space<vmem_shared>> -> memref<640xf32, #tpu.memory_space<vmem_shared>>
      tpu.wait_dma2 semaphore(%run_scoped3A : memref<!tpu.dma_semaphore, #tpu.memory_space<semaphore_mem>>) src(%arg5 : memref<640xf32, #tpu.memory_space<vmem>>) dst(%dma_wait3A_300 : memref<640xf32, #tpu.memory_space<vmem_shared>>)
      tpu.yield
    }) : () -> ()
    %barrier3A = arith.constant 0 : index
    tpu.barrier barrier_id(%barrier3A)
    "tpu.region"() ({
      %run_scoped3A = tpu.sem_alloc : memref<!tpu.dma_semaphore, #tpu.memory_space<semaphore_mem>>
      %dma_start3A = arith.constant 0 : i32
      %dma_start3A_299 = arith.constant 0 : i32
      %dma_start3A_300 = tpu.memref_slice %arg2[%add3A, %dma_start3A, %dma_start3A_299] : memref<32x40x128xi32, #tpu.memory_space<hbm>> -> memref<1x40x128xi32, #tpu.memory_space<hbm>>
      %dma_start3A_301 = tpu.memref_squeeze %dma_start3A_300 : memref<1x40x128xi32, #tpu.memory_space<hbm>> -> memref<40x128xi32, #tpu.memory_space<hbm>>
      %dma_start3A_302 = arith.constant 0 : i32
      %dma_start3A_303 = arith.constant 0 : i32
      %dma_start3A_304 = tpu.memref_slice %arg2[%add3A, %dma_start3A_302, %dma_start3A_303] : memref<32x40x128xi32, #tpu.memory_space<hbm>> -> memref<1x40x128xi32, #tpu.memory_space<hbm>>
      %dma_start3A_305 = tpu.memref_squeeze %dma_start3A_304 : memref<1x40x128xi32, #tpu.memory_space<hbm>> -> memref<40x128xi32, #tpu.memory_space<hbm>>
      tpu.enqueue_dma source(%dma_start3A_305 : memref<40x128xi32, #tpu.memory_space<hbm>>) target(%arg4 : memref<40x128xi32, #tpu.memory_space<vmem>>) target_semaphore(%run_scoped3A : memref<!tpu.dma_semaphore, #tpu.memory_space<semaphore_mem>>)
      %dma_wait3A = arith.constant 0 : i32
      %dma_wait3A_306 = arith.constant 0 : i32
      %dma_wait3A_307 = tpu.memref_slice %arg2[%add3A, %dma_wait3A, %dma_wait3A_306] : memref<32x40x128xi32, #tpu.memory_space<hbm>> -> memref<1x40x128xi32, #tpu.memory_space<hbm>>
      %dma_wait3A_308 = tpu.memref_squeeze %dma_wait3A_307 : memref<1x40x128xi32, #tpu.memory_space<hbm>> -> memref<40x128xi32, #tpu.memory_space<hbm>>
      %dma_wait3A_309 = arith.constant 0 : i32
      %dma_wait3A_310 = arith.constant 0 : i32
      %dma_wait3A_311 = tpu.memref_slice %arg2[%add3A, %dma_wait3A_309, %dma_wait3A_310] : memref<32x40x128xi32, #tpu.memory_space<hbm>> -> memref<1x40x128xi32, #tpu.memory_space<hbm>>
      %dma_wait3A_312 = tpu.memref_squeeze %dma_wait3A_311 : memref<1x40x128xi32, #tpu.memory_space<hbm>> -> memref<40x128xi32, #tpu.memory_space<hbm>>
      tpu.wait_dma2 semaphore(%run_scoped3A : memref<!tpu.dma_semaphore, #tpu.memory_space<semaphore_mem>>) src(%dma_wait3A_312 : memref<40x128xi32, #tpu.memory_space<hbm>>) dst(%arg4 : memref<40x128xi32, #tpu.memory_space<vmem>>)
      tpu.yield
    }) : () -> ()
    %scan3A = arith.constant 0 : i32
    %scan3A_289 = arith.constant 40 : i32
    %scan3A_290 = arith.addi %scan3A, %scan3A_289 : i32
    %scan3A_291 = arith.constant 1 : i32
    scf.for %scan3A_299 = %scan3A to %scan3A_290 step %scan3A_291  : i32 {
      %mul3A_300 = arith.constant 1 : i32
      %mul3A_301 = arith.muli %scan3A_299, %mul3A_300 : i32
      %add3A_302 = arith.constant 0 : i32
      %add3A_303 = arith.addi %add3A_302, %mul3A_301 : i32
      %dma_start3A = arith.constant 0 : i32
      %dma_start3A_304 = tpu.memref_slice %arg4[%add3A_303, %dma_start3A] : memref<40x128xi32, #tpu.memory_space<vmem>> -> memref<1x128xi32, #tpu.memory_space<vmem>>
      %dma_start3A_305 = tpu.memref_squeeze %dma_start3A_304 : memref<1x128xi32, #tpu.memory_space<vmem>> -> memref<128xi32, #tpu.memory_space<vmem>>
      %dma_start3A_306 = arith.constant 0 : i32
      %dma_start3A_307 = tpu.memref_slice %arg7[%dma_start3A_306] : memref<10240xf32, #tpu.memory_space<vmem_shared>> -> memref<10240xf32, #tpu.memory_space<vmem_shared>>
      tpu.enqueue_indirect_dma source(%arg6 : memref<128xf32, #tpu.memory_space<vmem>>) target(%dma_start3A_307 : memref<10240xf32, #tpu.memory_space<vmem_shared>>) offsets(%dma_start3A_305 : memref<128xi32, #tpu.memory_space<vmem>>) semaphore(%arg8 : memref<!tpu.dma_semaphore, #tpu.memory_space<semaphore_mem>>) {add = true}
    }
    %scan3A_292 = arith.constant 40 : i32
    %scan3A_293 = arith.constant 0 : i32
    %scan3A_294 = arith.constant 40 : i32
    %scan3A_295 = arith.addi %scan3A_293, %scan3A_294 : i32
    %scan3A_296 = arith.constant 1 : i32
    scf.for %scan3A_299 = %scan3A_293 to %scan3A_295 step %scan3A_296  : i32 {
      %mul3A_300 = arith.constant 1 : i32
      %mul3A_301 = arith.muli %scan3A_299, %mul3A_300 : i32
      %add3A_302 = arith.constant 0 : i32
      %add3A_303 = arith.addi %add3A_302, %mul3A_301 : i32
      %dma_wait3A = arith.constant 0 : i32
      %dma_wait3A_304 = tpu.memref_slice %arg4[%add3A_303, %dma_wait3A] : memref<40x128xi32, #tpu.memory_space<vmem>> -> memref<1x128xi32, #tpu.memory_space<vmem>>
      %dma_wait3A_305 = tpu.memref_squeeze %dma_wait3A_304 : memref<1x128xi32, #tpu.memory_space<vmem>> -> memref<128xi32, #tpu.memory_space<vmem>>
      %dma_wait3A_306 = arith.constant 0 : i32
      %dma_wait3A_307 = tpu.memref_slice %arg7[%dma_wait3A_306] : memref<10240xf32, #tpu.memory_space<vmem_shared>> -> memref<10240xf32, #tpu.memory_space<vmem_shared>>
      tpu.wait_indirect_dma semaphore(%arg8 : memref<!tpu.dma_semaphore, #tpu.memory_space<semaphore_mem>>) src(%arg6 : memref<128xf32, #tpu.memory_space<vmem>>) dst(%dma_wait3A_307 : memref<10240xf32, #tpu.memory_space<vmem_shared>>)
    }
    %scan3A_297 = arith.constant 40 : i32
    %barrier3A_298 = arith.constant 0 : index
    tpu.barrier barrier_id(%barrier3A_298)
    "tpu.region"() ({
      %run_scoped3A = tpu.sem_alloc : memref<!tpu.dma_semaphore, #tpu.memory_space<semaphore_mem>>
      %dma_start3A = tpu.memref_slice %arg7[%mul3A_288] : memref<10240xf32, #tpu.memory_space<vmem_shared>> -> memref<640xf32, #tpu.memory_space<vmem_shared>>
      %dma_start3A_299 = tpu.memref_slice %arg7[%mul3A_288] : memref<10240xf32, #tpu.memory_space<vmem_shared>> -> memref<640xf32, #tpu.memory_space<vmem_shared>>
      tpu.enqueue_dma source(%dma_start3A_299 : memref<640xf32, #tpu.memory_space<vmem_shared>>) target(%arg5 : memref<640xf32, #tpu.memory_space<vmem>>) target_semaphore(%run_scoped3A : memref<!tpu.dma_semaphore, #tpu.memory_space<semaphore_mem>>)
      %dma_wait3A = tpu.memref_slice %arg7[%mul3A_288] : memref<10240xf32, #tpu.memory_space<vmem_shared>> -> memref<640xf32, #tpu.memory_space<vmem_shared>>
      %dma_wait3A_300 = tpu.memref_slice %arg7[%mul3A_288] : memref<10240xf32, #tpu.memory_space<vmem_shared>> -> memref<640xf32, #tpu.memory_space<vmem_shared>>
      tpu.wait_dma2 semaphore(%run_scoped3A : memref<!tpu.dma_semaphore, #tpu.memory_space<semaphore_mem>>) src(%dma_wait3A_300 : memref<640xf32, #tpu.memory_space<vmem_shared>>) dst(%arg5 : memref<640xf32, #tpu.memory_space<vmem>>)
      tpu.yield
    }) : () -> ()
    "tpu.region"() ({
      %run_scoped3A = tpu.sem_alloc : memref<!tpu.dma_semaphore, #tpu.memory_space<semaphore_mem>>
      %dma_start3A = tpu.memref_slice %arg3[%arg0, %mul3A_288] : memref<2x10240xf32, #tpu.memory_space<hbm>> -> memref<1x640xf32, #tpu.memory_space<hbm>>
      %dma_start3A_299 = tpu.memref_squeeze %dma_start3A : memref<1x640xf32, #tpu.memory_space<hbm>> -> memref<640xf32, #tpu.memory_space<hbm>>
      %dma_start3A_300 = tpu.memref_slice %arg3[%arg0, %mul3A_288] : memref<2x10240xf32, #tpu.memory_space<hbm>> -> memref<1x640xf32, #tpu.memory_space<hbm>>
      %dma_start3A_301 = tpu.memref_squeeze %dma_start3A_300 : memref<1x640xf32, #tpu.memory_space<hbm>> -> memref<640xf32, #tpu.memory_space<hbm>>
      tpu.enqueue_dma source(%arg5 : memref<640xf32, #tpu.memory_space<vmem>>) target(%dma_start3A_301 : memref<640xf32, #tpu.memory_space<hbm>>) target_semaphore(%run_scoped3A : memref<!tpu.dma_semaphore, #tpu.memory_space<semaphore_mem>>)
      %dma_wait3A = tpu.memref_slice %arg3[%arg0, %mul3A_288] : memref<2x10240xf32, #tpu.memory_space<hbm>> -> memref<1x640xf32, #tpu.memory_space<hbm>>
      %dma_wait3A_302 = tpu.memref_squeeze %dma_wait3A : memref<1x640xf32, #tpu.memory_space<hbm>> -> memref<640xf32, #tpu.memory_space<hbm>>
      %dma_wait3A_303 = tpu.memref_slice %arg3[%arg0, %mul3A_288] : memref<2x10240xf32, #tpu.memory_space<hbm>> -> memref<1x640xf32, #tpu.memory_space<hbm>>
      %dma_wait3A_304 = tpu.memref_squeeze %dma_wait3A_303 : memref<1x640xf32, #tpu.memory_space<hbm>> -> memref<640xf32, #tpu.memory_space<hbm>>
      tpu.wait_dma2 semaphore(%run_scoped3A : memref<!tpu.dma_semaphore, #tpu.memory_space<semaphore_mem>>) src(%arg5 : memref<640xf32, #tpu.memory_space<vmem>>) dst(%dma_wait3A_304 : memref<640xf32, #tpu.memory_space<hbm>>)
      tpu.yield
    }) : () -> ()
    return
  }
}

#map = affine_map<(d0, d1) -> (0, 0)>
#map1 = affine_map<(d0, d1) -> (0, 0, 0)>
module attributes {stable_mosaic.version = 14 : i64} {
  func.func @_propagate(%arg0: i32, %arg1: i32, %arg2: memref<10000x128xf32, #tpu.memory_space<hbm>>, %arg3: memref<32x40x128xi32, #tpu.memory_space<hbm>>, %arg4: memref<32x40x128xi32, #tpu.memory_space<hbm>>, %arg5: memref<2x10240x128xf32, #tpu.memory_space<hbm>>, %arg6: memref<40x128xi32, #tpu.memory_space<vmem>>, %arg7: memref<40x128xi32, #tpu.memory_space<vmem>>, %arg8: memref<128x128xf32, #tpu.memory_space<vmem>>, %arg9: memref<128x128xf32, #tpu.memory_space<vmem>>, %arg10: memref<10240x128xf32, #tpu.memory_space<vmem_shared>>, %arg11: memref<!tpu.dma_semaphore, #tpu.memory_space<semaphore_mem>>) attributes {dimension_semantics = [#tpu.dimension_semantics<core_parallel>, #tpu.dimension_semantics<subcore_parallel>], iteration_bounds = array<i64: 2, 16>, scalar_prefetch = 0 : i64, scratch_operands = 6 : i64, tpu.core_type = #tpu.core_type<sc_vector_subcore>, window_params = [{transform_indices = #map}, {transform_indices = #map1}, {transform_indices = #map1}, {transform_indices = #map1}]} {
    %mul3A = arith.constant 16 : i32
    %mul3A_0 = arith.muli %arg0, %mul3A : i32
    %add3A = arith.addi %mul3A_0, %arg1 : i32
    %scan3A = arith.constant 0 : i32
    %scan3A_1 = arith.constant 128 : i32
    %scan3A_2 = arith.addi %scan3A, %scan3A_1 : i32
    %scan3A_3 = arith.constant 1 : i32
    scf.for %scan3A_102 = %scan3A to %scan3A_2 step %scan3A_3  : i32 {
      %mul3A_103 = arith.constant 1 : i32
      %mul3A_104 = arith.muli %scan3A_102, %mul3A_103 : i32
      %add3A_105 = arith.constant 0 : i32
      %add3A_106 = arith.addi %add3A_105, %mul3A_104 : i32
      %broadcast_in_dim3A = arith.constant 0.000000e+00 : f32
      %broadcast_in_dim3A_107 = vector.broadcast %broadcast_in_dim3A : f32 to vector<16xf32>
      %swap3A = arith.index_cast %add3A_106 : i32 to index
      %swap3A_108 = arith.constant 0 : index
      %swap3A_109 = tpu.vector_load %arg8[%swap3A, %swap3A_108] {strides = array<i32>} : memref<128x128xf32, #tpu.memory_space<vmem>>, vector<1x16xf32>,
      %swap3A_110 = vector.shape_cast %swap3A_109 : vector<1x16xf32> to vector<16xf32>
      %swap3A_111 = vector.shape_cast %broadcast_in_dim3A_107 : vector<16xf32> to vector<1x16xf32>
      tpu.vector_store %arg8[%swap3A, %swap3A_108], %swap3A_111 {strides = array<i32>} : memref<128x128xf32, #tpu.memory_space<vmem>>, vector<1x16xf32>,
      %broadcast_in_dim3A_112 = arith.constant 0.000000e+00 : f32
      %broadcast_in_dim3A_113 = vector.broadcast %broadcast_in_dim3A_112 : f32 to vector<16xf32>
      %swap3A_114 = arith.index_cast %add3A_106 : i32 to index
      %swap3A_115 = arith.constant 16 : index
      %swap3A_116 = tpu.vector_load %arg8[%swap3A_114, %swap3A_115] {strides = array<i32>} : memref<128x128xf32, #tpu.memory_space<vmem>>, vector<1x16xf32>,
      %swap3A_117 = vector.shape_cast %swap3A_116 : vector<1x16xf32> to vector<16xf32>
      %swap3A_118 = vector.shape_cast %broadcast_in_dim3A_113 : vector<16xf32> to vector<1x16xf32>
      tpu.vector_store %arg8[%swap3A_114, %swap3A_115], %swap3A_118 {strides = array<i32>} : memref<128x128xf32, #tpu.memory_space<vmem>>, vector<1x16xf32>,
      %broadcast_in_dim3A_119 = arith.constant 0.000000e+00 : f32
      %broadcast_in_dim3A_120 = vector.broadcast %broadcast_in_dim3A_119 : f32 to vector<16xf32>
      %swap3A_121 = arith.index_cast %add3A_106 : i32 to index
      %swap3A_122 = arith.constant 32 : index
      %swap3A_123 = tpu.vector_load %arg8[%swap3A_121, %swap3A_122] {strides = array<i32>} : memref<128x128xf32, #tpu.memory_space<vmem>>, vector<1x16xf32>,
      %swap3A_124 = vector.shape_cast %swap3A_123 : vector<1x16xf32> to vector<16xf32>
      %swap3A_125 = vector.shape_cast %broadcast_in_dim3A_120 : vector<16xf32> to vector<1x16xf32>
      tpu.vector_store %arg8[%swap3A_121, %swap3A_122], %swap3A_125 {strides = array<i32>} : memref<128x128xf32, #tpu.memory_space<vmem>>, vector<1x16xf32>,
      %broadcast_in_dim3A_126 = arith.constant 0.000000e+00 : f32
      %broadcast_in_dim3A_127 = vector.broadcast %broadcast_in_dim3A_126 : f32 to vector<16xf32>
      %swap3A_128 = arith.index_cast %add3A_106 : i32 to index
      %swap3A_129 = arith.constant 48 : index
      %swap3A_130 = tpu.vector_load %arg8[%swap3A_128, %swap3A_129] {strides = array<i32>} : memref<128x128xf32, #tpu.memory_space<vmem>>, vector<1x16xf32>,
      %swap3A_131 = vector.shape_cast %swap3A_130 : vector<1x16xf32> to vector<16xf32>
      %swap3A_132 = vector.shape_cast %broadcast_in_dim3A_127 : vector<16xf32> to vector<1x16xf32>
      tpu.vector_store %arg8[%swap3A_128, %swap3A_129], %swap3A_132 {strides = array<i32>} : memref<128x128xf32, #tpu.memory_space<vmem>>, vector<1x16xf32>,
      %broadcast_in_dim3A_133 = arith.constant 0.000000e+00 : f32
      %broadcast_in_dim3A_134 = vector.broadcast %broadcast_in_dim3A_133 : f32 to vector<16xf32>
      %swap3A_135 = arith.index_cast %add3A_106 : i32 to index
      %swap3A_136 = arith.constant 64 : index
      %swap3A_137 = tpu.vector_load %arg8[%swap3A_135, %swap3A_136] {strides = array<i32>} : memref<128x128xf32, #tpu.memory_space<vmem>>, vector<1x16xf32>,
      %swap3A_138 = vector.shape_cast %swap3A_137 : vector<1x16xf32> to vector<16xf32>
      %swap3A_139 = vector.shape_cast %broadcast_in_dim3A_134 : vector<16xf32> to vector<1x16xf32>
      tpu.vector_store %arg8[%swap3A_135, %swap3A_136], %swap3A_139 {strides = array<i32>} : memref<128x128xf32, #tpu.memory_space<vmem>>, vector<1x16xf32>,
      %broadcast_in_dim3A_140 = arith.constant 0.000000e+00 : f32
      %broadcast_in_dim3A_141 = vector.broadcast %broadcast_in_dim3A_140 : f32 to vector<16xf32>
      %swap3A_142 = arith.index_cast %add3A_106 : i32 to index
      %swap3A_143 = arith.constant 80 : index
      %swap3A_144 = tpu.vector_load %arg8[%swap3A_142, %swap3A_143] {strides = array<i32>} : memref<128x128xf32, #tpu.memory_space<vmem>>, vector<1x16xf32>,
      %swap3A_145 = vector.shape_cast %swap3A_144 : vector<1x16xf32> to vector<16xf32>
      %swap3A_146 = vector.shape_cast %broadcast_in_dim3A_141 : vector<16xf32> to vector<1x16xf32>
      tpu.vector_store %arg8[%swap3A_142, %swap3A_143], %swap3A_146 {strides = array<i32>} : memref<128x128xf32, #tpu.memory_space<vmem>>, vector<1x16xf32>,
      %broadcast_in_dim3A_147 = arith.constant 0.000000e+00 : f32
      %broadcast_in_dim3A_148 = vector.broadcast %broadcast_in_dim3A_147 : f32 to vector<16xf32>
      %swap3A_149 = arith.index_cast %add3A_106 : i32 to index
      %swap3A_150 = arith.constant 96 : index
      %swap3A_151 = tpu.vector_load %arg8[%swap3A_149, %swap3A_150] {strides = array<i32>} : memref<128x128xf32, #tpu.memory_space<vmem>>, vector<1x16xf32>,
      %swap3A_152 = vector.shape_cast %swap3A_151 : vector<1x16xf32> to vector<16xf32>
      %swap3A_153 = vector.shape_cast %broadcast_in_dim3A_148 : vector<16xf32> to vector<1x16xf32>
      tpu.vector_store %arg8[%swap3A_149, %swap3A_150], %swap3A_153 {strides = array<i32>} : memref<128x128xf32, #tpu.memory_space<vmem>>, vector<1x16xf32>,
      %broadcast_in_dim3A_154 = arith.constant 0.000000e+00 : f32
      %broadcast_in_dim3A_155 = vector.broadcast %broadcast_in_dim3A_154 : f32 to vector<16xf32>
      %swap3A_156 = arith.index_cast %add3A_106 : i32 to index
      %swap3A_157 = arith.constant 112 : index
      %swap3A_158 = tpu.vector_load %arg8[%swap3A_156, %swap3A_157] {strides = array<i32>} : memref<128x128xf32, #tpu.memory_space<vmem>>, vector<1x16xf32>,
      %swap3A_159 = vector.shape_cast %swap3A_158 : vector<1x16xf32> to vector<16xf32>
      %swap3A_160 = vector.shape_cast %broadcast_in_dim3A_155 : vector<16xf32> to vector<1x16xf32>
      tpu.vector_store %arg8[%swap3A_156, %swap3A_157], %swap3A_160 {strides = array<i32>} : memref<128x128xf32, #tpu.memory_space<vmem>>, vector<1x16xf32>,
    }
    %scan3A_4 = arith.constant 128 : i32
    %mul3A_5 = arith.constant 640 : i32
    %mul3A_6 = arith.muli %arg1, %mul3A_5 : i32
    %add3A_7 = arith.constant 0 : i32
    %add3A_8 = arith.addi %mul3A_6, %add3A_7 : i32
    "tpu.region"() ({
      %run_scoped3A_102 = tpu.sem_alloc : memref<!tpu.dma_semaphore, #tpu.memory_space<semaphore_mem>>
      %dma_start3A_103 = arith.constant 0 : i32
      %dma_start3A_104 = tpu.memref_slice %arg10[%add3A_8, %dma_start3A_103] : memref<10240x128xf32, #tpu.memory_space<vmem_shared>> -> memref<128x128xf32, #tpu.memory_space<vmem_shared>>
      %dma_start3A_105 = arith.constant 0 : i32
      %dma_start3A_106 = tpu.memref_slice %arg10[%add3A_8, %dma_start3A_105] : memref<10240x128xf32, #tpu.memory_space<vmem_shared>> -> memref<128x128xf32, #tpu.memory_space<vmem_shared>>
      tpu.enqueue_dma source(%arg8 : memref<128x128xf32, #tpu.memory_space<vmem>>) target(%dma_start3A_106 : memref<128x128xf32, #tpu.memory_space<vmem_shared>>) target_semaphore(%run_scoped3A_102 : memref<!tpu.dma_semaphore, #tpu.memory_space<semaphore_mem>>)
      %dma_wait3A_107 = arith.constant 0 : i32
      %dma_wait3A_108 = tpu.memref_slice %arg10[%add3A_8, %dma_wait3A_107] : memref<10240x128xf32, #tpu.memory_space<vmem_shared>> -> memref<128x128xf32, #tpu.memory_space<vmem_shared>>
      %dma_wait3A_109 = arith.constant 0 : i32
      %dma_wait3A_110 = tpu.memref_slice %arg10[%add3A_8, %dma_wait3A_109] : memref<10240x128xf32, #tpu.memory_space<vmem_shared>> -> memref<128x128xf32, #tpu.memory_space<vmem_shared>>
      tpu.wait_dma2 semaphore(%run_scoped3A_102 : memref<!tpu.dma_semaphore, #tpu.memory_space<semaphore_mem>>) src(%arg8 : memref<128x128xf32, #tpu.memory_space<vmem>>) dst(%dma_wait3A_110 : memref<128x128xf32, #tpu.memory_space<vmem_shared>>)
      tpu.yield
    }) : () -> ()
    %add3A_9 = arith.constant 128 : i32
    %add3A_10 = arith.addi %mul3A_6, %add3A_9 : i32
    "tpu.region"() ({
      %run_scoped3A_102 = tpu.sem_alloc : memref<!tpu.dma_semaphore, #tpu.memory_space<semaphore_mem>>
      %dma_start3A_103 = arith.constant 0 : i32
      %dma_start3A_104 = tpu.memref_slice %arg10[%add3A_10, %dma_start3A_103] : memref<10240x128xf32, #tpu.memory_space<vmem_shared>> -> memref<128x128xf32, #tpu.memory_space<vmem_shared>>
      %dma_start3A_105 = arith.constant 0 : i32
      %dma_start3A_106 = tpu.memref_slice %arg10[%add3A_10, %dma_start3A_105] : memref<10240x128xf32, #tpu.memory_space<vmem_shared>> -> memref<128x128xf32, #tpu.memory_space<vmem_shared>>
      tpu.enqueue_dma source(%arg8 : memref<128x128xf32, #tpu.memory_space<vmem>>) target(%dma_start3A_106 : memref<128x128xf32, #tpu.memory_space<vmem_shared>>) target_semaphore(%run_scoped3A_102 : memref<!tpu.dma_semaphore, #tpu.memory_space<semaphore_mem>>)
      %dma_wait3A_107 = arith.constant 0 : i32
      %dma_wait3A_108 = tpu.memref_slice %arg10[%add3A_10, %dma_wait3A_107] : memref<10240x128xf32, #tpu.memory_space<vmem_shared>> -> memref<128x128xf32, #tpu.memory_space<vmem_shared>>
      %dma_wait3A_109 = arith.constant 0 : i32
      %dma_wait3A_110 = tpu.memref_slice %arg10[%add3A_10, %dma_wait3A_109] : memref<10240x128xf32, #tpu.memory_space<vmem_shared>> -> memref<128x128xf32, #tpu.memory_space<vmem_shared>>
      tpu.wait_dma2 semaphore(%run_scoped3A_102 : memref<!tpu.dma_semaphore, #tpu.memory_space<semaphore_mem>>) src(%arg8 : memref<128x128xf32, #tpu.memory_space<vmem>>) dst(%dma_wait3A_110 : memref<128x128xf32, #tpu.memory_space<vmem_shared>>)
      tpu.yield
    }) : () -> ()
    %add3A_11 = arith.constant 256 : i32
    %add3A_12 = arith.addi %mul3A_6, %add3A_11 : i32
    "tpu.region"() ({
      %run_scoped3A_102 = tpu.sem_alloc : memref<!tpu.dma_semaphore, #tpu.memory_space<semaphore_mem>>
      %dma_start3A_103 = arith.constant 0 : i32
      %dma_start3A_104 = tpu.memref_slice %arg10[%add3A_12, %dma_start3A_103] : memref<10240x128xf32, #tpu.memory_space<vmem_shared>> -> memref<128x128xf32, #tpu.memory_space<vmem_shared>>
      %dma_start3A_105 = arith.constant 0 : i32
      %dma_start3A_106 = tpu.memref_slice %arg10[%add3A_12, %dma_start3A_105] : memref<10240x128xf32, #tpu.memory_space<vmem_shared>> -> memref<128x128xf32, #tpu.memory_space<vmem_shared>>
      tpu.enqueue_dma source(%arg8 : memref<128x128xf32, #tpu.memory_space<vmem>>) target(%dma_start3A_106 : memref<128x128xf32, #tpu.memory_space<vmem_shared>>) target_semaphore(%run_scoped3A_102 : memref<!tpu.dma_semaphore, #tpu.memory_space<semaphore_mem>>)
      %dma_wait3A_107 = arith.constant 0 : i32
      %dma_wait3A_108 = tpu.memref_slice %arg10[%add3A_12, %dma_wait3A_107] : memref<10240x128xf32, #tpu.memory_space<vmem_shared>> -> memref<128x128xf32, #tpu.memory_space<vmem_shared>>
      %dma_wait3A_109 = arith.constant 0 : i32
      %dma_wait3A_110 = tpu.memref_slice %arg10[%add3A_12, %dma_wait3A_109] : memref<10240x128xf32, #tpu.memory_space<vmem_shared>> -> memref<128x128xf32, #tpu.memory_space<vmem_shared>>
      tpu.wait_dma2 semaphore(%run_scoped3A_102 : memref<!tpu.dma_semaphore, #tpu.memory_space<semaphore_mem>>) src(%arg8 : memref<128x128xf32, #tpu.memory_space<vmem>>) dst(%dma_wait3A_110 : memref<128x128xf32, #tpu.memory_space<vmem_shared>>)
      tpu.yield
    }) : () -> ()
    %add3A_13 = arith.constant 384 : i32
    %add3A_14 = arith.addi %mul3A_6, %add3A_13 : i32
    "tpu.region"() ({
      %run_scoped3A_102 = tpu.sem_alloc : memref<!tpu.dma_semaphore, #tpu.memory_space<semaphore_mem>>
      %dma_start3A_103 = arith.constant 0 : i32
      %dma_start3A_104 = tpu.memref_slice %arg10[%add3A_14, %dma_start3A_103] : memref<10240x128xf32, #tpu.memory_space<vmem_shared>> -> memref<128x128xf32, #tpu.memory_space<vmem_shared>>
      %dma_start3A_105 = arith.constant 0 : i32
      %dma_start3A_106 = tpu.memref_slice %arg10[%add3A_14, %dma_start3A_105] : memref<10240x128xf32, #tpu.memory_space<vmem_shared>> -> memref<128x128xf32, #tpu.memory_space<vmem_shared>>
      tpu.enqueue_dma source(%arg8 : memref<128x128xf32, #tpu.memory_space<vmem>>) target(%dma_start3A_106 : memref<128x128xf32, #tpu.memory_space<vmem_shared>>) target_semaphore(%run_scoped3A_102 : memref<!tpu.dma_semaphore, #tpu.memory_space<semaphore_mem>>)
      %dma_wait3A_107 = arith.constant 0 : i32
      %dma_wait3A_108 = tpu.memref_slice %arg10[%add3A_14, %dma_wait3A_107] : memref<10240x128xf32, #tpu.memory_space<vmem_shared>> -> memref<128x128xf32, #tpu.memory_space<vmem_shared>>
      %dma_wait3A_109 = arith.constant 0 : i32
      %dma_wait3A_110 = tpu.memref_slice %arg10[%add3A_14, %dma_wait3A_109] : memref<10240x128xf32, #tpu.memory_space<vmem_shared>> -> memref<128x128xf32, #tpu.memory_space<vmem_shared>>
      tpu.wait_dma2 semaphore(%run_scoped3A_102 : memref<!tpu.dma_semaphore, #tpu.memory_space<semaphore_mem>>) src(%arg8 : memref<128x128xf32, #tpu.memory_space<vmem>>) dst(%dma_wait3A_110 : memref<128x128xf32, #tpu.memory_space<vmem_shared>>)
      tpu.yield
    }) : () -> ()
    %add3A_15 = arith.constant 512 : i32
    %add3A_16 = arith.addi %mul3A_6, %add3A_15 : i32
    "tpu.region"() ({
      %run_scoped3A_102 = tpu.sem_alloc : memref<!tpu.dma_semaphore, #tpu.memory_space<semaphore_mem>>
      %dma_start3A_103 = arith.constant 0 : i32
      %dma_start3A_104 = tpu.memref_slice %arg10[%add3A_16, %dma_start3A_103] : memref<10240x128xf32, #tpu.memory_space<vmem_shared>> -> memref<128x128xf32, #tpu.memory_space<vmem_shared>>
      %dma_start3A_105 = arith.constant 0 : i32
      %dma_start3A_106 = tpu.memref_slice %arg10[%add3A_16, %dma_start3A_105] : memref<10240x128xf32, #tpu.memory_space<vmem_shared>> -> memref<128x128xf32, #tpu.memory_space<vmem_shared>>
      tpu.enqueue_dma source(%arg8 : memref<128x128xf32, #tpu.memory_space<vmem>>) target(%dma_start3A_106 : memref<128x128xf32, #tpu.memory_space<vmem_shared>>) target_semaphore(%run_scoped3A_102 : memref<!tpu.dma_semaphore, #tpu.memory_space<semaphore_mem>>)
      %dma_wait3A_107 = arith.constant 0 : i32
      %dma_wait3A_108 = tpu.memref_slice %arg10[%add3A_16, %dma_wait3A_107] : memref<10240x128xf32, #tpu.memory_space<vmem_shared>> -> memref<128x128xf32, #tpu.memory_space<vmem_shared>>
      %dma_wait3A_109 = arith.constant 0 : i32
      %dma_wait3A_110 = tpu.memref_slice %arg10[%add3A_16, %dma_wait3A_109] : memref<10240x128xf32, #tpu.memory_space<vmem_shared>> -> memref<128x128xf32, #tpu.memory_space<vmem_shared>>
      tpu.wait_dma2 semaphore(%run_scoped3A_102 : memref<!tpu.dma_semaphore, #tpu.memory_space<semaphore_mem>>) src(%arg8 : memref<128x128xf32, #tpu.memory_space<vmem>>) dst(%dma_wait3A_110 : memref<128x128xf32, #tpu.memory_space<vmem_shared>>)
      tpu.yield
    }) : () -> ()
    %barrier3A = arith.constant 0 : index
    tpu.barrier barrier_id(%barrier3A)
    %dma_start3A = arith.constant 0 : i32
    %dma_start3A_17 = arith.constant 0 : i32
    %dma_start3A_18 = tpu.memref_slice %arg3[%add3A, %dma_start3A, %dma_start3A_17] : memref<32x40x128xi32, #tpu.memory_space<hbm>> -> memref<1x40x128xi32, #tpu.memory_space<hbm>>
    %dma_start3A_19 = tpu.memref_squeeze %dma_start3A_18 : memref<1x40x128xi32, #tpu.memory_space<hbm>> -> memref<40x128xi32, #tpu.memory_space<hbm>>
    %dma_start3A_20 = arith.constant 0 : i32
    %dma_start3A_21 = arith.constant 0 : i32
    %dma_start3A_22 = tpu.memref_slice %arg3[%add3A, %dma_start3A_20, %dma_start3A_21] : memref<32x40x128xi32, #tpu.memory_space<hbm>> -> memref<1x40x128xi32, #tpu.memory_space<hbm>>
    %dma_start3A_23 = tpu.memref_squeeze %dma_start3A_22 : memref<1x40x128xi32, #tpu.memory_space<hbm>> -> memref<40x128xi32, #tpu.memory_space<hbm>>
    tpu.enqueue_dma source(%dma_start3A_23 : memref<40x128xi32, #tpu.memory_space<hbm>>) target(%arg6 : memref<40x128xi32, #tpu.memory_space<vmem>>) target_semaphore(%arg11 : memref<!tpu.dma_semaphore, #tpu.memory_space<semaphore_mem>>)
    %dma_start3A_24 = arith.constant 0 : i32
    %dma_start3A_25 = arith.constant 0 : i32
    %dma_start3A_26 = tpu.memref_slice %arg4[%add3A, %dma_start3A_24, %dma_start3A_25] : memref<32x40x128xi32, #tpu.memory_space<hbm>> -> memref<1x40x128xi32, #tpu.memory_space<hbm>>
    %dma_start3A_27 = tpu.memref_squeeze %dma_start3A_26 : memref<1x40x128xi32, #tpu.memory_space<hbm>> -> memref<40x128xi32, #tpu.memory_space<hbm>>
    %dma_start3A_28 = arith.constant 0 : i32
    %dma_start3A_29 = arith.constant 0 : i32
    %dma_start3A_30 = tpu.memref_slice %arg4[%add3A, %dma_start3A_28, %dma_start3A_29] : memref<32x40x128xi32, #tpu.memory_space<hbm>> -> memref<1x40x128xi32, #tpu.memory_space<hbm>>
    %dma_start3A_31 = tpu.memref_squeeze %dma_start3A_30 : memref<1x40x128xi32, #tpu.memory_space<hbm>> -> memref<40x128xi32, #tpu.memory_space<hbm>>
    tpu.enqueue_dma source(%dma_start3A_31 : memref<40x128xi32, #tpu.memory_space<hbm>>) target(%arg7 : memref<40x128xi32, #tpu.memory_space<vmem>>) target_semaphore(%arg11 : memref<!tpu.dma_semaphore, #tpu.memory_space<semaphore_mem>>)
    %dma_wait3A = arith.constant 0 : i32
    %dma_wait3A_32 = arith.constant 0 : i32
    %dma_wait3A_33 = tpu.memref_slice %arg3[%add3A, %dma_wait3A, %dma_wait3A_32] : memref<32x40x128xi32, #tpu.memory_space<hbm>> -> memref<1x40x128xi32, #tpu.memory_space<hbm>>
    %dma_wait3A_34 = tpu.memref_squeeze %dma_wait3A_33 : memref<1x40x128xi32, #tpu.memory_space<hbm>> -> memref<40x128xi32, #tpu.memory_space<hbm>>
    %dma_wait3A_35 = arith.constant 0 : i32
    %dma_wait3A_36 = arith.constant 0 : i32
    %dma_wait3A_37 = tpu.memref_slice %arg3[%add3A, %dma_wait3A_35, %dma_wait3A_36] : memref<32x40x128xi32, #tpu.memory_space<hbm>> -> memref<1x40x128xi32, #tpu.memory_space<hbm>>
    %dma_wait3A_38 = tpu.memref_squeeze %dma_wait3A_37 : memref<1x40x128xi32, #tpu.memory_space<hbm>> -> memref<40x128xi32, #tpu.memory_space<hbm>>
    tpu.wait_dma2 semaphore(%arg11 : memref<!tpu.dma_semaphore, #tpu.memory_space<semaphore_mem>>) src(%dma_wait3A_38 : memref<40x128xi32, #tpu.memory_space<hbm>>) dst(%arg6 : memref<40x128xi32, #tpu.memory_space<vmem>>)
    %dma_wait3A_39 = arith.constant 0 : i32
    %dma_wait3A_40 = arith.constant 0 : i32
    %dma_wait3A_41 = tpu.memref_slice %arg4[%add3A, %dma_wait3A_39, %dma_wait3A_40] : memref<32x40x128xi32, #tpu.memory_space<hbm>> -> memref<1x40x128xi32, #tpu.memory_space<hbm>>
    %dma_wait3A_42 = tpu.memref_squeeze %dma_wait3A_41 : memref<1x40x128xi32, #tpu.memory_space<hbm>> -> memref<40x128xi32, #tpu.memory_space<hbm>>
    %dma_wait3A_43 = arith.constant 0 : i32
    %dma_wait3A_44 = arith.constant 0 : i32
    %dma_wait3A_45 = tpu.memref_slice %arg4[%add3A, %dma_wait3A_43, %dma_wait3A_44] : memref<32x40x128xi32, #tpu.memory_space<hbm>> -> memref<1x40x128xi32, #tpu.memory_space<hbm>>
    %dma_wait3A_46 = tpu.memref_squeeze %dma_wait3A_45 : memref<1x40x128xi32, #tpu.memory_space<hbm>> -> memref<40x128xi32, #tpu.memory_space<hbm>>
    tpu.wait_dma2 semaphore(%arg11 : memref<!tpu.dma_semaphore, #tpu.memory_space<semaphore_mem>>) src(%dma_wait3A_46 : memref<40x128xi32, #tpu.memory_space<hbm>>) dst(%arg7 : memref<40x128xi32, #tpu.memory_space<vmem>>)
    %dma_start3A_47 = arith.constant 0 : i32
    %dma_start3A_48 = arith.constant 0 : i32
    %dma_start3A_49 = tpu.memref_slice %arg6[%dma_start3A_47, %dma_start3A_48] : memref<40x128xi32, #tpu.memory_space<vmem>> -> memref<1x128xi32, #tpu.memory_space<vmem>>
    %dma_start3A_50 = tpu.memref_squeeze %dma_start3A_49 : memref<1x128xi32, #tpu.memory_space<vmem>> -> memref<128xi32, #tpu.memory_space<vmem>>
    %dma_start3A_51 = arith.constant 0 : i32
    %dma_start3A_52 = arith.constant 0 : i32
    %dma_start3A_53 = tpu.memref_slice %arg2[%dma_start3A_51, %dma_start3A_52] : memref<10000x128xf32, #tpu.memory_space<hbm>> -> memref<10000x128xf32, #tpu.memory_space<hbm>>
    tpu.enqueue_indirect_dma source(%dma_start3A_53 : memref<10000x128xf32, #tpu.memory_space<hbm>>) target(%arg8 : memref<128x128xf32, #tpu.memory_space<vmem>>) offsets(%dma_start3A_50 : memref<128xi32, #tpu.memory_space<vmem>>) semaphore(%arg11 : memref<!tpu.dma_semaphore, #tpu.memory_space<semaphore_mem>>)
    %scan3A_54 = arith.constant 0 : i32
    %scan3A_55 = arith.constant 19 : i32
    %scan3A_56 = arith.addi %scan3A_54, %scan3A_55 : i32
    %scan3A_57 = arith.constant 1 : i32
    scf.for %scan3A_102 = %scan3A_54 to %scan3A_56 step %scan3A_57  : i32 {
      %mul3A_103 = arith.constant 1 : i32
      %mul3A_104 = arith.muli %scan3A_102, %mul3A_103 : i32
      %add3A_105 = arith.constant 0 : i32
      %add3A_106 = arith.addi %add3A_105, %mul3A_104 : i32
      %mul3A_107 = arith.constant 2 : i32
      %mul3A_108 = arith.muli %mul3A_107, %add3A_106 : i32
      %dma_wait3A_109 = arith.constant 0 : i32
      %dma_wait3A_110 = tpu.memref_slice %arg6[%mul3A_108, %dma_wait3A_109] : memref<40x128xi32, #tpu.memory_space<vmem>> -> memref<1x128xi32, #tpu.memory_space<vmem>>
      %dma_wait3A_111 = tpu.memref_squeeze %dma_wait3A_110 : memref<1x128xi32, #tpu.memory_space<vmem>> -> memref<128xi32, #tpu.memory_space<vmem>>
      %dma_wait3A_112 = arith.constant 0 : i32
      %dma_wait3A_113 = arith.constant 0 : i32
      %dma_wait3A_114 = tpu.memref_slice %arg2[%dma_wait3A_112, %dma_wait3A_113] : memref<10000x128xf32, #tpu.memory_space<hbm>> -> memref<10000x128xf32, #tpu.memory_space<hbm>>
      tpu.wait_indirect_dma semaphore(%arg11 : memref<!tpu.dma_semaphore, #tpu.memory_space<semaphore_mem>>) src(%dma_wait3A_114 : memref<10000x128xf32, #tpu.memory_space<hbm>>) dst(%arg8 : memref<128x128xf32, #tpu.memory_space<vmem>>)
      %add3A_115 = arith.constant 1 : i32
      %add3A_116 = arith.addi %mul3A_108, %add3A_115 : i32
      %dma_start3A_117 = arith.constant 0 : i32
      %dma_start3A_118 = tpu.memref_slice %arg6[%add3A_116, %dma_start3A_117] : memref<40x128xi32, #tpu.memory_space<vmem>> -> memref<1x128xi32, #tpu.memory_space<vmem>>
      %dma_start3A_119 = tpu.memref_squeeze %dma_start3A_118 : memref<1x128xi32, #tpu.memory_space<vmem>> -> memref<128xi32, #tpu.memory_space<vmem>>
      %dma_start3A_120 = arith.constant 0 : i32
      %dma_start3A_121 = arith.constant 0 : i32
      %dma_start3A_122 = tpu.memref_slice %arg2[%dma_start3A_120, %dma_start3A_121] : memref<10000x128xf32, #tpu.memory_space<hbm>> -> memref<10000x128xf32, #tpu.memory_space<hbm>>
      tpu.enqueue_indirect_dma source(%dma_start3A_122 : memref<10000x128xf32, #tpu.memory_space<hbm>>) target(%arg9 : memref<128x128xf32, #tpu.memory_space<vmem>>) offsets(%dma_start3A_119 : memref<128xi32, #tpu.memory_space<vmem>>) semaphore(%arg11 : memref<!tpu.dma_semaphore, #tpu.memory_space<semaphore_mem>>)
      "tpu.region"() ({
        %run_scoped3A_141 = tpu.sem_alloc : memref<!tpu.dma_semaphore, #tpu.memory_space<semaphore_mem>>
        %dma_start3A_142 = arith.constant 0 : i32
        %dma_start3A_143 = tpu.memref_slice %arg7[%mul3A_108, %dma_start3A_142] : memref<40x128xi32, #tpu.memory_space<vmem>> -> memref<1x128xi32, #tpu.memory_space<vmem>>
        %dma_start3A_144 = tpu.memref_squeeze %dma_start3A_143 : memref<1x128xi32, #tpu.memory_space<vmem>> -> memref<128xi32, #tpu.memory_space<vmem>>
        %dma_start3A_145 = arith.constant 0 : i32
        %dma_start3A_146 = arith.constant 0 : i32
        %dma_start3A_147 = tpu.memref_slice %arg10[%dma_start3A_145, %dma_start3A_146] : memref<10240x128xf32, #tpu.memory_space<vmem_shared>> -> memref<10240x128xf32, #tpu.memory_space<vmem_shared>>
        tpu.enqueue_indirect_dma source(%arg8 : memref<128x128xf32, #tpu.memory_space<vmem>>) target(%dma_start3A_147 : memref<10240x128xf32, #tpu.memory_space<vmem_shared>>) offsets(%dma_start3A_144 : memref<128xi32, #tpu.memory_space<vmem>>) semaphore(%run_scoped3A_141 : memref<!tpu.dma_semaphore, #tpu.memory_space<semaphore_mem>>) {add = true}
        %dma_wait3A_148 = arith.constant 0 : i32
        %dma_wait3A_149 = tpu.memref_slice %arg7[%mul3A_108, %dma_wait3A_148] : memref<40x128xi32, #tpu.memory_space<vmem>> -> memref<1x128xi32, #tpu.memory_space<vmem>>
        %dma_wait3A_150 = tpu.memref_squeeze %dma_wait3A_149 : memref<1x128xi32, #tpu.memory_space<vmem>> -> memref<128xi32, #tpu.memory_space<vmem>>
        %dma_wait3A_151 = arith.constant 0 : i32
        %dma_wait3A_152 = arith.constant 0 : i32
        %dma_wait3A_153 = tpu.memref_slice %arg10[%dma_wait3A_151, %dma_wait3A_152] : memref<10240x128xf32, #tpu.memory_space<vmem_shared>> -> memref<10240x128xf32, #tpu.memory_space<vmem_shared>>
        tpu.wait_indirect_dma semaphore(%run_scoped3A_141 : memref<!tpu.dma_semaphore, #tpu.memory_space<semaphore_mem>>) src(%arg8 : memref<128x128xf32, #tpu.memory_space<vmem>>) dst(%dma_wait3A_153 : memref<10240x128xf32, #tpu.memory_space<vmem_shared>>)
        tpu.yield
      }) : () -> ()
      %add3A_123 = arith.constant 1 : i32
      %add3A_124 = arith.addi %mul3A_108, %add3A_123 : i32
      %dma_wait3A_125 = arith.constant 0 : i32
      %dma_wait3A_126 = tpu.memref_slice %arg6[%add3A_124, %dma_wait3A_125] : memref<40x128xi32, #tpu.memory_space<vmem>> -> memref<1x128xi32, #tpu.memory_space<vmem>>
      %dma_wait3A_127 = tpu.memref_squeeze %dma_wait3A_126 : memref<1x128xi32, #tpu.memory_space<vmem>> -> memref<128xi32, #tpu.memory_space<vmem>>
      %dma_wait3A_128 = arith.constant 0 : i32
      %dma_wait3A_129 = arith.constant 0 : i32
      %dma_wait3A_130 = tpu.memref_slice %arg2[%dma_wait3A_128, %dma_wait3A_129] : memref<10000x128xf32, #tpu.memory_space<hbm>> -> memref<10000x128xf32, #tpu.memory_space<hbm>>
      tpu.wait_indirect_dma semaphore(%arg11 : memref<!tpu.dma_semaphore, #tpu.memory_space<semaphore_mem>>) src(%dma_wait3A_130 : memref<10000x128xf32, #tpu.memory_space<hbm>>) dst(%arg9 : memref<128x128xf32, #tpu.memory_space<vmem>>)
      %add3A_131 = arith.constant 2 : i32
      %add3A_132 = arith.addi %mul3A_108, %add3A_131 : i32
      %dma_start3A_133 = arith.constant 0 : i32
      %dma_start3A_134 = tpu.memref_slice %arg6[%add3A_132, %dma_start3A_133] : memref<40x128xi32, #tpu.memory_space<vmem>> -> memref<1x128xi32, #tpu.memory_space<vmem>>
      %dma_start3A_135 = tpu.memref_squeeze %dma_start3A_134 : memref<1x128xi32, #tpu.memory_space<vmem>> -> memref<128xi32, #tpu.memory_space<vmem>>
      %dma_start3A_136 = arith.constant 0 : i32
      %dma_start3A_137 = arith.constant 0 : i32
      %dma_start3A_138 = tpu.memref_slice %arg2[%dma_start3A_136, %dma_start3A_137] : memref<10000x128xf32, #tpu.memory_space<hbm>> -> memref<10000x128xf32, #tpu.memory_space<hbm>>
      tpu.enqueue_indirect_dma source(%dma_start3A_138 : memref<10000x128xf32, #tpu.memory_space<hbm>>) target(%arg8 : memref<128x128xf32, #tpu.memory_space<vmem>>) offsets(%dma_start3A_135 : memref<128xi32, #tpu.memory_space<vmem>>) semaphore(%arg11 : memref<!tpu.dma_semaphore, #tpu.memory_space<semaphore_mem>>)
      %add3A_139 = arith.constant 1 : i32
      %add3A_140 = arith.addi %mul3A_108, %add3A_139 : i32
      "tpu.region"() ({
        %run_scoped3A_141 = tpu.sem_alloc : memref<!tpu.dma_semaphore, #tpu.memory_space<semaphore_mem>>
        %dma_start3A_142 = arith.constant 0 : i32
        %dma_start3A_143 = tpu.memref_slice %arg7[%add3A_140, %dma_start3A_142] : memref<40x128xi32, #tpu.memory_space<vmem>> -> memref<1x128xi32, #tpu.memory_space<vmem>>
        %dma_start3A_144 = tpu.memref_squeeze %dma_start3A_143 : memref<1x128xi32, #tpu.memory_space<vmem>> -> memref<128xi32, #tpu.memory_space<vmem>>
        %dma_start3A_145 = arith.constant 0 : i32
        %dma_start3A_146 = arith.constant 0 : i32
        %dma_start3A_147 = tpu.memref_slice %arg10[%dma_start3A_145, %dma_start3A_146] : memref<10240x128xf32, #tpu.memory_space<vmem_shared>> -> memref<10240x128xf32, #tpu.memory_space<vmem_shared>>
        tpu.enqueue_indirect_dma source(%arg9 : memref<128x128xf32, #tpu.memory_space<vmem>>) target(%dma_start3A_147 : memref<10240x128xf32, #tpu.memory_space<vmem_shared>>) offsets(%dma_start3A_144 : memref<128xi32, #tpu.memory_space<vmem>>) semaphore(%run_scoped3A_141 : memref<!tpu.dma_semaphore, #tpu.memory_space<semaphore_mem>>) {add = true}
        %dma_wait3A_148 = arith.constant 0 : i32
        %dma_wait3A_149 = tpu.memref_slice %arg7[%add3A_140, %dma_wait3A_148] : memref<40x128xi32, #tpu.memory_space<vmem>> -> memref<1x128xi32, #tpu.memory_space<vmem>>
        %dma_wait3A_150 = tpu.memref_squeeze %dma_wait3A_149 : memref<1x128xi32, #tpu.memory_space<vmem>> -> memref<128xi32, #tpu.memory_space<vmem>>
        %dma_wait3A_151 = arith.constant 0 : i32
        %dma_wait3A_152 = arith.constant 0 : i32
        %dma_wait3A_153 = tpu.memref_slice %arg10[%dma_wait3A_151, %dma_wait3A_152] : memref<10240x128xf32, #tpu.memory_space<vmem_shared>> -> memref<10240x128xf32, #tpu.memory_space<vmem_shared>>
        tpu.wait_indirect_dma semaphore(%run_scoped3A_141 : memref<!tpu.dma_semaphore, #tpu.memory_space<semaphore_mem>>) src(%arg9 : memref<128x128xf32, #tpu.memory_space<vmem>>) dst(%dma_wait3A_153 : memref<10240x128xf32, #tpu.memory_space<vmem_shared>>)
        tpu.yield
      }) : () -> ()
    }
    %scan3A_58 = arith.constant 19 : i32
    %dma_wait3A_59 = arith.constant 38 : i32
    %dma_wait3A_60 = arith.constant 0 : i32
    %dma_wait3A_61 = tpu.memref_slice %arg6[%dma_wait3A_59, %dma_wait3A_60] : memref<40x128xi32, #tpu.memory_space<vmem>> -> memref<1x128xi32, #tpu.memory_space<vmem>>
    %dma_wait3A_62 = tpu.memref_squeeze %dma_wait3A_61 : memref<1x128xi32, #tpu.memory_space<vmem>> -> memref<128xi32, #tpu.memory_space<vmem>>
    %dma_wait3A_63 = arith.constant 0 : i32
    %dma_wait3A_64 = arith.constant 0 : i32
    %dma_wait3A_65 = tpu.memref_slice %arg2[%dma_wait3A_63, %dma_wait3A_64] : memref<10000x128xf32, #tpu.memory_space<hbm>> -> memref<10000x128xf32, #tpu.memory_space<hbm>>
    tpu.wait_indirect_dma semaphore(%arg11 : memref<!tpu.dma_semaphore, #tpu.memory_space<semaphore_mem>>) src(%dma_wait3A_65 : memref<10000x128xf32, #tpu.memory_space<hbm>>) dst(%arg8 : memref<128x128xf32, #tpu.memory_space<vmem>>)
    %dma_start3A_66 = arith.constant 39 : i32
    %dma_start3A_67 = arith.constant 0 : i32
    %dma_start3A_68 = tpu.memref_slice %arg6[%dma_start3A_66, %dma_start3A_67] : memref<40x128xi32, #tpu.memory_space<vmem>> -> memref<1x128xi32, #tpu.memory_space<vmem>>
    %dma_start3A_69 = tpu.memref_squeeze %dma_start3A_68 : memref<1x128xi32, #tpu.memory_space<vmem>> -> memref<128xi32, #tpu.memory_space<vmem>>
    %dma_start3A_70 = arith.constant 0 : i32
    %dma_start3A_71 = arith.constant 0 : i32
    %dma_start3A_72 = tpu.memref_slice %arg2[%dma_start3A_70, %dma_start3A_71] : memref<10000x128xf32, #tpu.memory_space<hbm>> -> memref<10000x128xf32, #tpu.memory_space<hbm>>
    tpu.enqueue_indirect_dma source(%dma_start3A_72 : memref<10000x128xf32, #tpu.memory_space<hbm>>) target(%arg9 : memref<128x128xf32, #tpu.memory_space<vmem>>) offsets(%dma_start3A_69 : memref<128xi32, #tpu.memory_space<vmem>>) semaphore(%arg11 : memref<!tpu.dma_semaphore, #tpu.memory_space<semaphore_mem>>)
    %run_scoped3A = arith.constant 38 : i32
    "tpu.region"() ({
      %run_scoped3A_102 = tpu.sem_alloc : memref<!tpu.dma_semaphore, #tpu.memory_space<semaphore_mem>>
      %dma_start3A_103 = arith.constant 0 : i32
      %dma_start3A_104 = tpu.memref_slice %arg7[%run_scoped3A, %dma_start3A_103] : memref<40x128xi32, #tpu.memory_space<vmem>> -> memref<1x128xi32, #tpu.memory_space<vmem>>
      %dma_start3A_105 = tpu.memref_squeeze %dma_start3A_104 : memref<1x128xi32, #tpu.memory_space<vmem>> -> memref<128xi32, #tpu.memory_space<vmem>>
      %dma_start3A_106 = arith.constant 0 : i32
      %dma_start3A_107 = arith.constant 0 : i32
      %dma_start3A_108 = tpu.memref_slice %arg10[%dma_start3A_106, %dma_start3A_107] : memref<10240x128xf32, #tpu.memory_space<vmem_shared>> -> memref<10240x128xf32, #tpu.memory_space<vmem_shared>>
      tpu.enqueue_indirect_dma source(%arg8 : memref<128x128xf32, #tpu.memory_space<vmem>>) target(%dma_start3A_108 : memref<10240x128xf32, #tpu.memory_space<vmem_shared>>) offsets(%dma_start3A_105 : memref<128xi32, #tpu.memory_space<vmem>>) semaphore(%run_scoped3A_102 : memref<!tpu.dma_semaphore, #tpu.memory_space<semaphore_mem>>) {add = true}
      %dma_wait3A_109 = arith.constant 0 : i32
      %dma_wait3A_110 = tpu.memref_slice %arg7[%run_scoped3A, %dma_wait3A_109] : memref<40x128xi32, #tpu.memory_space<vmem>> -> memref<1x128xi32, #tpu.memory_space<vmem>>
      %dma_wait3A_111 = tpu.memref_squeeze %dma_wait3A_110 : memref<1x128xi32, #tpu.memory_space<vmem>> -> memref<128xi32, #tpu.memory_space<vmem>>
      %dma_wait3A_112 = arith.constant 0 : i32
      %dma_wait3A_113 = arith.constant 0 : i32
      %dma_wait3A_114 = tpu.memref_slice %arg10[%dma_wait3A_112, %dma_wait3A_113] : memref<10240x128xf32, #tpu.memory_space<vmem_shared>> -> memref<10240x128xf32, #tpu.memory_space<vmem_shared>>
      tpu.wait_indirect_dma semaphore(%run_scoped3A_102 : memref<!tpu.dma_semaphore, #tpu.memory_space<semaphore_mem>>) src(%arg8 : memref<128x128xf32, #tpu.memory_space<vmem>>) dst(%dma_wait3A_114 : memref<10240x128xf32, #tpu.memory_space<vmem_shared>>)
      tpu.yield
    }) : () -> ()
    %dma_wait3A_73 = arith.constant 39 : i32
    %dma_wait3A_74 = arith.constant 0 : i32
    %dma_wait3A_75 = tpu.memref_slice %arg6[%dma_wait3A_73, %dma_wait3A_74] : memref<40x128xi32, #tpu.memory_space<vmem>> -> memref<1x128xi32, #tpu.memory_space<vmem>>
    %dma_wait3A_76 = tpu.memref_squeeze %dma_wait3A_75 : memref<1x128xi32, #tpu.memory_space<vmem>> -> memref<128xi32, #tpu.memory_space<vmem>>
    %dma_wait3A_77 = arith.constant 0 : i32
    %dma_wait3A_78 = arith.constant 0 : i32
    %dma_wait3A_79 = tpu.memref_slice %arg2[%dma_wait3A_77, %dma_wait3A_78] : memref<10000x128xf32, #tpu.memory_space<hbm>> -> memref<10000x128xf32, #tpu.memory_space<hbm>>
    tpu.wait_indirect_dma semaphore(%arg11 : memref<!tpu.dma_semaphore, #tpu.memory_space<semaphore_mem>>) src(%dma_wait3A_79 : memref<10000x128xf32, #tpu.memory_space<hbm>>) dst(%arg9 : memref<128x128xf32, #tpu.memory_space<vmem>>)
    %run_scoped3A_80 = arith.constant 39 : i32
    "tpu.region"() ({
      %run_scoped3A_102 = tpu.sem_alloc : memref<!tpu.dma_semaphore, #tpu.memory_space<semaphore_mem>>
      %dma_start3A_103 = arith.constant 0 : i32
      %dma_start3A_104 = tpu.memref_slice %arg7[%run_scoped3A_80, %dma_start3A_103] : memref<40x128xi32, #tpu.memory_space<vmem>> -> memref<1x128xi32, #tpu.memory_space<vmem>>
      %dma_start3A_105 = tpu.memref_squeeze %dma_start3A_104 : memref<1x128xi32, #tpu.memory_space<vmem>> -> memref<128xi32, #tpu.memory_space<vmem>>
      %dma_start3A_106 = arith.constant 0 : i32
      %dma_start3A_107 = arith.constant 0 : i32
      %dma_start3A_108 = tpu.memref_slice %arg10[%dma_start3A_106, %dma_start3A_107] : memref<10240x128xf32, #tpu.memory_space<vmem_shared>> -> memref<10240x128xf32, #tpu.memory_space<vmem_shared>>
      tpu.enqueue_indirect_dma source(%arg9 : memref<128x128xf32, #tpu.memory_space<vmem>>) target(%dma_start3A_108 : memref<10240x128xf32, #tpu.memory_space<vmem_shared>>) offsets(%dma_start3A_105 : memref<128xi32, #tpu.memory_space<vmem>>) semaphore(%run_scoped3A_102 : memref<!tpu.dma_semaphore, #tpu.memory_space<semaphore_mem>>) {add = true}
      %dma_wait3A_109 = arith.constant 0 : i32
      %dma_wait3A_110 = tpu.memref_slice %arg7[%run_scoped3A_80, %dma_wait3A_109] : memref<40x128xi32, #tpu.memory_space<vmem>> -> memref<1x128xi32, #tpu.memory_space<vmem>>
      %dma_wait3A_111 = tpu.memref_squeeze %dma_wait3A_110 : memref<1x128xi32, #tpu.memory_space<vmem>> -> memref<128xi32, #tpu.memory_space<vmem>>
      %dma_wait3A_112 = arith.constant 0 : i32
      %dma_wait3A_113 = arith.constant 0 : i32
      %dma_wait3A_114 = tpu.memref_slice %arg10[%dma_wait3A_112, %dma_wait3A_113] : memref<10240x128xf32, #tpu.memory_space<vmem_shared>> -> memref<10240x128xf32, #tpu.memory_space<vmem_shared>>
      tpu.wait_indirect_dma semaphore(%run_scoped3A_102 : memref<!tpu.dma_semaphore, #tpu.memory_space<semaphore_mem>>) src(%arg9 : memref<128x128xf32, #tpu.memory_space<vmem>>) dst(%dma_wait3A_114 : memref<10240x128xf32, #tpu.memory_space<vmem_shared>>)
      tpu.yield
    }) : () -> ()
    %barrier3A_81 = arith.constant 0 : index
    tpu.barrier barrier_id(%barrier3A_81)
    %add3A_82 = arith.constant 0 : i32
    %add3A_83 = arith.addi %mul3A_6, %add3A_82 : i32
    "tpu.region"() ({
      %run_scoped3A_102 = tpu.sem_alloc : memref<!tpu.dma_semaphore, #tpu.memory_space<semaphore_mem>>
      %dma_start3A_103 = arith.constant 0 : i32
      %dma_start3A_104 = tpu.memref_slice %arg10[%add3A_83, %dma_start3A_103] : memref<10240x128xf32, #tpu.memory_space<vmem_shared>> -> memref<128x128xf32, #tpu.memory_space<vmem_shared>>
      %dma_start3A_105 = arith.constant 0 : i32
      %dma_start3A_106 = tpu.memref_slice %arg10[%add3A_83, %dma_start3A_105] : memref<10240x128xf32, #tpu.memory_space<vmem_shared>> -> memref<128x128xf32, #tpu.memory_space<vmem_shared>>
      tpu.enqueue_dma source(%dma_start3A_106 : memref<128x128xf32, #tpu.memory_space<vmem_shared>>) target(%arg8 : memref<128x128xf32, #tpu.memory_space<vmem>>) target_semaphore(%run_scoped3A_102 : memref<!tpu.dma_semaphore, #tpu.memory_space<semaphore_mem>>)
      %dma_wait3A_107 = arith.constant 0 : i32
      %dma_wait3A_108 = tpu.memref_slice %arg10[%add3A_83, %dma_wait3A_107] : memref<10240x128xf32, #tpu.memory_space<vmem_shared>> -> memref<128x128xf32, #tpu.memory_space<vmem_shared>>
      %dma_wait3A_109 = arith.constant 0 : i32
      %dma_wait3A_110 = tpu.memref_slice %arg10[%add3A_83, %dma_wait3A_109] : memref<10240x128xf32, #tpu.memory_space<vmem_shared>> -> memref<128x128xf32, #tpu.memory_space<vmem_shared>>
      tpu.wait_dma2 semaphore(%run_scoped3A_102 : memref<!tpu.dma_semaphore, #tpu.memory_space<semaphore_mem>>) src(%dma_wait3A_110 : memref<128x128xf32, #tpu.memory_space<vmem_shared>>) dst(%arg8 : memref<128x128xf32, #tpu.memory_space<vmem>>)
      tpu.yield
    }) : () -> ()
    %add3A_84 = arith.constant 0 : i32
    %add3A_85 = arith.addi %mul3A_6, %add3A_84 : i32
    "tpu.region"() ({
      %run_scoped3A_102 = tpu.sem_alloc : memref<!tpu.dma_semaphore, #tpu.memory_space<semaphore_mem>>
      %dma_start3A_103 = arith.constant 0 : i32
      %dma_start3A_104 = tpu.memref_slice %arg5[%arg0, %add3A_85, %dma_start3A_103] : memref<2x10240x128xf32, #tpu.memory_space<hbm>> -> memref<1x128x128xf32, #tpu.memory_space<hbm>>
      %dma_start3A_105 = tpu.memref_squeeze %dma_start3A_104 : memref<1x128x128xf32, #tpu.memory_space<hbm>> -> memref<128x128xf32, #tpu.memory_space<hbm>>
      %dma_start3A_106 = arith.constant 0 : i32
      %dma_start3A_107 = tpu.memref_slice %arg5[%arg0, %add3A_85, %dma_start3A_106] : memref<2x10240x128xf32, #tpu.memory_space<hbm>> -> memref<1x128x128xf32, #tpu.memory_space<hbm>>
      %dma_start3A_108 = tpu.memref_squeeze %dma_start3A_107 : memref<1x128x128xf32, #tpu.memory_space<hbm>> -> memref<128x128xf32, #tpu.memory_space<hbm>>
      tpu.enqueue_dma source(%arg8 : memref<128x128xf32, #tpu.memory_space<vmem>>) target(%dma_start3A_108 : memref<128x128xf32, #tpu.memory_space<hbm>>) target_semaphore(%run_scoped3A_102 : memref<!tpu.dma_semaphore, #tpu.memory_space<semaphore_mem>>)
      %dma_wait3A_109 = arith.constant 0 : i32
      %dma_wait3A_110 = tpu.memref_slice %arg5[%arg0, %add3A_85, %dma_wait3A_109] : memref<2x10240x128xf32, #tpu.memory_space<hbm>> -> memref<1x128x128xf32, #tpu.memory_space<hbm>>
      %dma_wait3A_111 = tpu.memref_squeeze %dma_wait3A_110 : memref<1x128x128xf32, #tpu.memory_space<hbm>> -> memref<128x128xf32, #tpu.memory_space<hbm>>
      %dma_wait3A_112 = arith.constant 0 : i32
      %dma_wait3A_113 = tpu.memref_slice %arg5[%arg0, %add3A_85, %dma_wait3A_112] : memref<2x10240x128xf32, #tpu.memory_space<hbm>> -> memref<1x128x128xf32, #tpu.memory_space<hbm>>
      %dma_wait3A_114 = tpu.memref_squeeze %dma_wait3A_113 : memref<1x128x128xf32, #tpu.memory_space<hbm>> -> memref<128x128xf32, #tpu.memory_space<hbm>>
      tpu.wait_dma2 semaphore(%run_scoped3A_102 : memref<!tpu.dma_semaphore, #tpu.memory_space<semaphore_mem>>) src(%arg8 : memref<128x128xf32, #tpu.memory_space<vmem>>) dst(%dma_wait3A_114 : memref<128x128xf32, #tpu.memory_space<hbm>>)
      tpu.yield
    }) : () -> ()
    %add3A_86 = arith.constant 128 : i32
    %add3A_87 = arith.addi %mul3A_6, %add3A_86 : i32
    "tpu.region"() ({
      %run_scoped3A_102 = tpu.sem_alloc : memref<!tpu.dma_semaphore, #tpu.memory_space<semaphore_mem>>
      %dma_start3A_103 = arith.constant 0 : i32
      %dma_start3A_104 = tpu.memref_slice %arg10[%add3A_87, %dma_start3A_103] : memref<10240x128xf32, #tpu.memory_space<vmem_shared>> -> memref<128x128xf32, #tpu.memory_space<vmem_shared>>
      %dma_start3A_105 = arith.constant 0 : i32
      %dma_start3A_106 = tpu.memref_slice %arg10[%add3A_87, %dma_start3A_105] : memref<10240x128xf32, #tpu.memory_space<vmem_shared>> -> memref<128x128xf32, #tpu.memory_space<vmem_shared>>
      tpu.enqueue_dma source(%dma_start3A_106 : memref<128x128xf32, #tpu.memory_space<vmem_shared>>) target(%arg8 : memref<128x128xf32, #tpu.memory_space<vmem>>) target_semaphore(%run_scoped3A_102 : memref<!tpu.dma_semaphore, #tpu.memory_space<semaphore_mem>>)
      %dma_wait3A_107 = arith.constant 0 : i32
      %dma_wait3A_108 = tpu.memref_slice %arg10[%add3A_87, %dma_wait3A_107] : memref<10240x128xf32, #tpu.memory_space<vmem_shared>> -> memref<128x128xf32, #tpu.memory_space<vmem_shared>>
      %dma_wait3A_109 = arith.constant 0 : i32
      %dma_wait3A_110 = tpu.memref_slice %arg10[%add3A_87, %dma_wait3A_109] : memref<10240x128xf32, #tpu.memory_space<vmem_shared>> -> memref<128x128xf32, #tpu.memory_space<vmem_shared>>
      tpu.wait_dma2 semaphore(%run_scoped3A_102 : memref<!tpu.dma_semaphore, #tpu.memory_space<semaphore_mem>>) src(%dma_wait3A_110 : memref<128x128xf32, #tpu.memory_space<vmem_shared>>) dst(%arg8 : memref<128x128xf32, #tpu.memory_space<vmem>>)
      tpu.yield
    }) : () -> ()
    %add3A_88 = arith.constant 128 : i32
    %add3A_89 = arith.addi %mul3A_6, %add3A_88 : i32
    "tpu.region"() ({
      %run_scoped3A_102 = tpu.sem_alloc : memref<!tpu.dma_semaphore, #tpu.memory_space<semaphore_mem>>
      %dma_start3A_103 = arith.constant 0 : i32
      %dma_start3A_104 = tpu.memref_slice %arg5[%arg0, %add3A_89, %dma_start3A_103] : memref<2x10240x128xf32, #tpu.memory_space<hbm>> -> memref<1x128x128xf32, #tpu.memory_space<hbm>>
      %dma_start3A_105 = tpu.memref_squeeze %dma_start3A_104 : memref<1x128x128xf32, #tpu.memory_space<hbm>> -> memref<128x128xf32, #tpu.memory_space<hbm>>
      %dma_start3A_106 = arith.constant 0 : i32
      %dma_start3A_107 = tpu.memref_slice %arg5[%arg0, %add3A_89, %dma_start3A_106] : memref<2x10240x128xf32, #tpu.memory_space<hbm>> -> memref<1x128x128xf32, #tpu.memory_space<hbm>>
      %dma_start3A_108 = tpu.memref_squeeze %dma_start3A_107 : memref<1x128x128xf32, #tpu.memory_space<hbm>> -> memref<128x128xf32, #tpu.memory_space<hbm>>
      tpu.enqueue_dma source(%arg8 : memref<128x128xf32, #tpu.memory_space<vmem>>) target(%dma_start3A_108 : memref<128x128xf32, #tpu.memory_space<hbm>>) target_semaphore(%run_scoped3A_102 : memref<!tpu.dma_semaphore, #tpu.memory_space<semaphore_mem>>)
      %dma_wait3A_109 = arith.constant 0 : i32
      %dma_wait3A_110 = tpu.memref_slice %arg5[%arg0, %add3A_89, %dma_wait3A_109] : memref<2x10240x128xf32, #tpu.memory_space<hbm>> -> memref<1x128x128xf32, #tpu.memory_space<hbm>>
      %dma_wait3A_111 = tpu.memref_squeeze %dma_wait3A_110 : memref<1x128x128xf32, #tpu.memory_space<hbm>> -> memref<128x128xf32, #tpu.memory_space<hbm>>
      %dma_wait3A_112 = arith.constant 0 : i32
      %dma_wait3A_113 = tpu.memref_slice %arg5[%arg0, %add3A_89, %dma_wait3A_112] : memref<2x10240x128xf32, #tpu.memory_space<hbm>> -> memref<1x128x128xf32, #tpu.memory_space<hbm>>
      %dma_wait3A_114 = tpu.memref_squeeze %dma_wait3A_113 : memref<1x128x128xf32, #tpu.memory_space<hbm>> -> memref<128x128xf32, #tpu.memory_space<hbm>>
      tpu.wait_dma2 semaphore(%run_scoped3A_102 : memref<!tpu.dma_semaphore, #tpu.memory_space<semaphore_mem>>) src(%arg8 : memref<128x128xf32, #tpu.memory_space<vmem>>) dst(%dma_wait3A_114 : memref<128x128xf32, #tpu.memory_space<hbm>>)
      tpu.yield
    }) : () -> ()
    %add3A_90 = arith.constant 256 : i32
    %add3A_91 = arith.addi %mul3A_6, %add3A_90 : i32
    "tpu.region"() ({
      %run_scoped3A_102 = tpu.sem_alloc : memref<!tpu.dma_semaphore, #tpu.memory_space<semaphore_mem>>
      %dma_start3A_103 = arith.constant 0 : i32
      %dma_start3A_104 = tpu.memref_slice %arg10[%add3A_91, %dma_start3A_103] : memref<10240x128xf32, #tpu.memory_space<vmem_shared>> -> memref<128x128xf32, #tpu.memory_space<vmem_shared>>
      %dma_start3A_105 = arith.constant 0 : i32
      %dma_start3A_106 = tpu.memref_slice %arg10[%add3A_91, %dma_start3A_105] : memref<10240x128xf32, #tpu.memory_space<vmem_shared>> -> memref<128x128xf32, #tpu.memory_space<vmem_shared>>
      tpu.enqueue_dma source(%dma_start3A_106 : memref<128x128xf32, #tpu.memory_space<vmem_shared>>) target(%arg8 : memref<128x128xf32, #tpu.memory_space<vmem>>) target_semaphore(%run_scoped3A_102 : memref<!tpu.dma_semaphore, #tpu.memory_space<semaphore_mem>>)
      %dma_wait3A_107 = arith.constant 0 : i32
      %dma_wait3A_108 = tpu.memref_slice %arg10[%add3A_91, %dma_wait3A_107] : memref<10240x128xf32, #tpu.memory_space<vmem_shared>> -> memref<128x128xf32, #tpu.memory_space<vmem_shared>>
      %dma_wait3A_109 = arith.constant 0 : i32
      %dma_wait3A_110 = tpu.memref_slice %arg10[%add3A_91, %dma_wait3A_109] : memref<10240x128xf32, #tpu.memory_space<vmem_shared>> -> memref<128x128xf32, #tpu.memory_space<vmem_shared>>
      tpu.wait_dma2 semaphore(%run_scoped3A_102 : memref<!tpu.dma_semaphore, #tpu.memory_space<semaphore_mem>>) src(%dma_wait3A_110 : memref<128x128xf32, #tpu.memory_space<vmem_shared>>) dst(%arg8 : memref<128x128xf32, #tpu.memory_space<vmem>>)
      tpu.yield
    }) : () -> ()
    %add3A_92 = arith.constant 256 : i32
    %add3A_93 = arith.addi %mul3A_6, %add3A_92 : i32
    "tpu.region"() ({
      %run_scoped3A_102 = tpu.sem_alloc : memref<!tpu.dma_semaphore, #tpu.memory_space<semaphore_mem>>
      %dma_start3A_103 = arith.constant 0 : i32
      %dma_start3A_104 = tpu.memref_slice %arg5[%arg0, %add3A_93, %dma_start3A_103] : memref<2x10240x128xf32, #tpu.memory_space<hbm>> -> memref<1x128x128xf32, #tpu.memory_space<hbm>>
      %dma_start3A_105 = tpu.memref_squeeze %dma_start3A_104 : memref<1x128x128xf32, #tpu.memory_space<hbm>> -> memref<128x128xf32, #tpu.memory_space<hbm>>
      %dma_start3A_106 = arith.constant 0 : i32
      %dma_start3A_107 = tpu.memref_slice %arg5[%arg0, %add3A_93, %dma_start3A_106] : memref<2x10240x128xf32, #tpu.memory_space<hbm>> -> memref<1x128x128xf32, #tpu.memory_space<hbm>>
      %dma_start3A_108 = tpu.memref_squeeze %dma_start3A_107 : memref<1x128x128xf32, #tpu.memory_space<hbm>> -> memref<128x128xf32, #tpu.memory_space<hbm>>
      tpu.enqueue_dma source(%arg8 : memref<128x128xf32, #tpu.memory_space<vmem>>) target(%dma_start3A_108 : memref<128x128xf32, #tpu.memory_space<hbm>>) target_semaphore(%run_scoped3A_102 : memref<!tpu.dma_semaphore, #tpu.memory_space<semaphore_mem>>)
      %dma_wait3A_109 = arith.constant 0 : i32
      %dma_wait3A_110 = tpu.memref_slice %arg5[%arg0, %add3A_93, %dma_wait3A_109] : memref<2x10240x128xf32, #tpu.memory_space<hbm>> -> memref<1x128x128xf32, #tpu.memory_space<hbm>>
      %dma_wait3A_111 = tpu.memref_squeeze %dma_wait3A_110 : memref<1x128x128xf32, #tpu.memory_space<hbm>> -> memref<128x128xf32, #tpu.memory_space<hbm>>
      %dma_wait3A_112 = arith.constant 0 : i32
      %dma_wait3A_113 = tpu.memref_slice %arg5[%arg0, %add3A_93, %dma_wait3A_112] : memref<2x10240x128xf32, #tpu.memory_space<hbm>> -> memref<1x128x128xf32, #tpu.memory_space<hbm>>
      %dma_wait3A_114 = tpu.memref_squeeze %dma_wait3A_113 : memref<1x128x128xf32, #tpu.memory_space<hbm>> -> memref<128x128xf32, #tpu.memory_space<hbm>>
      tpu.wait_dma2 semaphore(%run_scoped3A_102 : memref<!tpu.dma_semaphore, #tpu.memory_space<semaphore_mem>>) src(%arg8 : memref<128x128xf32, #tpu.memory_space<vmem>>) dst(%dma_wait3A_114 : memref<128x128xf32, #tpu.memory_space<hbm>>)
      tpu.yield
    }) : () -> ()
    %add3A_94 = arith.constant 384 : i32
    %add3A_95 = arith.addi %mul3A_6, %add3A_94 : i32
    "tpu.region"() ({
      %run_scoped3A_102 = tpu.sem_alloc : memref<!tpu.dma_semaphore, #tpu.memory_space<semaphore_mem>>
      %dma_start3A_103 = arith.constant 0 : i32
      %dma_start3A_104 = tpu.memref_slice %arg10[%add3A_95, %dma_start3A_103] : memref<10240x128xf32, #tpu.memory_space<vmem_shared>> -> memref<128x128xf32, #tpu.memory_space<vmem_shared>>
      %dma_start3A_105 = arith.constant 0 : i32
      %dma_start3A_106 = tpu.memref_slice %arg10[%add3A_95, %dma_start3A_105] : memref<10240x128xf32, #tpu.memory_space<vmem_shared>> -> memref<128x128xf32, #tpu.memory_space<vmem_shared>>
      tpu.enqueue_dma source(%dma_start3A_106 : memref<128x128xf32, #tpu.memory_space<vmem_shared>>) target(%arg8 : memref<128x128xf32, #tpu.memory_space<vmem>>) target_semaphore(%run_scoped3A_102 : memref<!tpu.dma_semaphore, #tpu.memory_space<semaphore_mem>>)
      %dma_wait3A_107 = arith.constant 0 : i32
      %dma_wait3A_108 = tpu.memref_slice %arg10[%add3A_95, %dma_wait3A_107] : memref<10240x128xf32, #tpu.memory_space<vmem_shared>> -> memref<128x128xf32, #tpu.memory_space<vmem_shared>>
      %dma_wait3A_109 = arith.constant 0 : i32
      %dma_wait3A_110 = tpu.memref_slice %arg10[%add3A_95, %dma_wait3A_109] : memref<10240x128xf32, #tpu.memory_space<vmem_shared>> -> memref<128x128xf32, #tpu.memory_space<vmem_shared>>
      tpu.wait_dma2 semaphore(%run_scoped3A_102 : memref<!tpu.dma_semaphore, #tpu.memory_space<semaphore_mem>>) src(%dma_wait3A_110 : memref<128x128xf32, #tpu.memory_space<vmem_shared>>) dst(%arg8 : memref<128x128xf32, #tpu.memory_space<vmem>>)
      tpu.yield
    }) : () -> ()
    %add3A_96 = arith.constant 384 : i32
    %add3A_97 = arith.addi %mul3A_6, %add3A_96 : i32
    "tpu.region"() ({
      %run_scoped3A_102 = tpu.sem_alloc : memref<!tpu.dma_semaphore, #tpu.memory_space<semaphore_mem>>
      %dma_start3A_103 = arith.constant 0 : i32
      %dma_start3A_104 = tpu.memref_slice %arg5[%arg0, %add3A_97, %dma_start3A_103] : memref<2x10240x128xf32, #tpu.memory_space<hbm>> -> memref<1x128x128xf32, #tpu.memory_space<hbm>>
      %dma_start3A_105 = tpu.memref_squeeze %dma_start3A_104 : memref<1x128x128xf32, #tpu.memory_space<hbm>> -> memref<128x128xf32, #tpu.memory_space<hbm>>
      %dma_start3A_106 = arith.constant 0 : i32
      %dma_start3A_107 = tpu.memref_slice %arg5[%arg0, %add3A_97, %dma_start3A_106] : memref<2x10240x128xf32, #tpu.memory_space<hbm>> -> memref<1x128x128xf32, #tpu.memory_space<hbm>>
      %dma_start3A_108 = tpu.memref_squeeze %dma_start3A_107 : memref<1x128x128xf32, #tpu.memory_space<hbm>> -> memref<128x128xf32, #tpu.memory_space<hbm>>
      tpu.enqueue_dma source(%arg8 : memref<128x128xf32, #tpu.memory_space<vmem>>) target(%dma_start3A_108 : memref<128x128xf32, #tpu.memory_space<hbm>>) target_semaphore(%run_scoped3A_102 : memref<!tpu.dma_semaphore, #tpu.memory_space<semaphore_mem>>)
      %dma_wait3A_109 = arith.constant 0 : i32
      %dma_wait3A_110 = tpu.memref_slice %arg5[%arg0, %add3A_97, %dma_wait3A_109] : memref<2x10240x128xf32, #tpu.memory_space<hbm>> -> memref<1x128x128xf32, #tpu.memory_space<hbm>>
      %dma_wait3A_111 = tpu.memref_squeeze %dma_wait3A_110 : memref<1x128x128xf32, #tpu.memory_space<hbm>> -> memref<128x128xf32, #tpu.memory_space<hbm>>
      %dma_wait3A_112 = arith.constant 0 : i32
      %dma_wait3A_113 = tpu.memref_slice %arg5[%arg0, %add3A_97, %dma_wait3A_112] : memref<2x10240x128xf32, #tpu.memory_space<hbm>> -> memref<1x128x128xf32, #tpu.memory_space<hbm>>
      %dma_wait3A_114 = tpu.memref_squeeze %dma_wait3A_113 : memref<1x128x128xf32, #tpu.memory_space<hbm>> -> memref<128x128xf32, #tpu.memory_space<hbm>>
      tpu.wait_dma2 semaphore(%run_scoped3A_102 : memref<!tpu.dma_semaphore, #tpu.memory_space<semaphore_mem>>) src(%arg8 : memref<128x128xf32, #tpu.memory_space<vmem>>) dst(%dma_wait3A_114 : memref<128x128xf32, #tpu.memory_space<hbm>>)
      tpu.yield
    }) : () -> ()
    %add3A_98 = arith.constant 512 : i32
    %add3A_99 = arith.addi %mul3A_6, %add3A_98 : i32
    "tpu.region"() ({
      %run_scoped3A_102 = tpu.sem_alloc : memref<!tpu.dma_semaphore, #tpu.memory_space<semaphore_mem>>
      %dma_start3A_103 = arith.constant 0 : i32
      %dma_start3A_104 = tpu.memref_slice %arg10[%add3A_99, %dma_start3A_103] : memref<10240x128xf32, #tpu.memory_space<vmem_shared>> -> memref<128x128xf32, #tpu.memory_space<vmem_shared>>
      %dma_start3A_105 = arith.constant 0 : i32
      %dma_start3A_106 = tpu.memref_slice %arg10[%add3A_99, %dma_start3A_105] : memref<10240x128xf32, #tpu.memory_space<vmem_shared>> -> memref<128x128xf32, #tpu.memory_space<vmem_shared>>
      tpu.enqueue_dma source(%dma_start3A_106 : memref<128x128xf32, #tpu.memory_space<vmem_shared>>) target(%arg8 : memref<128x128xf32, #tpu.memory_space<vmem>>) target_semaphore(%run_scoped3A_102 : memref<!tpu.dma_semaphore, #tpu.memory_space<semaphore_mem>>)
      %dma_wait3A_107 = arith.constant 0 : i32
      %dma_wait3A_108 = tpu.memref_slice %arg10[%add3A_99, %dma_wait3A_107] : memref<10240x128xf32, #tpu.memory_space<vmem_shared>> -> memref<128x128xf32, #tpu.memory_space<vmem_shared>>
      %dma_wait3A_109 = arith.constant 0 : i32
      %dma_wait3A_110 = tpu.memref_slice %arg10[%add3A_99, %dma_wait3A_109] : memref<10240x128xf32, #tpu.memory_space<vmem_shared>> -> memref<128x128xf32, #tpu.memory_space<vmem_shared>>
      tpu.wait_dma2 semaphore(%run_scoped3A_102 : memref<!tpu.dma_semaphore, #tpu.memory_space<semaphore_mem>>) src(%dma_wait3A_110 : memref<128x128xf32, #tpu.memory_space<vmem_shared>>) dst(%arg8 : memref<128x128xf32, #tpu.memory_space<vmem>>)
      tpu.yield
    }) : () -> ()
    %add3A_100 = arith.constant 512 : i32
    %add3A_101 = arith.addi %mul3A_6, %add3A_100 : i32
    "tpu.region"() ({
      %run_scoped3A_102 = tpu.sem_alloc : memref<!tpu.dma_semaphore, #tpu.memory_space<semaphore_mem>>
      %dma_start3A_103 = arith.constant 0 : i32
      %dma_start3A_104 = tpu.memref_slice %arg5[%arg0, %add3A_101, %dma_start3A_103] : memref<2x10240x128xf32, #tpu.memory_space<hbm>> -> memref<1x128x128xf32, #tpu.memory_space<hbm>>
      %dma_start3A_105 = tpu.memref_squeeze %dma_start3A_104 : memref<1x128x128xf32, #tpu.memory_space<hbm>> -> memref<128x128xf32, #tpu.memory_space<hbm>>
      %dma_start3A_106 = arith.constant 0 : i32
      %dma_start3A_107 = tpu.memref_slice %arg5[%arg0, %add3A_101, %dma_start3A_106] : memref<2x10240x128xf32, #tpu.memory_space<hbm>> -> memref<1x128x128xf32, #tpu.memory_space<hbm>>
      %dma_start3A_108 = tpu.memref_squeeze %dma_start3A_107 : memref<1x128x128xf32, #tpu.memory_space<hbm>> -> memref<128x128xf32, #tpu.memory_space<hbm>>
      tpu.enqueue_dma source(%arg8 : memref<128x128xf32, #tpu.memory_space<vmem>>) target(%dma_start3A_108 : memref<128x128xf32, #tpu.memory_space<hbm>>) target_semaphore(%run_scoped3A_102 : memref<!tpu.dma_semaphore, #tpu.memory_space<semaphore_mem>>)
      %dma_wait3A_109 = arith.constant 0 : i32
      %dma_wait3A_110 = tpu.memref_slice %arg5[%arg0, %add3A_101, %dma_wait3A_109] : memref<2x10240x128xf32, #tpu.memory_space<hbm>> -> memref<1x128x128xf32, #tpu.memory_space<hbm>>
      %dma_wait3A_111 = tpu.memref_squeeze %dma_wait3A_110 : memref<1x128x128xf32, #tpu.memory_space<hbm>> -> memref<128x128xf32, #tpu.memory_space<hbm>>
      %dma_wait3A_112 = arith.constant 0 : i32
      %dma_wait3A_113 = tpu.memref_slice %arg5[%arg0, %add3A_101, %dma_wait3A_112] : memref<2x10240x128xf32, #tpu.memory_space<hbm>> -> memref<1x128x128xf32, #tpu.memory_space<hbm>>
      %dma_wait3A_114 = tpu.memref_squeeze %dma_wait3A_113 : memref<1x128x128xf32, #tpu.memory_space<hbm>> -> memref<128x128xf32, #tpu.memory_space<hbm>>
      tpu.wait_dma2 semaphore(%run_scoped3A_102 : memref<!tpu.dma_semaphore, #tpu.memory_space<semaphore_mem>>) src(%arg8 : memref<128x128xf32, #tpu.memory_space<vmem>>) dst(%dma_wait3A_114 : memref<128x128xf32, #tpu.memory_space<hbm>>)
      tpu.yield
    }) : () -> ()
    return
  }
}

module attributes {stable_mosaic.version = 14 : i64} {
  func.func @_k1_body(%arg0: i32, %arg1: memref<1x1000x1xf32, #tpu.memory_space<vmem>>, %arg2: memref<1x1000x1xf32, #tpu.memory_space<vmem>>, %arg3: memref<1000x256xf32, #tpu.memory_space<vmem>>, %arg4: memref<256x128xf32, #tpu.memory_space<vmem>>, %arg5: memref<1000x128xf32, #tpu.memory_space<vmem>>, %arg6: memref<1000x1xf32, #tpu.memory_space<vmem>>) attributes {dimension_semantics = [#tpu.dimension_semantics<arbitrary>], iteration_bounds = array<i64: 10>, scalar_prefetch = 0 : i64, scratch_operands = 0 : i64, tpu.core_type = #tpu.core_type<tc>, window_params = [{transform_indices = @transform_0, window_bounds = array<i64: 1, 1000, 1>}, {transform_indices = @transform_1, window_bounds = array<i64: 1, 1000, 1>}, {transform_indices = @transform_2, window_bounds = array<i64: 1000, 256>}, {pipeline_mode = #tpu.pipeline_mode<synchronous>, transform_indices = @transform_3, window_bounds = array<i64: 256, 128>}, {transform_indices = @transform_4, window_bounds = array<i64: 1000, 128>}, {transform_indices = @transform_5, window_bounds = array<i64: 1000, 1>}]} {
    %get3A = arith.constant 0 : index
    %get3A_0 = arith.constant 0 : index
    %get3A_1 = arith.constant 0 : index
    %get3A_2 = vector.load %arg1[%get3A, %get3A_0, %get3A_1] : memref<1x1000x1xf32, #tpu.memory_space<vmem>>, vector<1x1000x1xf32>
    %reshape3A = vector.shape_cast %get3A_2 : vector<1x1000x1xf32> to vector<1000x1xf32>
    %get3A_3 = arith.constant 0 : index
    %get3A_4 = arith.constant 0 : index
    %get3A_5 = arith.constant 0 : index
    %get3A_6 = vector.load %arg2[%get3A_3, %get3A_4, %get3A_5] : memref<1x1000x1xf32, #tpu.memory_space<vmem>>, vector<1x1000x1xf32>
    %reshape3A_7 = vector.shape_cast %get3A_6 : vector<1x1000x1xf32> to vector<1000x1xf32>
    %add3A = arith.addf %reshape3A, %reshape3A_7 : vector<1000x1xf32>
    %add3A_8 = arith.constant 1.000000e+00 : f32
    %add3A_9 = vector.broadcast %add3A_8 : f32 to vector<1000x1xf32>
    %add3A_10 = arith.addf %add3A, %add3A_9 : vector<1000x1xf32>
    %rsqrt3A = math.rsqrt %add3A_10 : vector<1000x1xf32>
    %get3A_11 = arith.constant 0 : index
    %get3A_12 = arith.constant 0 : index
    %get3A_13 = vector.load %arg3[%get3A_11, %get3A_12] : memref<1000x256xf32, #tpu.memory_space<vmem>>, vector<1000x256xf32>
    %get3A_14 = arith.constant 0 : index
    %get3A_15 = arith.constant 0 : index
    %get3A_16 = vector.load %arg4[%get3A_14, %get3A_15] : memref<256x128xf32, #tpu.memory_space<vmem>>, vector<256x128xf32>
    %dot_general3A = arith.constant dense<0.000000e+00> : vector<1000x128xf32>
    %dot_general3A_17 = tpu.matmul %get3A_13, %get3A_16, %dot_general3A {dimension_numbers = #tpu.dot_dimension_numbers<[1], [0], [0], [1], [0, 0, 1, 1], [], []>, transpose_lhs_hint = false} : vector<1000x256xf32>, vector<256x128xf32>, vector<1000x128xf32> -> vector<1000x128xf32>
    %mul3A = vector.broadcast %rsqrt3A : vector<1000x1xf32> to vector<1000x128xf32>
    %mul3A_18 = arith.mulf %dot_general3A_17, %mul3A : vector<1000x128xf32>
    %swap3A = arith.constant 0 : index
    %swap3A_19 = arith.constant 0 : index
    %swap3A_20 = vector.load %arg5[%swap3A, %swap3A_19] : memref<1000x128xf32, #tpu.memory_space<vmem>>, vector<1000x128xf32>
    tpu.vector_store %arg5[%swap3A, %swap3A_19], %mul3A_18 {strides = array<i32>} : memref<1000x128xf32, #tpu.memory_space<vmem>>, vector<1000x128xf32>,
    %swap3A_21 = arith.constant 0 : index
    %swap3A_22 = arith.constant 0 : index
    %swap3A_23 = vector.load %arg6[%swap3A_21, %swap3A_22] : memref<1000x1xf32, #tpu.memory_space<vmem>>, vector<1000x1xf32>
    tpu.vector_store %arg6[%swap3A_21, %swap3A_22], %rsqrt3A {strides = array<i32>} : memref<1000x1xf32, #tpu.memory_space<vmem>>, vector<1000x1xf32>,
    return
  }
  func.func @transform_0(%arg0: i32) -> (i32, i32, i32) {
    %c0_i32 = arith.constant 0 : i32
    %c0_i32_0 = arith.constant 0 : i32
    %c0_i32_1 = arith.constant 0 : i32
    return %c0_i32, %arg0, %c0_i32_0 : i32, i32, i32
  }
  func.func @transform_1(%arg0: i32) -> (i32, i32, i32) {
    %c1_i32 = arith.constant 1 : i32
    %c0_i32 = arith.constant 0 : i32
    %c0_i32_0 = arith.constant 0 : i32
    return %c1_i32, %arg0, %c0_i32 : i32, i32, i32
  }
  func.func @transform_2(%arg0: i32) -> (i32, i32) {
    %c0_i32 = arith.constant 0 : i32
    %c0_i32_0 = arith.constant 0 : i32
    return %arg0, %c0_i32 : i32, i32
  }
  func.func @transform_3(%arg0: i32) -> (i32, i32) {
    %c0_i32 = arith.constant 0 : i32
    %c0_i32_0 = arith.constant 0 : i32
    %c0_i32_1 = arith.constant 0 : i32
    return %c0_i32, %c0_i32_0 : i32, i32
  }
  func.func @transform_4(%arg0: i32) -> (i32, i32) {
    %c0_i32 = arith.constant 0 : i32
    %c0_i32_0 = arith.constant 0 : i32
    return %arg0, %c0_i32 : i32, i32
  }
  func.func @transform_5(%arg0: i32) -> (i32, i32) {
    %c0_i32 = arith.constant 0 : i32
    %c0_i32_0 = arith.constant 0 : i32
    return %arg0, %c0_i32 : i32, i32
  }
}

module attributes {stable_mosaic.version = 14 : i64} {
  func.func @_k2_body(%arg0: i32, %arg1: memref<1x1000x128xf32, #tpu.memory_space<vmem>>, %arg2: memref<1x1000x128xf32, #tpu.memory_space<vmem>>, %arg3: memref<1000x128xf32, #tpu.memory_space<vmem>>, %arg4: memref<1000x1xf32, #tpu.memory_space<vmem>>, %arg5: memref<1x128xf32, #tpu.memory_space<vmem>>, %arg6: memref<128x128xf32, #tpu.memory_space<vmem>>, %arg7: memref<1000x128xf32, #tpu.memory_space<vmem>>) attributes {dimension_semantics = [#tpu.dimension_semantics<arbitrary>], iteration_bounds = array<i64: 10>, scalar_prefetch = 0 : i64, scratch_operands = 0 : i64, tpu.core_type = #tpu.core_type<tc>, window_params = [{transform_indices = @transform_0, window_bounds = array<i64: 1, 1000, 128>}, {transform_indices = @transform_1, window_bounds = array<i64: 1, 1000, 128>}, {transform_indices = @transform_2, window_bounds = array<i64: 1000, 128>}, {transform_indices = @transform_3, window_bounds = array<i64: 1000, 1>}, {pipeline_mode = #tpu.pipeline_mode<synchronous>, transform_indices = @transform_4, window_bounds = array<i64: 1, 128>}, {pipeline_mode = #tpu.pipeline_mode<synchronous>, transform_indices = @transform_5, window_bounds = array<i64: 128, 128>}, {transform_indices = @transform_6, window_bounds = array<i64: 1000, 128>}]} {
    %get3A = arith.constant 0 : index
    %get3A_0 = arith.constant 0 : index
    %get3A_1 = arith.constant 0 : index
    %get3A_2 = vector.load %arg1[%get3A, %get3A_0, %get3A_1] : memref<1x1000x128xf32, #tpu.memory_space<vmem>>, vector<1x1000x128xf32>
    %reshape3A = vector.shape_cast %get3A_2 : vector<1x1000x128xf32> to vector<1000x128xf32>
    %get3A_3 = arith.constant 0 : index
    %get3A_4 = arith.constant 0 : index
    %get3A_5 = arith.constant 0 : index
    %get3A_6 = vector.load %arg2[%get3A_3, %get3A_4, %get3A_5] : memref<1x1000x128xf32, #tpu.memory_space<vmem>>, vector<1x1000x128xf32>
    %reshape3A_7 = vector.shape_cast %get3A_6 : vector<1x1000x128xf32> to vector<1000x128xf32>
    %add3A = arith.addf %reshape3A, %reshape3A_7 : vector<1000x128xf32>
    %get3A_8 = arith.constant 0 : index
    %get3A_9 = arith.constant 0 : index
    %get3A_10 = vector.load %arg4[%get3A_8, %get3A_9] : memref<1000x1xf32, #tpu.memory_space<vmem>>, vector<1000x1xf32>
    %get3A_11 = arith.constant 0 : index
    %get3A_12 = arith.constant 0 : index
    %get3A_13 = vector.load %arg3[%get3A_11, %get3A_12] : memref<1000x128xf32, #tpu.memory_space<vmem>>, vector<1000x128xf32>
    %add3A_14 = arith.addf %add3A, %get3A_13 : vector<1000x128xf32>
    %mul3A = vector.broadcast %get3A_10 : vector<1000x1xf32> to vector<1000x128xf32>
    %mul3A_15 = arith.mulf %mul3A, %add3A_14 : vector<1000x128xf32>
    %get3A_16 = arith.constant 0 : index
    %get3A_17 = arith.constant 0 : index
    %get3A_18 = vector.load %arg5[%get3A_16, %get3A_17] : memref<1x128xf32, #tpu.memory_space<vmem>>, vector<1x128xf32>
    %add3A_19 = vector.broadcast %get3A_18 : vector<1x128xf32> to vector<1000x128xf32>
    %add3A_20 = arith.addf %mul3A_15, %add3A_19 : vector<1000x128xf32>
    %max3A = arith.constant 0.000000e+00 : f32
    %max3A_21 = vector.broadcast %max3A : f32 to vector<1000x128xf32>
    %max3A_22 = arith.maximumf %add3A_20, %max3A_21 : vector<1000x128xf32>
    %get3A_23 = arith.constant 0 : index
    %get3A_24 = arith.constant 0 : index
    %get3A_25 = vector.load %arg6[%get3A_23, %get3A_24] : memref<128x128xf32, #tpu.memory_space<vmem>>, vector<128x128xf32>
    %dot_general3A = arith.constant dense<0.000000e+00> : vector<1000x128xf32>
    %dot_general3A_26 = tpu.matmul %max3A_22, %get3A_25, %dot_general3A {dimension_numbers = #tpu.dot_dimension_numbers<[1], [0], [0], [1], [0, 0, 1, 1], [], []>, transpose_lhs_hint = false} : vector<1000x128xf32>, vector<128x128xf32>, vector<1000x128xf32> -> vector<1000x128xf32>
    %mul3A_27 = vector.broadcast %get3A_10 : vector<1000x1xf32> to vector<1000x128xf32>
    %mul3A_28 = arith.mulf %mul3A_27, %dot_general3A_26 : vector<1000x128xf32>
    %swap3A = arith.constant 0 : index
    %swap3A_29 = arith.constant 0 : index
    %swap3A_30 = vector.load %arg7[%swap3A, %swap3A_29] : memref<1000x128xf32, #tpu.memory_space<vmem>>, vector<1000x128xf32>
    tpu.vector_store %arg7[%swap3A, %swap3A_29], %mul3A_28 {strides = array<i32>} : memref<1000x128xf32, #tpu.memory_space<vmem>>, vector<1000x128xf32>,
    return
  }
  func.func @transform_0(%arg0: i32) -> (i32, i32, i32) {
    %c0_i32 = arith.constant 0 : i32
    %c0_i32_0 = arith.constant 0 : i32
    %c0_i32_1 = arith.constant 0 : i32
    return %c0_i32, %arg0, %c0_i32_0 : i32, i32, i32
  }
  func.func @transform_1(%arg0: i32) -> (i32, i32, i32) {
    %c1_i32 = arith.constant 1 : i32
    %c0_i32 = arith.constant 0 : i32
    %c0_i32_0 = arith.constant 0 : i32
    return %c1_i32, %arg0, %c0_i32 : i32, i32, i32
  }
  func.func @transform_2(%arg0: i32) -> (i32, i32) {
    %c0_i32 = arith.constant 0 : i32
    %c0_i32_0 = arith.constant 0 : i32
    return %arg0, %c0_i32 : i32, i32
  }
  func.func @transform_3(%arg0: i32) -> (i32, i32) {
    %c0_i32 = arith.constant 0 : i32
    %c0_i32_0 = arith.constant 0 : i32
    return %arg0, %c0_i32 : i32, i32
  }
  func.func @transform_4(%arg0: i32) -> (i32, i32) {
    %c0_i32 = arith.constant 0 : i32
    %c0_i32_0 = arith.constant 0 : i32
    %c0_i32_1 = arith.constant 0 : i32
    return %c0_i32, %c0_i32_0 : i32, i32
  }
  func.func @transform_5(%arg0: i32) -> (i32, i32) {
    %c0_i32 = arith.constant 0 : i32
    %c0_i32_0 = arith.constant 0 : i32
    %c0_i32_1 = arith.constant 0 : i32
    return %c0_i32, %c0_i32_0 : i32, i32
  }
  func.func @transform_6(%arg0: i32) -> (i32, i32) {
    %c0_i32 = arith.constant 0 : i32
    %c0_i32_0 = arith.constant 0 : i32
    return %arg0, %c0_i32 : i32, i32
  }
}

module attributes {stable_mosaic.version = 14 : i64} {
  func.func @_k3_body(%arg0: i32, %arg1: memref<1x1000x128xf32, #tpu.memory_space<vmem>>, %arg2: memref<1x1000x128xf32, #tpu.memory_space<vmem>>, %arg3: memref<1000x128xf32, #tpu.memory_space<vmem>>, %arg4: memref<1000x1xf32, #tpu.memory_space<vmem>>, %arg5: memref<1x128xf32, #tpu.memory_space<vmem>>, %arg6: memref<1000x128xf32, #tpu.memory_space<vmem>>) attributes {dimension_semantics = [#tpu.dimension_semantics<arbitrary>], iteration_bounds = array<i64: 10>, scalar_prefetch = 0 : i64, scratch_operands = 0 : i64, tpu.core_type = #tpu.core_type<tc>, window_params = [{transform_indices = @transform_0, window_bounds = array<i64: 1, 1000, 128>}, {transform_indices = @transform_1, window_bounds = array<i64: 1, 1000, 128>}, {transform_indices = @transform_2, window_bounds = array<i64: 1000, 128>}, {transform_indices = @transform_3, window_bounds = array<i64: 1000, 1>}, {pipeline_mode = #tpu.pipeline_mode<synchronous>, transform_indices = @transform_4, window_bounds = array<i64: 1, 128>}, {transform_indices = @transform_5, window_bounds = array<i64: 1000, 128>}]} {
    %get3A = arith.constant 0 : index
    %get3A_0 = arith.constant 0 : index
    %get3A_1 = arith.constant 0 : index
    %get3A_2 = vector.load %arg1[%get3A, %get3A_0, %get3A_1] : memref<1x1000x128xf32, #tpu.memory_space<vmem>>, vector<1x1000x128xf32>
    %reshape3A = vector.shape_cast %get3A_2 : vector<1x1000x128xf32> to vector<1000x128xf32>
    %get3A_3 = arith.constant 0 : index
    %get3A_4 = arith.constant 0 : index
    %get3A_5 = arith.constant 0 : index
    %get3A_6 = vector.load %arg2[%get3A_3, %get3A_4, %get3A_5] : memref<1x1000x128xf32, #tpu.memory_space<vmem>>, vector<1x1000x128xf32>
    %reshape3A_7 = vector.shape_cast %get3A_6 : vector<1x1000x128xf32> to vector<1000x128xf32>
    %add3A = arith.addf %reshape3A, %reshape3A_7 : vector<1000x128xf32>
    %get3A_8 = arith.constant 0 : index
    %get3A_9 = arith.constant 0 : index
    %get3A_10 = vector.load %arg4[%get3A_8, %get3A_9] : memref<1000x1xf32, #tpu.memory_space<vmem>>, vector<1000x1xf32>
    %get3A_11 = arith.constant 0 : index
    %get3A_12 = arith.constant 0 : index
    %get3A_13 = vector.load %arg3[%get3A_11, %get3A_12] : memref<1000x128xf32, #tpu.memory_space<vmem>>, vector<1000x128xf32>
    %add3A_14 = arith.addf %add3A, %get3A_13 : vector<1000x128xf32>
    %mul3A = vector.broadcast %get3A_10 : vector<1000x1xf32> to vector<1000x128xf32>
    %mul3A_15 = arith.mulf %mul3A, %add3A_14 : vector<1000x128xf32>
    %get3A_16 = arith.constant 0 : index
    %get3A_17 = arith.constant 0 : index
    %get3A_18 = vector.load %arg5[%get3A_16, %get3A_17] : memref<1x128xf32, #tpu.memory_space<vmem>>, vector<1x128xf32>
    %add3A_19 = vector.broadcast %get3A_18 : vector<1x128xf32> to vector<1000x128xf32>
    %add3A_20 = arith.addf %mul3A_15, %add3A_19 : vector<1000x128xf32>
    %swap3A = arith.constant 0 : index
    %swap3A_21 = arith.constant 0 : index
    %swap3A_22 = vector.load %arg6[%swap3A, %swap3A_21] : memref<1000x128xf32, #tpu.memory_space<vmem>>, vector<1000x128xf32>
    tpu.vector_store %arg6[%swap3A, %swap3A_21], %add3A_20 {strides = array<i32>} : memref<1000x128xf32, #tpu.memory_space<vmem>>, vector<1000x128xf32>,
    return
  }
  func.func @transform_0(%arg0: i32) -> (i32, i32, i32) {
    %c0_i32 = arith.constant 0 : i32
    %c0_i32_0 = arith.constant 0 : i32
    %c0_i32_1 = arith.constant 0 : i32
    return %c0_i32, %arg0, %c0_i32_0 : i32, i32, i32
  }
  func.func @transform_1(%arg0: i32) -> (i32, i32, i32) {
    %c1_i32 = arith.constant 1 : i32
    %c0_i32 = arith.constant 0 : i32
    %c0_i32_0 = arith.constant 0 : i32
    return %c1_i32, %arg0, %c0_i32 : i32, i32, i32
  }
  func.func @transform_2(%arg0: i32) -> (i32, i32) {
    %c0_i32 = arith.constant 0 : i32
    %c0_i32_0 = arith.constant 0 : i32
    return %arg0, %c0_i32 : i32, i32
  }
  func.func @transform_3(%arg0: i32) -> (i32, i32) {
    %c0_i32 = arith.constant 0 : i32
    %c0_i32_0 = arith.constant 0 : i32
    return %arg0, %c0_i32 : i32, i32
  }
  func.func @transform_4(%arg0: i32) -> (i32, i32) {
    %c0_i32 = arith.constant 0 : i32
    %c0_i32_0 = arith.constant 0 : i32
    %c0_i32_1 = arith.constant 0 : i32
    return %c0_i32, %c0_i32_0 : i32, i32
  }
  func.func @transform_5(%arg0: i32) -> (i32, i32) {
    %c0_i32 = arith.constant 0 : i32
    %c0_i32_0 = arith.constant 0 : i32
    return %arg0, %c0_i32 : i32, i32
  }
}

</mosaic_0001>

<sc_bundles>
// kernel: kernel.11.cloned.1.call-start
scs
__scs_entry_jumppad:
0x0: {  	(pc) =	sbr.rel $0x88, $3  }
0x1: {  	(tag) =	ssettag $0x0;
	lr =	simm.s32 $0x1  }
0x2: {  	[smem:$0x3F9B] =	sst lr;
	_ =	strace $0xD0000000  }
0x3: {  	_ = 	snop  }
0x4: {  	_ = 	snop  }
0x5: {  	_ = 	snop  }
0x6: {  	_ = 	snop  }
0x7: {  	_ = 	snop  }
__scs_overlays_trampoline_lowered:
0x8: {  	[smem:$0x3FAA] =	sst s0  }
0x9: {  	[smem:$0x3FAB] =	sst s1  }
0xa: {  	[smem:$0x3FAC] =	sst s2  }
0xb: {  	[smem:$0x3FAD] =	sst s3  }
0xc: {  	[smem:$0x3FAE] =	sst s4  }
0xd: {  	[smem:$0x3FAF] =	sst s5  }
0xe: {  	[smem:$0x3FB0] =	sst s6  }
0xf: {  	[smem:$0x3FB1] =	sst s7  }
0x10: {  	[smem:$0x3FB2] =	sst s8  }
0x11: {  	[smem:$0x3FB3] =	sst s9;
	s0 =	simm.s32 @!p0 $0x0  }
0x12: {  	s1 =	sld [smem:$0x3F99];
	s0 =	simm.s32 @p0 $0x1  }
0x13: {  	[smem:$0x3FB4] =	sst s0;
	s0 =	simm.s32 @!p1 $0x0  }
0x14: {  	s2 =	sld [smem:$0x3F98];
	s0 =	simm.s32 @p1 $0x1  }
0x15: {  	[smem:$0x3FB5] =	sst s0;
	s0 =	simm.s32 @!p2 $0x0  }
0x16: {  	s3 =	sld [smem:$0x3FDB];
	s0 =	simm.s32 @p2 $0x1  }
0x17: {  	s4 =	simm.s32 $0x1BF5;
	[smem:$0x3FB7] =	sst s0  }
0x18: {  	s0 =	sld [smem:$0x3F9A];
	_ =	swait.ge [sflag:s4], $0x0  }
0x19: {  	s7 =	sld [smem:$0x3F9B]  }
0x1a: {  	s8 =	sadd.s32 $0xFFFFE003, lr  }
0x1b: {  	s9 =	sadd.s32 $0xFFFFFEF7, lr;
	s5 =	simm.s32 $0xFFFFFFFF;
	p2 =	slt.u32 s8, $0xFFFFF086  }
0x1c: {  	p1 =	slt.u32 s9, $0xF7A;
	s5 =	simm.s32 @!p2 $0x0  }
0x1d: {  	s5 =	simm.s32 @p1 $0x1;
	p0 =	seq.s32 s7, s2  }
0x1e: {  	s7 =	smul.u32 @!p0 $0xF7A, s2;
	p2 =	seq.s32 @!p0 s5, $0x0  }
0x1f: {  	s9 =	smul.u32 $0xF7A, s1;
	s8 =	simm.s32 @!p0 $0x1BF5;
	p2 =	por !p2, p0  }
0x20: {  	[sflag:s8] =	ssyncset.s32 @!p0 $0xFFFFF086;
	s6 =	sadd.s32 @!p0 s3, s7;
	s7 =	simm.s32 @!p0 $0x108  }
0x21: {  	s3 =	sadd.s32 s3, s9;
	s6 =	sadd.s32 @!p0 $0x88, s6;
	s7 =	simm.s32 @p2 $0x1082  }
0x22: {  	[simem:s7], [sflag:s8] =	dma.local @!p0 [hbm:s6], $0xF7A  }
0x23: {  	s9 =	sor.u32 $0xD0000000, s2;
	s6 =	simm.s32 $0x108;
	_ =	swait.ge @!p0 [sflag:s8], $0x0  }
0x24: {  	s3 =	sadd.s32 $0x88, s3;
	s6 =	simm.s32 @!p1 $0x1082;
	[sflag:s4] =	ssyncset.s32 $0xFFFFF086  }
0x25: {  	[simem:s6], [sflag:s4] =	dma.local [hbm:s3], $0xF7A  }
0x26: {  	[smem:$0x3F9B] =	sst s1;
	(tag) =	ssettag s2;
	_ =	strace s9  }
0x27: {  	s1 =	sld [smem:$0x3FAB]  }
0x28: {  	s2 =	sld [smem:$0x3FAC]  }
0x29: {  	s4 =	sld [smem:$0x3FAE]  }
0x2a: {  	p0 =	seq.s32 s5, $0x0;
	s5 =	sld [smem:$0x3FAF]  }
0x2b: {  	s6 =	sld [smem:$0x3FB0]  }
0x2c: {  	s7 =	sld [smem:$0x3FB1]  }
0x2d: {  	s3 =	simm.s32 $0x108;
	s8 =	sld [smem:$0x3FB2]  }
0x2e: {  	s3 =	simm.s32 @!p0 $0x1082;
	s9 =	sld [smem:$0x3FB3]  }
0x2f: {  	lr =	sadd.s32 s0, s3;
	s0 =	sld [smem:$0x3FAA]  }
0x30: {  	s3 =	sld [smem:$0x3FAD]  }
0x31: {  	[smem:$0x3FB6] =	sst s10  }
0x32: {  	s10 =	sld [smem:$0x3FB4];
	_ =	sdelay $0x3  }
0x33: {  	p0 =	seq.s32 s10, $0x1;
	s10 =	sld [smem:$0x3FB6];
	_ =	sdelay $0x3  }
0x34: {  	[smem:$0x3FB6] =	sst s10  }
0x35: {  	s10 =	sld [smem:$0x3FB5];
	_ =	sdelay $0x3  }
0x36: {  	p1 =	seq.s32 s10, $0x1;
	s10 =	sld [smem:$0x3FB6];
	_ =	sdelay $0x3  }
0x37: {  	[smem:$0x3FB6] =	sst s10  }
0x38: {  	s10 =	sld [smem:$0x3FB7]  }
0x39: {  	_ = 	snop;
	(pc) =	sbr.ind lr, $3  }
0x3a: {  	_ = 	snop  }
0x3b: {  	_ = 	snop  }
0x3c: {  	p2 =	seq.s32 s10, $0x1;
	s10 =	sld [smem:$0x3FB6]  }
0x3d: {  	_ =	shalt  }
0x3e: {  	_ =	shalt  }
0x3f: {  	_ =	shalt  }
0x40: {  	_ =	shalt  }
0x41: {  	_ =	shalt  }
0x42: {  	_ =	shalt  }
0x43: {  	_ =	shalt  }
0x44: {  	_ =	shalt  }
0x45: {  	_ =	shalt  }
0x46: {  	_ =	shalt  }
0x47: {  	_ =	shalt  }
0x48: {  	_ =	shalt  }
0x49: {  	_ =	shalt  }
0x4a: {  	_ =	shalt  }
0x4b: {  	_ =	shalt  }
0x4c: {  	_ =	shalt  }
0x4d: {  	_ =	shalt  }
0x4e: {  	_ =	shalt  }
0x4f: {  	_ =	shalt  }
0x50: {  	_ =	shalt  }
0x51: {  	_ =	shalt  }
0x52: {  	_ =	shalt  }
0x53: {  	_ =	shalt  }
0x54: {  	_ =	shalt  }
0x55: {  	_ =	shalt  }
0x56: {  	_ =	shalt  }
0x57: {  	_ =	shalt  }
0x58: {  	_ =	shalt  }
0x59: {  	_ =	shalt  }
0x5a: {  	_ =	shalt  }
0x5b: {  	_ =	shalt  }
0x5c: {  	_ =	shalt  }
0x5d: {  	_ =	shalt  }
0x5e: {  	_ =	shalt  }
0x5f: {  	_ =	shalt  }
0x60: {  	_ =	shalt  }
0x61: {  	_ =	shalt  }
0x62: {  	_ =	shalt  }
0x63: {  	_ =	shalt  }
0x64: {  	_ =	shalt  }
0x65: {  	_ =	shalt  }
0x66: {  	_ =	shalt  }
0x67: {  	_ =	shalt  }
0x68: {  	_ =	shalt  }
0x69: {  	_ =	shalt  }
0x6a: {  	_ =	shalt  }
0x6b: {  	_ =	shalt  }
0x6c: {  	_ =	shalt  }
0x6d: {  	_ =	shalt  }
0x6e: {  	_ =	shalt  }
0x6f: {  	_ =	shalt  }
0x70: {  	_ =	shalt  }
0x71: {  	_ =	shalt  }
0x72: {  	_ =	shalt  }
0x73: {  	_ =	shalt  }
0x74: {  	_ =	shalt  }
0x75: {  	_ =	shalt  }
0x76: {  	_ =	shalt  }
0x77: {  	_ =	shalt  }
0x78: {  	_ =	shalt  }
0x79: {  	_ =	shalt  }
0x7a: {  	_ =	shalt  }
0x7b: {  	_ =	shalt  }
0x7c: {  	_ =	shalt  }
0x7d: {  	_ =	shalt  }
0x7e: {  	_ =	shalt  }
0x7f: {  	_ =	shalt  }
0x80: {  	_ =	shalt  }
0x81: {  	_ =	shalt  }
0x82: {  	_ =	shalt  }
0x83: {  	_ =	shalt  }
0x84: {  	_ =	shalt  }
0x85: {  	_ =	shalt  }
0x86: {  	_ =	shalt  }
0x87: {  	_ =	shalt  }
.Lfunc_end0:
.L_simem_size_0:
called_computation.1_lowered:
.L_overlay_start_0:
0x88: {  	s2 =	sld [smem:$0x3FD9]  }
0x89: {  	s3 =	sld [smem:$0x3FFE];
	_ =	sdelay $0x1  }
0x8a: {  	s1 =	srdreg.scid  }
0x8b: {  	s0 =	sand.u32 $0x1, s1  }
0x8c: {  	s17 =	sshll.u32 s0, $0xA;
	s2 =	sadd.s32 s3, s2  }
0x8d: {  	s2 =	sadd.s32 s2, s17  }
0x8e: {  	[smem:$0x3FC2] =	sst s2  }
0x8f: {  	_ = 	snop  }
0x90: {  	s2 =	sld [smem:$0x3FD0];
	(tm) =	ssettm $0x1  }
0x91: {  	s18 =	sld [smem:$0x3FFB];
	_ =	sdelay $0x3  }
0x92: {  	_ =	strace s18  }
0x93: {  	s3 =	sld [smem:$0x3FFC];
	_ =	sdelay $0x3  }
0x94: {  	_ =	strace s3  }
0x95: {  	s3 =	sld [smem:$0x3FFD];
	_ =	sdelay $0x3  }
0x96: {  	_ =	strace s3  }
0x97: {  	_ =	strace $0x8FFFFFFF  }
0x98: {  	s19 =	sld [smem:$0x3FDB];
	_ =	sdelay $0x1  }
0x99: {  	s4 =	simm.s32 $_scs_section_size  }
0x9a: {  	s5 =	simm.s32 $_size__tile_overlayer_lowered;
	s6 =	simm.s32 $_tile_overlayer_lowered  }
0x9b: {  	s22 =	simm.s32 $0x1BFF;
	s21 =	sshll.u32 s6, $0x1;
	s3 =	sadd.s32 s4, s19  }
0x9c: {  	s7 =	simm.s32 $0x0;
	s20 =	sshll.u32 s5, $0x1;
	s5 =	sadd.s32 s21, s3  }
0x9d: {  	[timem:s7], [sflag:s22] =	dma.local [hbm:s5], s20  }
0x9e: {  	_ =	swait.ge [sflag:s22], s20  }
0x9f: {  	s4 =	ssub.s32 $0x0, s20;
	[sflag:s22] =	ssyncset.done $0x0  }
0xa0: {  	[sflag:s22] =	ssyncadd.s32 s4;
	_ =	sdelay $0x1  }
0xa1: {  	s23 =	simm.s32 $0x1B8B  }
0xa2: {  	_ =	swait.ge [sflag:s23], $0x1  }
0xa3: {  	[sflag:s23] =	ssyncset.done $0x0  }
0xa4: {  	s25 =	simm.s32 $0x1B8E;
	s24 =	sld [smem:$0x3FFE];
	[sflag:s23] =	ssyncadd.s32 $0xFFFFFFFF  }
0xa5: {  	s26 =	simm.s32 $execute0_lowered;
	[smem:$0x3FD2] =	sst s25  }
0xa6: {  	s5 =	sshll.u32 s26, $0x1;
	_ =	strace $0x80000049;
	[dreg:$0x1] =	wrdreg $0xFFFFFFFF  }
0xa7: {  	s28 =	simm.s32 $_size_execute0_lowered;
	s3 =	sadd.s32 s3, s5;
	[dreg:$0x0] =	wrdreg $0x0  }
0xa8: {  	s5 =	sshll.u32 s28, $0x1;
	[dreg:$0x2] =	wrdreg s3  }
0xa9: {  	[dreg:$0x3] =	wrdreg s5  }
0xaa: {  	[dreg:$0x4] =	wrdreg $0xC0  }
0xab: {  	_ =	task [dreg:s7], $0x5FFFF  }
0xac: {  	[dreg:$0x1] =	wrdreg $0xFFFFFFFF  }
0xad: {  	[dreg:$0x0] =	wrdreg $0x60  }
0xae: {  	[dreg:$0x2] =	wrdreg s2  }
0xaf: {  	[dreg:$0x3] =	wrdreg s24  }
0xb0: {  	[dreg:$0x4] =	wrdreg $0xA8000  }
0xb1: {  	[dreg:$0x5] =	wrdreg $0x9  }
0xb2: {  	_ =	task.clear_ibuf [dreg:s7], $0x6FFFF;
	_ =	strace $0x90000049  }
0xb3: {  	s29 =	simm.s32 $0x9;
	_ =	strace $0x8000004B  }
0xb4: {  	_ =	swait.ge [sflag:s29], $0x1  }
0xb5: {  	[sflag:s29] =	ssyncadd.s32 $0xFFFFFFFF  }
0xb6: {  	_ =	strace $0x9000004B  }
0xb7: {  	_ =	sfence  }
0xb8: {  	s30 =	sld [smem:$0x0];
	_ =	sdelay $0x2  }
0xb9: {  	s31 =	sshll.u32 s1, $0xD;
	s1 =	sshrl.u32 s1, $0x2  }
0xba: {  	s3 =	sand.u32 $0x4000, s31;
	s1 =	sadd.s32 s1, s30  }
0xbb: {  	s0 =	sor.u32 s3, s0;
	s1 =	sshll.u32 s1, $0x11  }
0xbc: {  	s0 =	sor.u32 s1, s0  }
0xbd: {  	s0 =	sadd.s32 $0x8F2B, s0  }
0xbe: {  	[sflag:s0] =	ssyncadd.remote.s32 $0x1  }
0xbf: {  	_ =	sfence.sel $0xFFFF  }
0xc0: {  	[dreg:$0x0] =	wrdreg $0xFFFFFFFF;
	(pc) =	sbr.abs _section_cstart, $3  }
0xc1: {  	[dreg:$0x1] =	wrdreg $0xFFFFFFFF  }
0xc2: {  	_ =	task.clear_ibuf [dreg:s7], $0x2FFFF;
	_ =	strace $0x9FFFFFFF  }
0xc3: {  	(tm) =	ssettm $0x7FFFFFFF  }
tec
execute0_lowered:
.L_overlay_start_1:
0x0: {  	(tag) =	ssettag $0x1  }
0x1: {  	s0 =	rddreg [dreg:$0x0]  }
0x2: {  	s1 =	srdreg.scid;
	s5 =	rddreg [dreg:$0x1]  }
0x3: {  	s3 =	rddreg [dreg:$0x2];
	s2 =	stileid.u32  }
0x4: {  	s4 =	simm.s32 $0x0;
	s21 =	simm.s32 $0x1;
	s22 =	simm.s32 $0x80  }
0x5: {  	s23 =	simm.s32 $0x6800;
	s24 =	simm.s32 $0x1380;
	s25 =	simm.s32 $0x2700  }
0x6: {  	s7 =	sand.u32 $0x1, s1;
	s1 =	rddreg [dreg:$0x3];
	s8 =	smul.u32 $0x50000, s2  }
0x7: {  	s28 =	simm.s32 $0x0;
	[smem:$0x7FF] =	sst s4;
	s10 =	smul.u32 $0x14000, s2  }
0x8: {  	s16 =	sadd.s32 $0xB800, s5;
	s6 =	sshll.u32 s7, $0x4;
	_ =	strace $0x8000004A  }
0x9: {  	s26 =	ssub.s32 $0x2, s7;
	s15 =	smul.u32 $0x140000, s7;
	s6 =	sor.u32 s2, s6  }
0xa: {  	s29 =	sshrl.u32 s26, $0x1;
	s8 =	sshrl.u32 s8, $0x2;
	s12 =	sadd.s32 $0x4000, s10  }
0xb: {  	s14 =	sadd.s32 $0x8000, s10;
	s18 =	sadd.s32 $0xC000, s10;
	s19 =	sadd.s32 $0x10000, s10  }
0xc: {  	s6 =	smul.u32 $0x280, s6;
	s17 =	ssub.s32 s26, s29;
	s7 =	sadd.s32 s14, s3  }
0xd: {  	s9 =	sadd.s32 s19, s3;
	s13 =	sadd.s32 s10, s15;
	s20 =	sadd.s32 s15, s12  }
0xe: {  	s14 =	sadd.s32 s15, s14;
	s19 =	sadd.s32 s15, s19;
	s26 =	simm.s32 $0x2780  }
0xf: {  	s13 =	sshrl.u32 s13, $0x3;
	s30 =	sshrl.u32 s20, $0x3;
	s14 =	sshrl.u32 s14, $0x3  }
0x10: {  	s31 =	sshrl.u32 s19, $0x3;
	s17 =	smax.u32 s17, $0x1;
	s19 =	simm.s32 $0x2  }
0x11: {  	s20 =	simm.s32 $0x1400;
	s11 =	sadd.s32 s6, s5;
	s5 =	sadd.s32 s8, s3  }
0x12: {  	s6 =	sadd.s32 s12, s3;
	s8 =	sadd.s32 s18, s3;
	s12 =	sadd.s32 s16, s13  }
0x13: {  	s13 =	sadd.s32 s16, s30;
	s18 =	sadd.s32 s15, s18;
	s14 =	sadd.s32 s16, s14  }
0x14: {  	s10 =	sadd.s32 $0x6800, s11;
	s11 =	sadd.s32 $0x1800, s11;
	s18 =	sshrl.u32 s18, $0x3  }
0x15: {  	v0 =	vimm.f32 $0.0e+00;
	s15 =	sadd.s32 s16, s18;
	s16 =	sadd.s32 s16, s31;
	s18 =	simm.s32 $0x2800  }
.LBB2_1:
0x16: {  	s29 =	simm.s32 $0x0;
	s30 =	simm.s32 $0x200  }
.LBB2_2:
0x17: {  	p0 =	sne.s32 s30, $0xFE00;
	[tilespmem:s29+$0x2870] =	vst v0  }
0x18: {  	[tilespmem:s29+$0x2800] =	vst v0  }
0x19: {  	[tilespmem:s29+$0x2810] =	vst v0  }
.Ltmp0:
0x1a: {  	[tilespmem:s29+$0x2820] =	vst v0;
	(pc) =	sbr.rel @p0 .LBB2_2-.Ltmp0, $4  }
0x1b: {  	[tilespmem:s29+$0x2830] =	vst v0  }
0x1c: {  	[tilespmem:s29+$0x2840] =	vst v0  }
0x1d: {  	[tilespmem:s29+$0x2850] =	vst v0  }
0x1e: {  	[tilespmem:s29+$0x2860] =	vst v0;
	s29 =	sshra.s32 s30, $0x2;
	s30 =	sadd.s32 $0x200, s30  }
0x1f: {  	[tilespmem:s29+$0x2870] =	vst v0  }
0x20: {  	[tilespmem:s29+$0x2800] =	vst v0  }
0x21: {  	[tilespmem:s29+$0x2810] =	vst v0  }
0x22: {  	[tilespmem:s29+$0x2820] =	vst v0  }
0x23: {  	[tilespmem:s29+$0x2830] =	vst v0  }
0x24: {  	[tilespmem:s29+$0x2840] =	vst v0  }
0x25: {  	[tilespmem:s29+$0x2850] =	vst v0  }
0x26: {  	[tilespmem:s29+$0x2860] =	vst v0  }
0x27: {  	[spmem:s5] =	stream.linear.scatter [tilespmem:s18], [sflag:$0x2], $0x4000, $0x38;
	[tilespmem:$0x1E800] =	vst v63  }
0x28: {  	_ =	swait.ge [sflag:s19], $0x4000  }
0x29: {  	[sflag:s19] =	ssyncset.done $0x0  }
0x2a: {  	[sflag:s19] =	ssyncadd.s32 $0xFFFFC000  }
0x2b: {  	[spmem:s6] =	stream.linear.scatter [tilespmem:s18], [sflag:$0x2], $0x4000, $0x38;
	[tilespmem:$0x1E800] =	vst v63  }
0x2c: {  	_ =	swait.ge [sflag:s19], $0x4000  }
0x2d: {  	[sflag:s19] =	ssyncset.done $0x0  }
0x2e: {  	[sflag:s19] =	ssyncadd.s32 $0xFFFFC000  }
0x2f: {  	[spmem:s7] =	stream.linear.scatter [tilespmem:s18], [sflag:$0x2], $0x4000, $0x38;
	[tilespmem:$0x1E800] =	vst v63  }
0x30: {  	_ =	swait.ge [sflag:s19], $0x4000  }
0x31: {  	[sflag:s19] =	ssyncset.done $0x0  }
0x32: {  	[sflag:s19] =	ssyncadd.s32 $0xFFFFC000  }
0x33: {  	[spmem:s8] =	stream.linear.scatter [tilespmem:s18], [sflag:$0x2], $0x4000, $0x38;
	[tilespmem:$0x1E800] =	vst v63  }
0x34: {  	_ =	swait.ge [sflag:s19], $0x4000  }
0x35: {  	[sflag:s19] =	ssyncset.done $0x0  }
0x36: {  	[sflag:s19] =	ssyncadd.s32 $0xFFFFC000  }
0x37: {  	[spmem:s9] =	stream.linear.scatter [tilespmem:s18], [sflag:$0x2], $0x4000, $0x38;
	[tilespmem:$0x1E800] =	vst v63  }
0x38: {  	_ =	swait.ge [sflag:s19], $0x4000  }
0x39: {  	[sflag:s19] =	ssyncset.done $0x0  }
0x3a: {  	[sflag:s19] =	ssyncadd.s32 $0xFFFFC000  }
0x3b: {  	s29 =	simm.s32 $0x0;
	[bflag:$0x0] =	sbarrier.arrive $0xFFFF  }
0x3c: {  	[tilespmem:s29], [sflag:$0x1] =	stream.linear.gather [hbm4b:s10+s29], $0x1400, $0x38;
	[tilespmem:$0x1E800] =	vst v63  }
0x3d: {  	_ = 	snop  }
0x3e: {  	[tilespmem:s20], [sflag:$0x1] =	stream.linear.gather [hbm4b:s11+s29], $0x1400, $0x38;
	[tilespmem:$0x1E800] =	vst v63  }
0x3f: {  	_ =	swait.ge [sflag:s21], $0x1400  }
0x40: {  	[sflag:s21] =	ssyncset.done $0x0  }
0x41: {  	[sflag:s21] =	ssyncadd.s32 $0xFFFFEC00  }
0x42: {  	_ =	swait.ge [sflag:s21], $0x1400  }
0x43: {  	[sflag:s21] =	ssyncset.done $0x0  }
0x44: {  	[sflag:s21] =	ssyncadd.s32 $0xFFFFEC00  }
0x45: {  	[tilespmem:s18], [sflag:$0x1] =	stream.indirect.gather [hbm4b:s0+s22], $0x80, s29, s22, $0xb8;
	[tilespmem:$0x1E800] =	vst v63  }
0x46: {  	_ =	swait.ge [sflag:s21], $0x4000  }
0x47: {  	[sflag:s21] =	ssyncset.done $0x0  }
0x48: {  	s29 =	simm.s32 $0x80;
	[sflag:s21] =	ssyncadd.s32 $0xFFFFC000  }
0x49: {  	[tilespmem:s23], [sflag:$0x1] =	stream.indirect.gather [hbm4b:s0+s22], $0x80, s29, s22, $0xb8;
	[tilespmem:$0x1E800] =	vst v63  }
0x4a: {  	s29 =	simm.s32 $0x1400  }
0x4b: {  	[spmem:s3] =	stream.indirect.scatter.add.f32 [tilespmem:s18], [sflag:$0x2], $0x80, s29, s22, $0xb8;
	[tilespmem:$0x1E800] =	vst v63  }
0x4c: {  	_ =	swait.ge [sflag:s19], $0x4000  }
0x4d: {  	[sflag:s19] =	ssyncset.done $0x0  }
0x4e: {  	[sflag:s19] =	ssyncadd.s32 $0xFFFFC000  }
0x4f: {  	_ =	swait.ge [sflag:s21], $0x4000  }
0x50: {  	[sflag:s21] =	ssyncset.done $0x0  }
0x51: {  	s29 =	simm.s32 $0x100;
	[sflag:s21] =	ssyncadd.s32 $0xFFFFC000  }
0x52: {  	[tilespmem:s18], [sflag:$0x1] =	stream.indirect.gather [hbm4b:s0+s22], $0x80, s29, s22, $0xb8;
	[tilespmem:$0x1E800] =	vst v63  }
0x53: {  	s29 =	simm.s32 $0x1480  }
0x54: {  	[spmem:s3] =	stream.indirect.scatter.add.f32 [tilespmem:s23], [sflag:$0x2], $0x80, s29, s22, $0xb8;
	[tilespmem:$0x1E800] =	vst v63  }
0x55: {  	_ =	swait.ge [sflag:s19], $0x4000  }
0x56: {  	s29 =	simm.s32 $0x400;
	[sflag:s19] =	ssyncset.done $0x0  }
.LBB2_4:
0x57: {  	p0 =	sne.s32 s29, $0x4800  }
0x58: {  	[sflag:s19] =	ssyncadd.s32 $0xFFFFC000;
	s30 =	smov.u32 s29;
	s29 =	sadd.s32 $0x400, s29  }
0x59: {  	_ = 	snop  }
0x5a: {  	_ =	swait.ge [sflag:s21], $0x4000  }
0x5b: {  	s30 =	sshra.s32 s30, $0x2;
	[sflag:s21] =	ssyncset.done $0x0  }
0x5c: {  	s31 =	sadd.s32 $0x80, s30;
	[sflag:s21] =	ssyncadd.s32 $0xFFFFC000  }
0x5d: {  	[tilespmem:s23], [sflag:$0x1] =	stream.indirect.gather [hbm4b:s0+s22], $0x80, s31, s22, $0xb8;
	[tilespmem:$0x1E800] =	vst v63  }
0x5e: {  	s31 =	sadd.s32 $0x1400, s30  }
0x5f: {  	[spmem:s3] =	stream.indirect.scatter.add.f32 [tilespmem:s18], [sflag:$0x2], $0x80, s31, s22, $0xb8;
	[tilespmem:$0x1E800] =	vst v63  }
0x60: {  	_ =	swait.ge [sflag:s19], $0x4000  }
0x61: {  	[sflag:s19] =	ssyncset.done $0x0  }
0x62: {  	[sflag:s19] =	ssyncadd.s32 $0xFFFFC000  }
0x63: {  	_ =	swait.ge [sflag:s21], $0x4000  }
0x64: {  	[sflag:s21] =	ssyncset.done $0x0  }
0x65: {  	s31 =	sadd.s32 $0x100, s30;
	[sflag:s21] =	ssyncadd.s32 $0xFFFFC000  }
0x66: {  	[tilespmem:s18], [sflag:$0x1] =	stream.indirect.gather [hbm4b:s0+s22], $0x80, s31, s22, $0xb8;
	[tilespmem:$0x1E800] =	vst v63  }
.Ltmp1:
0x67: {  	_ = 	snop;
	(pc) =	sbr.rel @p0 .LBB2_4-.Ltmp1, $4  }
0x68: {  	s30 =	sadd.s32 $0x1480, s30  }
0x69: {  	[spmem:s3] =	stream.indirect.scatter.add.f32 [tilespmem:s23], [sflag:$0x2], $0x80, s30, s22, $0xb8;
	[tilespmem:$0x1E800] =	vst v63  }
0x6a: {  	_ =	swait.ge [sflag:s19], $0x4000  }
0x6b: {  	[sflag:s19] =	ssyncset.done $0x0  }
0x6c: {  	[sflag:s19] =	ssyncadd.s32 $0xFFFFC000  }
0x6d: {  	_ =	swait.ge [sflag:s21], $0x4000  }
0x6e: {  	[sflag:s21] =	ssyncset.done $0x0  }
0x6f: {  	[sflag:s21] =	ssyncadd.s32 $0xFFFFC000  }
0x70: {  	[tilespmem:s23], [sflag:$0x1] =	stream.indirect.gather [hbm4b:s0+s22], $0x80, s24, s22, $0xb8;
	[tilespmem:$0x1E800] =	vst v63  }
0x71: {  	_ = 	snop  }
0x72: {  	[spmem:s3] =	stream.indirect.scatter.add.f32 [tilespmem:s18], [sflag:$0x2], $0x80, s25, s22, $0xb8;
	[tilespmem:$0x1E800] =	vst v63  }
0x73: {  	_ =	swait.ge [sflag:s19], $0x4000  }
0x74: {  	[sflag:s19] =	ssyncset.done $0x0  }
0x75: {  	[sflag:s19] =	ssyncadd.s32 $0xFFFFC000  }
0x76: {  	_ =	swait.ge [sflag:s21], $0x4000  }
0x77: {  	[sflag:s21] =	ssyncset.done $0x0  }
0x78: {  	[sflag:s21] =	ssyncadd.s32 $0xFFFFC000  }
0x79: {  	[spmem:s3] =	stream.indirect.scatter.add.f32 [tilespmem:s23], [sflag:$0x2], $0x80, s26, s22, $0xb8;
	[tilespmem:$0x1E800] =	vst v63  }
0x7a: {  	_ =	swait.ge [sflag:s19], $0x4000  }
0x7b: {  	[sflag:s19] =	ssyncset.done $0x0  }
0x7c: {  	[sflag:s19] =	ssyncadd.s32 $0xFFFFC000  }
0x7d: {  	[bflag:$0x0] =	sbarrier.arrive $0xFFFF  }
0x7e: {  	[tilespmem:s18], [sflag:$0x2] =	stream.linear.gather [spmem:s5], $0x4000, $0x38;
	[tilespmem:$0x1E800] =	vst v63  }
0x7f: {  	_ =	swait.ge [sflag:s19], $0x4000  }
0x80: {  	[sflag:s19] =	ssyncset.done $0x0  }
0x81: {  	[sflag:s19] =	ssyncadd.s32 $0xFFFFC000  }
0x82: {  	[hbm4b:s12+s4] =	stream.linear.scatter [tilespmem:s18], [sflag:$0x2], $0x4000, $0x38;
	[tilespmem:$0x1E800] =	vst v63  }
0x83: {  	_ =	swait.ge [sflag:s19], $0x4000  }
0x84: {  	[sflag:s19] =	ssyncset.done $0x0  }
0x85: {  	[sflag:s19] =	ssyncadd.s32 $0xFFFFC000  }
0x86: {  	[tilespmem:s18], [sflag:$0x2] =	stream.linear.gather [spmem:s6], $0x4000, $0x38;
	[tilespmem:$0x1E800] =	vst v63  }
0x87: {  	_ =	swait.ge [sflag:s19], $0x4000  }
0x88: {  	[sflag:s19] =	ssyncset.done $0x0  }
0x89: {  	[sflag:s19] =	ssyncadd.s32 $0xFFFFC000  }
0x8a: {  	[hbm4b:s13+s4] =	stream.linear.scatter [tilespmem:s18], [sflag:$0x2], $0x4000, $0x38;
	[tilespmem:$0x1E800] =	vst v63  }
0x8b: {  	_ =	swait.ge [sflag:s19], $0x4000  }
0x8c: {  	[sflag:s19] =	ssyncset.done $0x0  }
0x8d: {  	[sflag:s19] =	ssyncadd.s32 $0xFFFFC000  }
0x8e: {  	[tilespmem:s18], [sflag:$0x2] =	stream.linear.gather [spmem:s7], $0x4000, $0x38;
	[tilespmem:$0x1E800] =	vst v63  }
0x8f: {  	_ =	swait.ge [sflag:s19], $0x4000  }
0x90: {  	[sflag:s19] =	ssyncset.done $0x0  }
0x91: {  	[sflag:s19] =	ssyncadd.s32 $0xFFFFC000  }
0x92: {  	[hbm4b:s14+s4] =	stream.linear.scatter [tilespmem:s18], [sflag:$0x2], $0x4000, $0x38;
	[tilespmem:$0x1E800] =	vst v63  }
0x93: {  	_ =	swait.ge [sflag:s19], $0x4000  }
0x94: {  	[sflag:s19] =	ssyncset.done $0x0  }
0x95: {  	[sflag:s19] =	ssyncadd.s32 $0xFFFFC000  }
0x96: {  	[tilespmem:s18], [sflag:$0x2] =	stream.linear.gather [spmem:s8], $0x4000, $0x38;
	[tilespmem:$0x1E800] =	vst v63  }
0x97: {  	_ =	swait.ge [sflag:s19], $0x4000  }
0x98: {  	[sflag:s19] =	ssyncset.done $0x0  }
0x99: {  	[sflag:s19] =	ssyncadd.s32 $0xFFFFC000  }
0x9a: {  	[hbm4b:s15+s4] =	stream.linear.scatter [tilespmem:s18], [sflag:$0x2], $0x4000, $0x38;
	[tilespmem:$0x1E800] =	vst v63  }
0x9b: {  	_ =	swait.ge [sflag:s19], $0x4000  }
0x9c: {  	[sflag:s19] =	ssyncset.done $0x0  }
0x9d: {  	[sflag:s19] =	ssyncadd.s32 $0xFFFFC000  }
0x9e: {  	[tilespmem:s18], [sflag:$0x2] =	stream.linear.gather [spmem:s9], $0x4000, $0x38;
	[tilespmem:$0x1E800] =	vst v63  }
0x9f: {  	s28 =	sadd.s32 $0x1, s28;
	_ =	swait.ge [sflag:s19], $0x4000  }
0xa0: {  	p0 =	sne.s32 s28, s17;
	[sflag:s19] =	ssyncset.done $0x0  }
.Ltmp2:
0xa1: {  	[sflag:s19] =	ssyncadd.s32 $0xFFFFC000;
	(pc) =	sbr.rel @p0 .LBB2_1-.Ltmp2, $4  }
0xa2: {  	[hbm4b:s16+s4] =	stream.linear.scatter [tilespmem:s18], [sflag:$0x2], $0x4000, $0x38;
	[tilespmem:$0x1E800] =	vst v63  }
0xa3: {  	_ =	swait.ge [sflag:s19], $0x4000  }
0xa4: {  	[sflag:s19] =	ssyncset.done $0x0  }
0xa5: {  	[sflag:s19] =	ssyncadd.s32 $0xFFFFC000  }
0xa6: {  	_ =	sfence.sel $0x180000  }
0xa7: {  	[bflag:$0x0] =	sbarrier.arrive $0xFFFF  }
0xa8: {  	p0 =	sne.s32 s2, $0x0;
	_ =	strace $0x9000004A  }
0xa9: {  	s0 =	sadd.s32 @!p0 $0x100000, s1;
	[bflag:$0x2] =	sbarrier.arrive $0xFFFF  }
0xaa: {  	[sflag:s0] =	ssyncadd.tile.s32 @!p0 $0x1;
	_ =	shalt  }
.Lfunc_end2:
_tile_overlayer_lowered:
.L_overlay_start_2:
0xab: {  	(tag) =	ssettag $0x2  }
0xac: {  	s0 =	rddreg [dreg:$0x0];
	s2 =	stileid.u32  }
0xad: {  	s1 =	rddreg [dreg:$0x1];
	p0 =	sne.s32 s2, $0x0  }
0xae: {  	s3 =	rddreg [dreg:$0x2];
	[bflag:$0x3] =	sbarrier.arrive $0xFFFF;
	s2 =	simm.s32 @!p0 $0x1C02  }
0xaf: {  	[timem:s3], [sflag:s2] =	dma.local @!p0 [hbm:s0], s1  }
0xb0: {  	s0 =	simm.s32 @!p0 $0x2  }
0xb1: {  	_ =	swait.ge @!p0 [sflag:s0], s1  }
0xb2: {  	s1 =	ssub.s32 @!p0 $0x0, s1;
	[sflag:s0] =	ssyncset.done @!p0 $0x0  }
0xb3: {  	[sflag:s0] =	ssyncadd.s32 @!p0 s1  }
0xb4: {  	[bflag:$0x3] =	sbarrier.arrive $0xFFFF  }
0xb5: {  	_ =	shalt  }

// kernel: kernel.14.cloned.1.call-start
scs
__scs_entry_jumppad:
0x0: {  	(pc) =	sbr.rel $0x88, $3  }
0x1: {  	(tag) =	ssettag $0x0;
	lr =	simm.s32 $0x1  }
0x2: {  	[smem:$0x3F9B] =	sst lr;
	_ =	strace $0xD0000000  }
0x3: {  	_ = 	snop  }
0x4: {  	_ = 	snop  }
0x5: {  	_ = 	snop  }
0x6: {  	_ = 	snop  }
0x7: {  	_ = 	snop  }
__scs_overlays_trampoline_lowered:
0x8: {  	[smem:$0x3FAA] =	sst s0  }
0x9: {  	[smem:$0x3FAB] =	sst s1  }
0xa: {  	[smem:$0x3FAC] =	sst s2  }
0xb: {  	[smem:$0x3FAD] =	sst s3  }
0xc: {  	[smem:$0x3FAE] =	sst s4  }
0xd: {  	[smem:$0x3FAF] =	sst s5  }
0xe: {  	[smem:$0x3FB0] =	sst s6  }
0xf: {  	[smem:$0x3FB1] =	sst s7  }
0x10: {  	[smem:$0x3FB2] =	sst s8  }
0x11: {  	[smem:$0x3FB3] =	sst s9;
	s0 =	simm.s32 @!p0 $0x0  }
0x12: {  	s1 =	sld [smem:$0x3F99];
	s0 =	simm.s32 @p0 $0x1  }
0x13: {  	[smem:$0x3FB4] =	sst s0;
	s0 =	simm.s32 @!p1 $0x0  }
0x14: {  	s2 =	sld [smem:$0x3F98];
	s0 =	simm.s32 @p1 $0x1  }
0x15: {  	[smem:$0x3FB5] =	sst s0;
	s0 =	simm.s32 @!p2 $0x0  }
0x16: {  	s3 =	sld [smem:$0x3FDB];
	s0 =	simm.s32 @p2 $0x1  }
0x17: {  	s4 =	simm.s32 $0x1BF5;
	[smem:$0x3FB7] =	sst s0  }
0x18: {  	s0 =	sld [smem:$0x3F9A];
	_ =	swait.ge [sflag:s4], $0x0  }
0x19: {  	s7 =	sld [smem:$0x3F9B]  }
0x1a: {  	s8 =	sadd.s32 $0xFFFFE003, lr  }
0x1b: {  	s9 =	sadd.s32 $0xFFFFFEF7, lr;
	s5 =	simm.s32 $0xFFFFFFFF;
	p2 =	slt.u32 s8, $0xFFFFF086  }
0x1c: {  	p1 =	slt.u32 s9, $0xF7A;
	s5 =	simm.s32 @!p2 $0x0  }
0x1d: {  	s5 =	simm.s32 @p1 $0x1;
	p0 =	seq.s32 s7, s2  }
0x1e: {  	s7 =	smul.u32 @!p0 $0xF7A, s2;
	p2 =	seq.s32 @!p0 s5, $0x0  }
0x1f: {  	s9 =	smul.u32 $0xF7A, s1;
	s8 =	simm.s32 @!p0 $0x1BF5;
	p2 =	por !p2, p0  }
0x20: {  	[sflag:s8] =	ssyncset.s32 @!p0 $0xFFFFF086;
	s6 =	sadd.s32 @!p0 s3, s7;
	s7 =	simm.s32 @!p0 $0x108  }
0x21: {  	s3 =	sadd.s32 s3, s9;
	s6 =	sadd.s32 @!p0 $0x88, s6;
	s7 =	simm.s32 @p2 $0x1082  }
0x22: {  	[simem:s7], [sflag:s8] =	dma.local @!p0 [hbm:s6], $0xF7A  }
0x23: {  	s9 =	sor.u32 $0xD0000000, s2;
	s6 =	simm.s32 $0x108;
	_ =	swait.ge @!p0 [sflag:s8], $0x0  }
0x24: {  	s3 =	sadd.s32 $0x88, s3;
	s6 =	simm.s32 @!p1 $0x1082;
	[sflag:s4] =	ssyncset.s32 $0xFFFFF086  }
0x25: {  	[simem:s6], [sflag:s4] =	dma.local [hbm:s3], $0xF7A  }
0x26: {  	[smem:$0x3F9B] =	sst s1;
	(tag) =	ssettag s2;
	_ =	strace s9  }
0x27: {  	s1 =	sld [smem:$0x3FAB]  }
0x28: {  	s2 =	sld [smem:$0x3FAC]  }
0x29: {  	s4 =	sld [smem:$0x3FAE]  }
0x2a: {  	p0 =	seq.s32 s5, $0x0;
	s5 =	sld [smem:$0x3FAF]  }
0x2b: {  	s6 =	sld [smem:$0x3FB0]  }
0x2c: {  	s7 =	sld [smem:$0x3FB1]  }
0x2d: {  	s3 =	simm.s32 $0x108;
	s8 =	sld [smem:$0x3FB2]  }
0x2e: {  	s3 =	simm.s32 @!p0 $0x1082;
	s9 =	sld [smem:$0x3FB3]  }
0x2f: {  	lr =	sadd.s32 s0, s3;
	s0 =	sld [smem:$0x3FAA]  }
0x30: {  	s3 =	sld [smem:$0x3FAD]  }
0x31: {  	[smem:$0x3FB6] =	sst s10  }
0x32: {  	s10 =	sld [smem:$0x3FB4];
	_ =	sdelay $0x3  }
0x33: {  	p0 =	seq.s32 s10, $0x1;
	s10 =	sld [smem:$0x3FB6];
	_ =	sdelay $0x3  }
0x34: {  	[smem:$0x3FB6] =	sst s10  }
0x35: {  	s10 =	sld [smem:$0x3FB5];
	_ =	sdelay $0x3  }
0x36: {  	p1 =	seq.s32 s10, $0x1;
	s10 =	sld [smem:$0x3FB6];
	_ =	sdelay $0x3  }
0x37: {  	[smem:$0x3FB6] =	sst s10  }
0x38: {  	s10 =	sld [smem:$0x3FB7]  }
0x39: {  	_ = 	snop;
	(pc) =	sbr.ind lr, $3  }
0x3a: {  	_ = 	snop  }
0x3b: {  	_ = 	snop  }
0x3c: {  	p2 =	seq.s32 s10, $0x1;
	s10 =	sld [smem:$0x3FB6]  }
0x3d: {  	_ =	shalt  }
0x3e: {  	_ =	shalt  }
0x3f: {  	_ =	shalt  }
0x40: {  	_ =	shalt  }
0x41: {  	_ =	shalt  }
0x42: {  	_ =	shalt  }
0x43: {  	_ =	shalt  }
0x44: {  	_ =	shalt  }
0x45: {  	_ =	shalt  }
0x46: {  	_ =	shalt  }
0x47: {  	_ =	shalt  }
0x48: {  	_ =	shalt  }
0x49: {  	_ =	shalt  }
0x4a: {  	_ =	shalt  }
0x4b: {  	_ =	shalt  }
0x4c: {  	_ =	shalt  }
0x4d: {  	_ =	shalt  }
0x4e: {  	_ =	shalt  }
0x4f: {  	_ =	shalt  }
0x50: {  	_ =	shalt  }
0x51: {  	_ =	shalt  }
0x52: {  	_ =	shalt  }
0x53: {  	_ =	shalt  }
0x54: {  	_ =	shalt  }
0x55: {  	_ =	shalt  }
0x56: {  	_ =	shalt  }
0x57: {  	_ =	shalt  }
0x58: {  	_ =	shalt  }
0x59: {  	_ =	shalt  }
0x5a: {  	_ =	shalt  }
0x5b: {  	_ =	shalt  }
0x5c: {  	_ =	shalt  }
0x5d: {  	_ =	shalt  }
0x5e: {  	_ =	shalt  }
0x5f: {  	_ =	shalt  }
0x60: {  	_ =	shalt  }
0x61: {  	_ =	shalt  }
0x62: {  	_ =	shalt  }
0x63: {  	_ =	shalt  }
0x64: {  	_ =	shalt  }
0x65: {  	_ =	shalt  }
0x66: {  	_ =	shalt  }
0x67: {  	_ =	shalt  }
0x68: {  	_ =	shalt  }
0x69: {  	_ =	shalt  }
0x6a: {  	_ =	shalt  }
0x6b: {  	_ =	shalt  }
0x6c: {  	_ =	shalt  }
0x6d: {  	_ =	shalt  }
0x6e: {  	_ =	shalt  }
0x6f: {  	_ =	shalt  }
0x70: {  	_ =	shalt  }
0x71: {  	_ =	shalt  }
0x72: {  	_ =	shalt  }
0x73: {  	_ =	shalt  }
0x74: {  	_ =	shalt  }
0x75: {  	_ =	shalt  }
0x76: {  	_ =	shalt  }
0x77: {  	_ =	shalt  }
0x78: {  	_ =	shalt  }
0x79: {  	_ =	shalt  }
0x7a: {  	_ =	shalt  }
0x7b: {  	_ =	shalt  }
0x7c: {  	_ =	shalt  }
0x7d: {  	_ =	shalt  }
0x7e: {  	_ =	shalt  }
0x7f: {  	_ =	shalt  }
0x80: {  	_ =	shalt  }
0x81: {  	_ =	shalt  }
0x82: {  	_ =	shalt  }
0x83: {  	_ =	shalt  }
0x84: {  	_ =	shalt  }
0x85: {  	_ =	shalt  }
0x86: {  	_ =	shalt  }
0x87: {  	_ =	shalt  }
.Lfunc_end0:
.L_simem_size_0:
called_computation.2_lowered:
.L_overlay_start_0:
0x88: {  	s2 =	sld [smem:$0x3FD9]  }
0x89: {  	s3 =	sld [smem:$0x3FFE];
	_ =	sdelay $0x1  }
0x8a: {  	s1 =	srdreg.scid  }
0x8b: {  	s0 =	sand.u32 $0x1, s1  }
0x8c: {  	s17 =	sshll.u32 s0, $0xA;
	s2 =	sadd.s32 s3, s2  }
0x8d: {  	s2 =	sadd.s32 s2, s17  }
0x8e: {  	[smem:$0x3FC2] =	sst s2  }
0x8f: {  	_ = 	snop  }
0x90: {  	s2 =	sld [smem:$0x3FD0];
	(tm) =	ssettm $0x1  }
0x91: {  	s18 =	sld [smem:$0x3FFB];
	_ =	sdelay $0x3  }
0x92: {  	_ =	strace s18  }
0x93: {  	s3 =	sld [smem:$0x3FFC];
	_ =	sdelay $0x3  }
0x94: {  	_ =	strace s3  }
0x95: {  	s3 =	sld [smem:$0x3FFD];
	_ =	sdelay $0x3  }
0x96: {  	_ =	strace s3  }
0x97: {  	_ =	strace $0x8FFFFFFF  }
0x98: {  	s19 =	sld [smem:$0x3FDB];
	_ =	sdelay $0x1  }
0x99: {  	s4 =	simm.s32 $_scs_section_size  }
0x9a: {  	s5 =	simm.s32 $_size__tile_overlayer_lowered;
	s6 =	simm.s32 $_tile_overlayer_lowered  }
0x9b: {  	s22 =	simm.s32 $0x1BFF;
	s21 =	sshll.u32 s6, $0x1;
	s3 =	sadd.s32 s4, s19  }
0x9c: {  	s7 =	simm.s32 $0x0;
	s20 =	sshll.u32 s5, $0x1;
	s5 =	sadd.s32 s21, s3  }
0x9d: {  	[timem:s7], [sflag:s22] =	dma.local [hbm:s5], s20  }
0x9e: {  	_ =	swait.ge [sflag:s22], s20  }
0x9f: {  	s4 =	ssub.s32 $0x0, s20;
	[sflag:s22] =	ssyncset.done $0x0  }
0xa0: {  	[sflag:s22] =	ssyncadd.s32 s4;
	_ =	sdelay $0x1  }
0xa1: {  	s23 =	simm.s32 $0x1B8B  }
0xa2: {  	_ =	swait.ge [sflag:s23], $0x1  }
0xa3: {  	[sflag:s23] =	ssyncset.done $0x0  }
0xa4: {  	s25 =	simm.s32 $0x1B8E;
	s24 =	sld [smem:$0x3FFE];
	[sflag:s23] =	ssyncadd.s32 $0xFFFFFFFF  }
0xa5: {  	s26 =	simm.s32 $execute0_lowered;
	[smem:$0x3FD2] =	sst s25  }
0xa6: {  	s5 =	sshll.u32 s26, $0x1;
	_ =	strace $0x8000004C;
	[dreg:$0x1] =	wrdreg $0xFFFFFFFF  }
0xa7: {  	s28 =	simm.s32 $_size_execute0_lowered;
	s3 =	sadd.s32 s3, s5;
	[dreg:$0x0] =	wrdreg $0x0  }
0xa8: {  	s5 =	sshll.u32 s28, $0x1;
	[dreg:$0x2] =	wrdreg s3  }
0xa9: {  	[dreg:$0x3] =	wrdreg s5  }
0xaa: {  	[dreg:$0x4] =	wrdreg $0xC0  }
0xab: {  	_ =	task [dreg:s7], $0x5FFFF  }
0xac: {  	[dreg:$0x1] =	wrdreg $0xFFFFFFFF  }
0xad: {  	[dreg:$0x0] =	wrdreg $0x60  }
0xae: {  	[dreg:$0x2] =	wrdreg s2  }
0xaf: {  	[dreg:$0x3] =	wrdreg s24  }
0xb0: {  	[dreg:$0x4] =	wrdreg $0xA8000  }
0xb1: {  	[dreg:$0x5] =	wrdreg $0x9  }
0xb2: {  	_ =	task.clear_ibuf [dreg:s7], $0x6FFFF;
	_ =	strace $0x9000004C  }
0xb3: {  	s29 =	simm.s32 $0x9;
	_ =	strace $0x8000004E  }
0xb4: {  	_ =	swait.ge [sflag:s29], $0x1  }
0xb5: {  	[sflag:s29] =	ssyncadd.s32 $0xFFFFFFFF  }
0xb6: {  	_ =	strace $0x9000004E  }
0xb7: {  	_ =	sfence  }
0xb8: {  	s30 =	sld [smem:$0x0];
	_ =	sdelay $0x2  }
0xb9: {  	s31 =	sshll.u32 s1, $0xD;
	s1 =	sshrl.u32 s1, $0x2  }
0xba: {  	s3 =	sand.u32 $0x4000, s31;
	s1 =	sadd.s32 s1, s30  }
0xbb: {  	s0 =	sor.u32 s3, s0;
	s1 =	sshll.u32 s1, $0x11  }
0xbc: {  	s0 =	sor.u32 s1, s0  }
0xbd: {  	s0 =	sadd.s32 $0x8F2B, s0  }
0xbe: {  	[sflag:s0] =	ssyncadd.remote.s32 $0x1  }
0xbf: {  	_ =	sfence.sel $0xFFFF  }
0xc0: {  	[dreg:$0x0] =	wrdreg $0xFFFFFFFF;
	(pc) =	sbr.abs _section_cstart, $3  }
0xc1: {  	[dreg:$0x1] =	wrdreg $0xFFFFFFFF  }
0xc2: {  	_ =	task.clear_ibuf [dreg:s7], $0x2FFFF;
	_ =	strace $0x9FFFFFFF  }
0xc3: {  	(tm) =	ssettm $0x7FFFFFFF  }
tec
execute0_lowered:
.L_overlay_start_1:
0x0: {  	(tag) =	ssettag $0x1  }
0x1: {  	s0 =	rddreg [dreg:$0x0]  }
0x2: {  	s1 =	srdreg.scid;
	s5 =	rddreg [dreg:$0x1]  }
0x3: {  	s3 =	rddreg [dreg:$0x2];
	s2 =	stileid.u32  }
0x4: {  	s4 =	simm.s32 $0x0;
	s21 =	simm.s32 $0x1;
	s22 =	simm.s32 $0x80  }
0x5: {  	s23 =	simm.s32 $0x6800;
	s24 =	simm.s32 $0x1380;
	s25 =	simm.s32 $0x2700  }
0x6: {  	s7 =	sand.u32 $0x1, s1;
	s1 =	rddreg [dreg:$0x3];
	s8 =	smul.u32 $0x50000, s2  }
0x7: {  	s28 =	simm.s32 $0x0;
	[smem:$0x7FF] =	sst s4;
	s10 =	smul.u32 $0x14000, s2  }
0x8: {  	s16 =	sadd.s32 $0xB800, s5;
	s6 =	sshll.u32 s7, $0x4;
	_ =	strace $0x8000004D  }
0x9: {  	s26 =	ssub.s32 $0x2, s7;
	s15 =	smul.u32 $0x140000, s7;
	s6 =	sor.u32 s2, s6  }
0xa: {  	s29 =	sshrl.u32 s26, $0x1;
	s8 =	sshrl.u32 s8, $0x2;
	s12 =	sadd.s32 $0x4000, s10  }
0xb: {  	s14 =	sadd.s32 $0x8000, s10;
	s18 =	sadd.s32 $0xC000, s10;
	s19 =	sadd.s32 $0x10000, s10  }
0xc: {  	s6 =	smul.u32 $0x280, s6;
	s17 =	ssub.s32 s26, s29;
	s7 =	sadd.s32 s14, s3  }
0xd: {  	s9 =	sadd.s32 s19, s3;
	s13 =	sadd.s32 s10, s15;
	s20 =	sadd.s32 s15, s12  }
0xe: {  	s14 =	sadd.s32 s15, s14;
	s19 =	sadd.s32 s15, s19;
	s26 =	simm.s32 $0x2780  }
0xf: {  	s13 =	sshrl.u32 s13, $0x3;
	s30 =	sshrl.u32 s20, $0x3;
	s14 =	sshrl.u32 s14, $0x3  }
0x10: {  	s31 =	sshrl.u32 s19, $0x3;
	s17 =	smax.u32 s17, $0x1;
	s19 =	simm.s32 $0x2  }
0x11: {  	s20 =	simm.s32 $0x1400;
	s11 =	sadd.s32 s6, s5;
	s5 =	sadd.s32 s8, s3  }
0x12: {  	s6 =	sadd.s32 s12, s3;
	s8 =	sadd.s32 s18, s3;
	s12 =	sadd.s32 s16, s13  }
0x13: {  	s13 =	sadd.s32 s16, s30;
	s18 =	sadd.s32 s15, s18;
	s14 =	sadd.s32 s16, s14  }
0x14: {  	s10 =	sadd.s32 $0x6800, s11;
	s11 =	sadd.s32 $0x1800, s11;
	s18 =	sshrl.u32 s18, $0x3  }
0x15: {  	v0 =	vimm.f32 $0.0e+00;
	s15 =	sadd.s32 s16, s18;
	s16 =	sadd.s32 s16, s31;
	s18 =	simm.s32 $0x2800  }
.LBB2_1:
0x16: {  	s29 =	simm.s32 $0x0;
	s30 =	simm.s32 $0x200  }
.LBB2_2:
0x17: {  	p0 =	sne.s32 s30, $0xFE00;
	[tilespmem:s29+$0x2870] =	vst v0  }
0x18: {  	[tilespmem:s29+$0x2800] =	vst v0  }
0x19: {  	[tilespmem:s29+$0x2810] =	vst v0  }
.Ltmp0:
0x1a: {  	[tilespmem:s29+$0x2820] =	vst v0;
	(pc) =	sbr.rel @p0 .LBB2_2-.Ltmp0, $4  }
0x1b: {  	[tilespmem:s29+$0x2830] =	vst v0  }
0x1c: {  	[tilespmem:s29+$0x2840] =	vst v0  }
0x1d: {  	[tilespmem:s29+$0x2850] =	vst v0  }
0x1e: {  	[tilespmem:s29+$0x2860] =	vst v0;
	s29 =	sshra.s32 s30, $0x2;
	s30 =	sadd.s32 $0x200, s30  }
0x1f: {  	[tilespmem:s29+$0x2870] =	vst v0  }
0x20: {  	[tilespmem:s29+$0x2800] =	vst v0  }
0x21: {  	[tilespmem:s29+$0x2810] =	vst v0  }
0x22: {  	[tilespmem:s29+$0x2820] =	vst v0  }
0x23: {  	[tilespmem:s29+$0x2830] =	vst v0  }
0x24: {  	[tilespmem:s29+$0x2840] =	vst v0  }
0x25: {  	[tilespmem:s29+$0x2850] =	vst v0  }
0x26: {  	[tilespmem:s29+$0x2860] =	vst v0  }
0x27: {  	[spmem:s5] =	stream.linear.scatter [tilespmem:s18], [sflag:$0x2], $0x4000, $0x38;
	[tilespmem:$0x1E800] =	vst v63  }
0x28: {  	_ =	swait.ge [sflag:s19], $0x4000  }
0x29: {  	[sflag:s19] =	ssyncset.done $0x0  }
0x2a: {  	[sflag:s19] =	ssyncadd.s32 $0xFFFFC000  }
0x2b: {  	[spmem:s6] =	stream.linear.scatter [tilespmem:s18], [sflag:$0x2], $0x4000, $0x38;
	[tilespmem:$0x1E800] =	vst v63  }
0x2c: {  	_ =	swait.ge [sflag:s19], $0x4000  }
0x2d: {  	[sflag:s19] =	ssyncset.done $0x0  }
0x2e: {  	[sflag:s19] =	ssyncadd.s32 $0xFFFFC000  }
0x2f: {  	[spmem:s7] =	stream.linear.scatter [tilespmem:s18], [sflag:$0x2], $0x4000, $0x38;
	[tilespmem:$0x1E800] =	vst v63  }
0x30: {  	_ =	swait.ge [sflag:s19], $0x4000  }
0x31: {  	[sflag:s19] =	ssyncset.done $0x0  }
0x32: {  	[sflag:s19] =	ssyncadd.s32 $0xFFFFC000  }
0x33: {  	[spmem:s8] =	stream.linear.scatter [tilespmem:s18], [sflag:$0x2], $0x4000, $0x38;
	[tilespmem:$0x1E800] =	vst v63  }
0x34: {  	_ =	swait.ge [sflag:s19], $0x4000  }
0x35: {  	[sflag:s19] =	ssyncset.done $0x0  }
0x36: {  	[sflag:s19] =	ssyncadd.s32 $0xFFFFC000  }
0x37: {  	[spmem:s9] =	stream.linear.scatter [tilespmem:s18], [sflag:$0x2], $0x4000, $0x38;
	[tilespmem:$0x1E800] =	vst v63  }
0x38: {  	_ =	swait.ge [sflag:s19], $0x4000  }
0x39: {  	[sflag:s19] =	ssyncset.done $0x0  }
0x3a: {  	[sflag:s19] =	ssyncadd.s32 $0xFFFFC000  }
0x3b: {  	s29 =	simm.s32 $0x0;
	[bflag:$0x0] =	sbarrier.arrive $0xFFFF  }
0x3c: {  	[tilespmem:s29], [sflag:$0x1] =	stream.linear.gather [hbm4b:s10+s29], $0x1400, $0x38;
	[tilespmem:$0x1E800] =	vst v63  }
0x3d: {  	_ = 	snop  }
0x3e: {  	[tilespmem:s20], [sflag:$0x1] =	stream.linear.gather [hbm4b:s11+s29], $0x1400, $0x38;
	[tilespmem:$0x1E800] =	vst v63  }
0x3f: {  	_ =	swait.ge [sflag:s21], $0x1400  }
0x40: {  	[sflag:s21] =	ssyncset.done $0x0  }
0x41: {  	[sflag:s21] =	ssyncadd.s32 $0xFFFFEC00  }
0x42: {  	_ =	swait.ge [sflag:s21], $0x1400  }
0x43: {  	[sflag:s21] =	ssyncset.done $0x0  }
0x44: {  	[sflag:s21] =	ssyncadd.s32 $0xFFFFEC00  }
0x45: {  	[tilespmem:s18], [sflag:$0x1] =	stream.indirect.gather [hbm4b:s0+s22], $0x80, s29, s22, $0xb8;
	[tilespmem:$0x1E800] =	vst v63  }
0x46: {  	_ =	swait.ge [sflag:s21], $0x4000  }
0x47: {  	[sflag:s21] =	ssyncset.done $0x0  }
0x48: {  	s29 =	simm.s32 $0x80;
	[sflag:s21] =	ssyncadd.s32 $0xFFFFC000  }
0x49: {  	[tilespmem:s23], [sflag:$0x1] =	stream.indirect.gather [hbm4b:s0+s22], $0x80, s29, s22, $0xb8;
	[tilespmem:$0x1E800] =	vst v63  }
0x4a: {  	s29 =	simm.s32 $0x1400  }
0x4b: {  	[spmem:s3] =	stream.indirect.scatter.add.f32 [tilespmem:s18], [sflag:$0x2], $0x80, s29, s22, $0xb8;
	[tilespmem:$0x1E800] =	vst v63  }
0x4c: {  	_ =	swait.ge [sflag:s19], $0x4000  }
0x4d: {  	[sflag:s19] =	ssyncset.done $0x0  }
0x4e: {  	[sflag:s19] =	ssyncadd.s32 $0xFFFFC000  }
0x4f: {  	_ =	swait.ge [sflag:s21], $0x4000  }
0x50: {  	[sflag:s21] =	ssyncset.done $0x0  }
0x51: {  	s29 =	simm.s32 $0x100;
	[sflag:s21] =	ssyncadd.s32 $0xFFFFC000  }
0x52: {  	[tilespmem:s18], [sflag:$0x1] =	stream.indirect.gather [hbm4b:s0+s22], $0x80, s29, s22, $0xb8;
	[tilespmem:$0x1E800] =	vst v63  }
0x53: {  	s29 =	simm.s32 $0x1480  }
0x54: {  	[spmem:s3] =	stream.indirect.scatter.add.f32 [tilespmem:s23], [sflag:$0x2], $0x80, s29, s22, $0xb8;
	[tilespmem:$0x1E800] =	vst v63  }
0x55: {  	_ =	swait.ge [sflag:s19], $0x4000  }
0x56: {  	s29 =	simm.s32 $0x400;
	[sflag:s19] =	ssyncset.done $0x0  }
.LBB2_4:
0x57: {  	p0 =	sne.s32 s29, $0x4800  }
0x58: {  	[sflag:s19] =	ssyncadd.s32 $0xFFFFC000;
	s30 =	smov.u32 s29;
	s29 =	sadd.s32 $0x400, s29  }
0x59: {  	_ = 	snop  }
0x5a: {  	_ =	swait.ge [sflag:s21], $0x4000  }
0x5b: {  	s30 =	sshra.s32 s30, $0x2;
	[sflag:s21] =	ssyncset.done $0x0  }
0x5c: {  	s31 =	sadd.s32 $0x80, s30;
	[sflag:s21] =	ssyncadd.s32 $0xFFFFC000  }
0x5d: {  	[tilespmem:s23], [sflag:$0x1] =	stream.indirect.gather [hbm4b:s0+s22], $0x80, s31, s22, $0xb8;
	[tilespmem:$0x1E800] =	vst v63  }
0x5e: {  	s31 =	sadd.s32 $0x1400, s30  }
0x5f: {  	[spmem:s3] =	stream.indirect.scatter.add.f32 [tilespmem:s18], [sflag:$0x2], $0x80, s31, s22, $0xb8;
	[tilespmem:$0x1E800] =	vst v63  }
0x60: {  	_ =	swait.ge [sflag:s19], $0x4000  }
0x61: {  	[sflag:s19] =	ssyncset.done $0x0  }
0x62: {  	[sflag:s19] =	ssyncadd.s32 $0xFFFFC000  }
0x63: {  	_ =	swait.ge [sflag:s21], $0x4000  }
0x64: {  	[sflag:s21] =	ssyncset.done $0x0  }
0x65: {  	s31 =	sadd.s32 $0x100, s30;
	[sflag:s21] =	ssyncadd.s32 $0xFFFFC000  }
0x66: {  	[tilespmem:s18], [sflag:$0x1] =	stream.indirect.gather [hbm4b:s0+s22], $0x80, s31, s22, $0xb8;
	[tilespmem:$0x1E800] =	vst v63  }
.Ltmp1:
0x67: {  	_ = 	snop;
	(pc) =	sbr.rel @p0 .LBB2_4-.Ltmp1, $4  }
0x68: {  	s30 =	sadd.s32 $0x1480, s30  }
0x69: {  	[spmem:s3] =	stream.indirect.scatter.add.f32 [tilespmem:s23], [sflag:$0x2], $0x80, s30, s22, $0xb8;
	[tilespmem:$0x1E800] =	vst v63  }
0x6a: {  	_ =	swait.ge [sflag:s19], $0x4000  }
0x6b: {  	[sflag:s19] =	ssyncset.done $0x0  }
0x6c: {  	[sflag:s19] =	ssyncadd.s32 $0xFFFFC000  }
0x6d: {  	_ =	swait.ge [sflag:s21], $0x4000  }
0x6e: {  	[sflag:s21] =	ssyncset.done $0x0  }
0x6f: {  	[sflag:s21] =	ssyncadd.s32 $0xFFFFC000  }
0x70: {  	[tilespmem:s23], [sflag:$0x1] =	stream.indirect.gather [hbm4b:s0+s22], $0x80, s24, s22, $0xb8;
	[tilespmem:$0x1E800] =	vst v63  }
0x71: {  	_ = 	snop  }
0x72: {  	[spmem:s3] =	stream.indirect.scatter.add.f32 [tilespmem:s18], [sflag:$0x2], $0x80, s25, s22, $0xb8;
	[tilespmem:$0x1E800] =	vst v63  }
0x73: {  	_ =	swait.ge [sflag:s19], $0x4000  }
0x74: {  	[sflag:s19] =	ssyncset.done $0x0  }
0x75: {  	[sflag:s19] =	ssyncadd.s32 $0xFFFFC000  }
0x76: {  	_ =	swait.ge [sflag:s21], $0x4000  }
0x77: {  	[sflag:s21] =	ssyncset.done $0x0  }
0x78: {  	[sflag:s21] =	ssyncadd.s32 $0xFFFFC000  }
0x79: {  	[spmem:s3] =	stream.indirect.scatter.add.f32 [tilespmem:s23], [sflag:$0x2], $0x80, s26, s22, $0xb8;
	[tilespmem:$0x1E800] =	vst v63  }
0x7a: {  	_ =	swait.ge [sflag:s19], $0x4000  }
0x7b: {  	[sflag:s19] =	ssyncset.done $0x0  }
0x7c: {  	[sflag:s19] =	ssyncadd.s32 $0xFFFFC000  }
0x7d: {  	[bflag:$0x0] =	sbarrier.arrive $0xFFFF  }
0x7e: {  	[tilespmem:s18], [sflag:$0x2] =	stream.linear.gather [spmem:s5], $0x4000, $0x38;
	[tilespmem:$0x1E800] =	vst v63  }
0x7f: {  	_ =	swait.ge [sflag:s19], $0x4000  }
0x80: {  	[sflag:s19] =	ssyncset.done $0x0  }
0x81: {  	[sflag:s19] =	ssyncadd.s32 $0xFFFFC000  }
0x82: {  	[hbm4b:s12+s4] =	stream.linear.scatter [tilespmem:s18], [sflag:$0x2], $0x4000, $0x38;
	[tilespmem:$0x1E800] =	vst v63  }
0x83: {  	_ =	swait.ge [sflag:s19], $0x4000  }
0x84: {  	[sflag:s19] =	ssyncset.done $0x0  }
0x85: {  	[sflag:s19] =	ssyncadd.s32 $0xFFFFC000  }
0x86: {  	[tilespmem:s18], [sflag:$0x2] =	stream.linear.gather [spmem:s6], $0x4000, $0x38;
	[tilespmem:$0x1E800] =	vst v63  }
0x87: {  	_ =	swait.ge [sflag:s19], $0x4000  }
0x88: {  	[sflag:s19] =	ssyncset.done $0x0  }
0x89: {  	[sflag:s19] =	ssyncadd.s32 $0xFFFFC000  }
0x8a: {  	[hbm4b:s13+s4] =	stream.linear.scatter [tilespmem:s18], [sflag:$0x2], $0x4000, $0x38;
	[tilespmem:$0x1E800] =	vst v63  }
0x8b: {  	_ =	swait.ge [sflag:s19], $0x4000  }
0x8c: {  	[sflag:s19] =	ssyncset.done $0x0  }
0x8d: {  	[sflag:s19] =	ssyncadd.s32 $0xFFFFC000  }
0x8e: {  	[tilespmem:s18], [sflag:$0x2] =	stream.linear.gather [spmem:s7], $0x4000, $0x38;
	[tilespmem:$0x1E800] =	vst v63  }
0x8f: {  	_ =	swait.ge [sflag:s19], $0x4000  }
0x90: {  	[sflag:s19] =	ssyncset.done $0x0  }
0x91: {  	[sflag:s19] =	ssyncadd.s32 $0xFFFFC000  }
0x92: {  	[hbm4b:s14+s4] =	stream.linear.scatter [tilespmem:s18], [sflag:$0x2], $0x4000, $0x38;
	[tilespmem:$0x1E800] =	vst v63  }
0x93: {  	_ =	swait.ge [sflag:s19], $0x4000  }
0x94: {  	[sflag:s19] =	ssyncset.done $0x0  }
0x95: {  	[sflag:s19] =	ssyncadd.s32 $0xFFFFC000  }
0x96: {  	[tilespmem:s18], [sflag:$0x2] =	stream.linear.gather [spmem:s8], $0x4000, $0x38;
	[tilespmem:$0x1E800] =	vst v63  }
0x97: {  	_ =	swait.ge [sflag:s19], $0x4000  }
0x98: {  	[sflag:s19] =	ssyncset.done $0x0  }
0x99: {  	[sflag:s19] =	ssyncadd.s32 $0xFFFFC000  }
0x9a: {  	[hbm4b:s15+s4] =	stream.linear.scatter [tilespmem:s18], [sflag:$0x2], $0x4000, $0x38;
	[tilespmem:$0x1E800] =	vst v63  }
0x9b: {  	_ =	swait.ge [sflag:s19], $0x4000  }
0x9c: {  	[sflag:s19] =	ssyncset.done $0x0  }
0x9d: {  	[sflag:s19] =	ssyncadd.s32 $0xFFFFC000  }
0x9e: {  	[tilespmem:s18], [sflag:$0x2] =	stream.linear.gather [spmem:s9], $0x4000, $0x38;
	[tilespmem:$0x1E800] =	vst v63  }
0x9f: {  	s28 =	sadd.s32 $0x1, s28;
	_ =	swait.ge [sflag:s19], $0x4000  }
0xa0: {  	p0 =	sne.s32 s28, s17;
	[sflag:s19] =	ssyncset.done $0x0  }
.Ltmp2:
0xa1: {  	[sflag:s19] =	ssyncadd.s32 $0xFFFFC000;
	(pc) =	sbr.rel @p0 .LBB2_1-.Ltmp2, $4  }
0xa2: {  	[hbm4b:s16+s4] =	stream.linear.scatter [tilespmem:s18], [sflag:$0x2], $0x4000, $0x38;
	[tilespmem:$0x1E800] =	vst v63  }
0xa3: {  	_ =	swait.ge [sflag:s19], $0x4000  }
0xa4: {  	[sflag:s19] =	ssyncset.done $0x0  }
0xa5: {  	[sflag:s19] =	ssyncadd.s32 $0xFFFFC000  }
0xa6: {  	_ =	sfence.sel $0x180000  }
0xa7: {  	[bflag:$0x0] =	sbarrier.arrive $0xFFFF  }
0xa8: {  	p0 =	sne.s32 s2, $0x0;
	_ =	strace $0x9000004D  }
0xa9: {  	s0 =	sadd.s32 @!p0 $0x100000, s1;
	[bflag:$0x2] =	sbarrier.arrive $0xFFFF  }
0xaa: {  	[sflag:s0] =	ssyncadd.tile.s32 @!p0 $0x1;
	_ =	shalt  }
.Lfunc_end2:
_tile_overlayer_lowered:
.L_overlay_start_2:
0xab: {  	(tag) =	ssettag $0x2  }
0xac: {  	s0 =	rddreg [dreg:$0x0];
	s2 =	stileid.u32  }
0xad: {  	s1 =	rddreg [dreg:$0x1];
	p0 =	sne.s32 s2, $0x0  }
0xae: {  	s3 =	rddreg [dreg:$0x2];
	[bflag:$0x3] =	sbarrier.arrive $0xFFFF;
	s2 =	simm.s32 @!p0 $0x1C02  }
0xaf: {  	[timem:s3], [sflag:s2] =	dma.local @!p0 [hbm:s0], s1  }
0xb0: {  	s0 =	simm.s32 @!p0 $0x2  }
0xb1: {  	_ =	swait.ge @!p0 [sflag:s0], s1  }
0xb2: {  	s1 =	ssub.s32 @!p0 $0x0, s1;
	[sflag:s0] =	ssyncset.done @!p0 $0x0  }
0xb3: {  	[sflag:s0] =	ssyncadd.s32 @!p0 s1  }
0xb4: {  	[bflag:$0x3] =	sbarrier.arrive $0xFFFF  }
0xb5: {  	_ =	shalt  }

// kernel: kernel.8.cloned.1.call-start
scs
__scs_entry_jumppad:
0x0: {  	(pc) =	sbr.rel $0x88, $3  }
0x1: {  	(tag) =	ssettag $0x0;
	lr =	simm.s32 $0x1  }
0x2: {  	[smem:$0x3F9B] =	sst lr;
	_ =	strace $0xD0000000  }
0x3: {  	_ = 	snop  }
0x4: {  	_ = 	snop  }
0x5: {  	_ = 	snop  }
0x6: {  	_ = 	snop  }
0x7: {  	_ = 	snop  }
__scs_overlays_trampoline_lowered:
0x8: {  	[smem:$0x3FAA] =	sst s0  }
0x9: {  	[smem:$0x3FAB] =	sst s1  }
0xa: {  	[smem:$0x3FAC] =	sst s2  }
0xb: {  	[smem:$0x3FAD] =	sst s3  }
0xc: {  	[smem:$0x3FAE] =	sst s4  }
0xd: {  	[smem:$0x3FAF] =	sst s5  }
0xe: {  	[smem:$0x3FB0] =	sst s6  }
0xf: {  	[smem:$0x3FB1] =	sst s7  }
0x10: {  	[smem:$0x3FB2] =	sst s8  }
0x11: {  	[smem:$0x3FB3] =	sst s9;
	s0 =	simm.s32 @!p0 $0x0  }
0x12: {  	s1 =	sld [smem:$0x3F99];
	s0 =	simm.s32 @p0 $0x1  }
0x13: {  	[smem:$0x3FB4] =	sst s0;
	s0 =	simm.s32 @!p1 $0x0  }
0x14: {  	s2 =	sld [smem:$0x3F98];
	s0 =	simm.s32 @p1 $0x1  }
0x15: {  	[smem:$0x3FB5] =	sst s0;
	s0 =	simm.s32 @!p2 $0x0  }
0x16: {  	s3 =	sld [smem:$0x3FDB];
	s0 =	simm.s32 @p2 $0x1  }
0x17: {  	s4 =	simm.s32 $0x1BF5;
	[smem:$0x3FB7] =	sst s0  }
0x18: {  	s0 =	sld [smem:$0x3F9A];
	_ =	swait.ge [sflag:s4], $0x0  }
0x19: {  	s7 =	sld [smem:$0x3F9B]  }
0x1a: {  	s8 =	sadd.s32 $0xFFFFE003, lr  }
0x1b: {  	s9 =	sadd.s32 $0xFFFFFEF7, lr;
	s5 =	simm.s32 $0xFFFFFFFF;
	p2 =	slt.u32 s8, $0xFFFFF086  }
0x1c: {  	p1 =	slt.u32 s9, $0xF7A;
	s5 =	simm.s32 @!p2 $0x0  }
0x1d: {  	s5 =	simm.s32 @p1 $0x1;
	p0 =	seq.s32 s7, s2  }
0x1e: {  	s7 =	smul.u32 @!p0 $0xF7A, s2;
	p2 =	seq.s32 @!p0 s5, $0x0  }
0x1f: {  	s9 =	smul.u32 $0xF7A, s1;
	s8 =	simm.s32 @!p0 $0x1BF5;
	p2 =	por !p2, p0  }
0x20: {  	[sflag:s8] =	ssyncset.s32 @!p0 $0xFFFFF086;
	s6 =	sadd.s32 @!p0 s3, s7;
	s7 =	simm.s32 @!p0 $0x108  }
0x21: {  	s3 =	sadd.s32 s3, s9;
	s6 =	sadd.s32 @!p0 $0x88, s6;
	s7 =	simm.s32 @p2 $0x1082  }
0x22: {  	[simem:s7], [sflag:s8] =	dma.local @!p0 [hbm:s6], $0xF7A  }
0x23: {  	s9 =	sor.u32 $0xD0000000, s2;
	s6 =	simm.s32 $0x108;
	_ =	swait.ge @!p0 [sflag:s8], $0x0  }
0x24: {  	s3 =	sadd.s32 $0x88, s3;
	s6 =	simm.s32 @!p1 $0x1082;
	[sflag:s4] =	ssyncset.s32 $0xFFFFF086  }
0x25: {  	[simem:s6], [sflag:s4] =	dma.local [hbm:s3], $0xF7A  }
0x26: {  	[smem:$0x3F9B] =	sst s1;
	(tag) =	ssettag s2;
	_ =	strace s9  }
0x27: {  	s1 =	sld [smem:$0x3FAB]  }
0x28: {  	s2 =	sld [smem:$0x3FAC]  }
0x29: {  	s4 =	sld [smem:$0x3FAE]  }
0x2a: {  	p0 =	seq.s32 s5, $0x0;
	s5 =	sld [smem:$0x3FAF]  }
0x2b: {  	s6 =	sld [smem:$0x3FB0]  }
0x2c: {  	s7 =	sld [smem:$0x3FB1]  }
0x2d: {  	s3 =	simm.s32 $0x108;
	s8 =	sld [smem:$0x3FB2]  }
0x2e: {  	s3 =	simm.s32 @!p0 $0x1082;
	s9 =	sld [smem:$0x3FB3]  }
0x2f: {  	lr =	sadd.s32 s0, s3;
	s0 =	sld [smem:$0x3FAA]  }
0x30: {  	s3 =	sld [smem:$0x3FAD]  }
0x31: {  	[smem:$0x3FB6] =	sst s10  }
0x32: {  	s10 =	sld [smem:$0x3FB4];
	_ =	sdelay $0x3  }
0x33: {  	p0 =	seq.s32 s10, $0x1;
	s10 =	sld [smem:$0x3FB6];
	_ =	sdelay $0x3  }
0x34: {  	[smem:$0x3FB6] =	sst s10  }
0x35: {  	s10 =	sld [smem:$0x3FB5];
	_ =	sdelay $0x3  }
0x36: {  	p1 =	seq.s32 s10, $0x1;
	s10 =	sld [smem:$0x3FB6];
	_ =	sdelay $0x3  }
0x37: {  	[smem:$0x3FB6] =	sst s10  }
0x38: {  	s10 =	sld [smem:$0x3FB7]  }
0x39: {  	_ = 	snop;
	(pc) =	sbr.ind lr, $3  }
0x3a: {  	_ = 	snop  }
0x3b: {  	_ = 	snop  }
0x3c: {  	p2 =	seq.s32 s10, $0x1;
	s10 =	sld [smem:$0x3FB6]  }
0x3d: {  	_ =	shalt  }
0x3e: {  	_ =	shalt  }
0x3f: {  	_ =	shalt  }
0x40: {  	_ =	shalt  }
0x41: {  	_ =	shalt  }
0x42: {  	_ =	shalt  }
0x43: {  	_ =	shalt  }
0x44: {  	_ =	shalt  }
0x45: {  	_ =	shalt  }
0x46: {  	_ =	shalt  }
0x47: {  	_ =	shalt  }
0x48: {  	_ =	shalt  }
0x49: {  	_ =	shalt  }
0x4a: {  	_ =	shalt  }
0x4b: {  	_ =	shalt  }
0x4c: {  	_ =	shalt  }
0x4d: {  	_ =	shalt  }
0x4e: {  	_ =	shalt  }
0x4f: {  	_ =	shalt  }
0x50: {  	_ =	shalt  }
0x51: {  	_ =	shalt  }
0x52: {  	_ =	shalt  }
0x53: {  	_ =	shalt  }
0x54: {  	_ =	shalt  }
0x55: {  	_ =	shalt  }
0x56: {  	_ =	shalt  }
0x57: {  	_ =	shalt  }
0x58: {  	_ =	shalt  }
0x59: {  	_ =	shalt  }
0x5a: {  	_ =	shalt  }
0x5b: {  	_ =	shalt  }
0x5c: {  	_ =	shalt  }
0x5d: {  	_ =	shalt  }
0x5e: {  	_ =	shalt  }
0x5f: {  	_ =	shalt  }
0x60: {  	_ =	shalt  }
0x61: {  	_ =	shalt  }
0x62: {  	_ =	shalt  }
0x63: {  	_ =	shalt  }
0x64: {  	_ =	shalt  }
0x65: {  	_ =	shalt  }
0x66: {  	_ =	shalt  }
0x67: {  	_ =	shalt  }
0x68: {  	_ =	shalt  }
0x69: {  	_ =	shalt  }
0x6a: {  	_ =	shalt  }
0x6b: {  	_ =	shalt  }
0x6c: {  	_ =	shalt  }
0x6d: {  	_ =	shalt  }
0x6e: {  	_ =	shalt  }
0x6f: {  	_ =	shalt  }
0x70: {  	_ =	shalt  }
0x71: {  	_ =	shalt  }
0x72: {  	_ =	shalt  }
0x73: {  	_ =	shalt  }
0x74: {  	_ =	shalt  }
0x75: {  	_ =	shalt  }
0x76: {  	_ =	shalt  }
0x77: {  	_ =	shalt  }
0x78: {  	_ =	shalt  }
0x79: {  	_ =	shalt  }
0x7a: {  	_ =	shalt  }
0x7b: {  	_ =	shalt  }
0x7c: {  	_ =	shalt  }
0x7d: {  	_ =	shalt  }
0x7e: {  	_ =	shalt  }
0x7f: {  	_ =	shalt  }
0x80: {  	_ =	shalt  }
0x81: {  	_ =	shalt  }
0x82: {  	_ =	shalt  }
0x83: {  	_ =	shalt  }
0x84: {  	_ =	shalt  }
0x85: {  	_ =	shalt  }
0x86: {  	_ =	shalt  }
0x87: {  	_ =	shalt  }
.Lfunc_end0:
.L_simem_size_0:
called_computation_lowered:
.L_overlay_start_0:
0x88: {  	s2 =	sld [smem:$0x3FD9]  }
0x89: {  	s3 =	sld [smem:$0x3FFE];
	_ =	sdelay $0x1  }
0x8a: {  	s1 =	srdreg.scid  }
0x8b: {  	s0 =	sand.u32 $0x1, s1  }
0x8c: {  	s17 =	sshll.u32 s0, $0xA;
	s2 =	sadd.s32 s3, s2  }
0x8d: {  	s2 =	sadd.s32 s2, s17  }
0x8e: {  	[smem:$0x3FC2] =	sst s2  }
0x8f: {  	_ = 	snop  }
0x90: {  	s2 =	sld [smem:$0x3FD0];
	(tm) =	ssettm $0x1  }
0x91: {  	s18 =	sld [smem:$0x3FFB];
	_ =	sdelay $0x3  }
0x92: {  	_ =	strace s18  }
0x93: {  	s3 =	sld [smem:$0x3FFC];
	_ =	sdelay $0x3  }
0x94: {  	_ =	strace s3  }
0x95: {  	s3 =	sld [smem:$0x3FFD];
	_ =	sdelay $0x3  }
0x96: {  	_ =	strace s3  }
0x97: {  	_ =	strace $0x8FFFFFFF  }
0x98: {  	s19 =	sld [smem:$0x3FDB];
	_ =	sdelay $0x1  }
0x99: {  	s4 =	simm.s32 $_scs_section_size  }
0x9a: {  	s5 =	simm.s32 $_size__tile_overlayer_lowered;
	s6 =	simm.s32 $_tile_overlayer_lowered  }
0x9b: {  	s22 =	simm.s32 $0x1BFF;
	s21 =	sshll.u32 s6, $0x1;
	s3 =	sadd.s32 s4, s19  }
0x9c: {  	s7 =	simm.s32 $0x0;
	s20 =	sshll.u32 s5, $0x1;
	s5 =	sadd.s32 s21, s3  }
0x9d: {  	[timem:s7], [sflag:s22] =	dma.local [hbm:s5], s20  }
0x9e: {  	_ =	swait.ge [sflag:s22], s20  }
0x9f: {  	s4 =	ssub.s32 $0x0, s20;
	[sflag:s22] =	ssyncset.done $0x0  }
0xa0: {  	[sflag:s22] =	ssyncadd.s32 s4;
	_ =	sdelay $0x1  }
0xa1: {  	s23 =	simm.s32 $0x1B8B  }
0xa2: {  	_ =	swait.ge [sflag:s23], $0x1  }
0xa3: {  	[sflag:s23] =	ssyncset.done $0x0  }
0xa4: {  	s25 =	simm.s32 $0x1B8E;
	s24 =	sld [smem:$0x3FFE];
	[sflag:s23] =	ssyncadd.s32 $0xFFFFFFFF  }
0xa5: {  	s26 =	simm.s32 $execute0_lowered;
	[smem:$0x3FD2] =	sst s25  }
0xa6: {  	s5 =	sshll.u32 s26, $0x1;
	_ =	strace $0x80000046;
	[dreg:$0x1] =	wrdreg $0xFFFFFFFF  }
0xa7: {  	s28 =	simm.s32 $_size_execute0_lowered;
	s3 =	sadd.s32 s3, s5;
	[dreg:$0x0] =	wrdreg $0x0  }
0xa8: {  	s5 =	sshll.u32 s28, $0x1;
	[dreg:$0x2] =	wrdreg s3  }
0xa9: {  	[dreg:$0x3] =	wrdreg s5  }
0xaa: {  	[dreg:$0x4] =	wrdreg $0xC0  }
0xab: {  	_ =	task [dreg:s7], $0x5FFFF  }
0xac: {  	[dreg:$0x1] =	wrdreg $0xFFFFFFFF  }
0xad: {  	[dreg:$0x0] =	wrdreg $0x60  }
0xae: {  	[dreg:$0x2] =	wrdreg s24  }
0xaf: {  	[dreg:$0x3] =	wrdreg s2  }
0xb0: {  	[dreg:$0x4] =	wrdreg $0x17000  }
0xb1: {  	[dreg:$0x5] =	wrdreg $0x9  }
0xb2: {  	_ =	task.clear_ibuf [dreg:s7], $0x6FFFF;
	_ =	strace $0x90000046  }
0xb3: {  	s29 =	simm.s32 $0x9;
	_ =	strace $0x80000048  }
0xb4: {  	_ =	swait.ge [sflag:s29], $0x1  }
0xb5: {  	[sflag:s29] =	ssyncadd.s32 $0xFFFFFFFF  }
0xb6: {  	_ =	strace $0x90000048  }
0xb7: {  	_ =	sfence  }
0xb8: {  	s30 =	sld [smem:$0x0];
	_ =	sdelay $0x2  }
0xb9: {  	s31 =	sshll.u32 s1, $0xD;
	s1 =	sshrl.u32 s1, $0x2  }
0xba: {  	s3 =	sand.u32 $0x4000, s31;
	s1 =	sadd.s32 s1, s30  }
0xbb: {  	s0 =	sor.u32 s3, s0;
	s1 =	sshll.u32 s1, $0x11  }
0xbc: {  	s0 =	sor.u32 s1, s0  }
0xbd: {  	s0 =	sadd.s32 $0x8F2B, s0  }
0xbe: {  	[sflag:s0] =	ssyncadd.remote.s32 $0x1  }
0xbf: {  	_ =	sfence.sel $0xFFFF  }
0xc0: {  	[dreg:$0x0] =	wrdreg $0xFFFFFFFF;
	(pc) =	sbr.abs _section_cstart, $3  }
0xc1: {  	[dreg:$0x1] =	wrdreg $0xFFFFFFFF  }
0xc2: {  	_ =	task.clear_ibuf [dreg:s7], $0x2FFFF;
	_ =	strace $0x9FFFFFFF  }
0xc3: {  	(tm) =	ssettm $0x7FFFFFFF  }
tec
execute0_lowered:
.L_overlay_start_1:
0x0: {  	(tag) =	ssettag $0x1  }
0x1: {  	s0 =	rddreg [dreg:$0x0]  }
0x2: {  	s1 =	srdreg.scid;
	s6 =	rddreg [dreg:$0x1]  }
0x3: {  	s2 =	rddreg [dreg:$0x2];
	s8 =	stileid.u32  }
0x4: {  	s3 =	simm.s32 $0x0;
	s9 =	simm.s32 $0x2;
	s10 =	simm.s32 $0x80  }
0x5: {  	s11 =	simm.s32 $0x1680;
	s12 =	simm.s32 $0x100;
	s13 =	simm.s32 $0xB80  }
0x6: {  	s14 =	simm.s32 $0xC00;
	s15 =	simm.s32 $0xC80;
	s16 =	simm.s32 $0xD00  }
0x7: {  	s17 =	simm.s32 $0xD80;
	s18 =	simm.s32 $0xE00;
	s19 =	simm.s32 $0xE80  }
0x8: {  	s20 =	simm.s32 $0xF00;
	s21 =	simm.s32 $0xF80;
	s22 =	simm.s32 $0x1000  }
0x9: {  	s23 =	simm.s32 $0x1080;
	s24 =	simm.s32 $0x1100;
	s28 =	simm.s32 $0x1280  }
0xa: {  	s29 =	simm.s32 $0x1300;
	s30 =	simm.s32 $0x1380;
	s31 =	simm.s32 $0x1  }
0xb: {  	s1 =	sand.u32 $0x1, s1;
	[smem:$0x7FF] =	sst s3;
	s5 =	smul.u32 $0x500, s8  }
0xc: {  	s4 =	sshll.u32 s1, $0x4;
	_ =	strace $0x80000047;
	s7 =	ssub.s32 $0x2, s1  }
0xd: {  	s1 =	sshll.u32 s1, $0x7;
	s4 =	sor.u32 s8, s4;
	s8 =	smul.u32 $0xA00, s8  }
0xe: {  	s25 =	sshrl.u32 s7, $0x1;
	s1 =	sor.u32 s1, s5;
	s4 =	smul.u32 $0x280, s4  }
0xf: {  	s7 =	ssub.s32 s7, s25;
	s1 =	sshrl.u32 s1, $0x3;
	s25 =	simm.s32 $0x1180  }
0x10: {  	s26 =	sshrl.u32 s8, $0x2;
	s6 =	sadd.s32 s6, s1;
	s7 =	smax.u32 s7, $0x1  }
0x11: {  	s8 =	simm.s32 $0x1400;
	s0 =	sadd.s32 s4, s0;
	s4 =	sadd.s32 s26, s2  }
0x12: {  	v0 =	vimm.f32 $0.0e+00;
	v1 =	vimm.f32 $1.000000000e+00;
	s26 =	simm.s32 $0x1200;
	s5 =	sadd.s32 $0x1800, s0;
	s0 =	simm.s32 $0x0  }
.LBB2_1:
0x13: {  	[tilespmem:$0x1400] =	vst v0  }
0x14: {  	[tilespmem:$0x1410] =	vst v0  }
0x15: {  	[tilespmem:$0x1420] =	vst v0  }
0x16: {  	[tilespmem:$0x1430] =	vst v0  }
0x17: {  	[tilespmem:$0x1440] =	vst v0  }
0x18: {  	[tilespmem:$0x1450] =	vst v0  }
0x19: {  	[tilespmem:$0x1460] =	vst v0  }
0x1a: {  	[tilespmem:$0x1470] =	vst v0  }
0x1b: {  	[tilespmem:$0x1480] =	vst v0  }
0x1c: {  	[tilespmem:$0x1490] =	vst v0  }
0x1d: {  	[tilespmem:$0x14A0] =	vst v0  }
0x1e: {  	[tilespmem:$0x14B0] =	vst v0  }
0x1f: {  	[tilespmem:$0x14C0] =	vst v0  }
0x20: {  	[tilespmem:$0x14D0] =	vst v0  }
0x21: {  	[tilespmem:$0x14E0] =	vst v0  }
0x22: {  	[tilespmem:$0x14F0] =	vst v0  }
0x23: {  	[tilespmem:$0x1500] =	vst v0  }
0x24: {  	[tilespmem:$0x1510] =	vst v0  }
0x25: {  	[tilespmem:$0x1520] =	vst v0  }
0x26: {  	[tilespmem:$0x1530] =	vst v0  }
0x27: {  	[tilespmem:$0x1540] =	vst v0  }
0x28: {  	[tilespmem:$0x1550] =	vst v0  }
0x29: {  	[tilespmem:$0x1560] =	vst v0  }
0x2a: {  	[tilespmem:$0x1570] =	vst v0  }
0x2b: {  	[tilespmem:$0x1580] =	vst v0  }
0x2c: {  	[tilespmem:$0x1590] =	vst v0  }
0x2d: {  	[tilespmem:$0x15A0] =	vst v0  }
0x2e: {  	[tilespmem:$0x15B0] =	vst v0  }
0x2f: {  	[tilespmem:$0x15C0] =	vst v0  }
0x30: {  	[tilespmem:$0x15D0] =	vst v0  }
0x31: {  	[tilespmem:$0x15E0] =	vst v0  }
0x32: {  	[tilespmem:$0x15F0] =	vst v0  }
0x33: {  	[tilespmem:$0x1600] =	vst v0  }
0x34: {  	[tilespmem:$0x1610] =	vst v0  }
0x35: {  	[tilespmem:$0x1620] =	vst v0  }
0x36: {  	[tilespmem:$0x1630] =	vst v0  }
0x37: {  	[tilespmem:$0x1640] =	vst v0  }
0x38: {  	[tilespmem:$0x1650] =	vst v0  }
0x39: {  	[tilespmem:$0x1660] =	vst v0  }
0x3a: {  	[tilespmem:$0x1670] =	vst v0  }
0x3b: {  	[tilespmem:$0x1680] =	vst v1  }
0x3c: {  	[tilespmem:$0x1690] =	vst v1  }
0x3d: {  	[tilespmem:$0x16A0] =	vst v1  }
0x3e: {  	[tilespmem:$0x16B0] =	vst v1  }
0x3f: {  	[tilespmem:$0x16C0] =	vst v1  }
0x40: {  	[tilespmem:$0x16D0] =	vst v1  }
0x41: {  	[tilespmem:$0x16E0] =	vst v1  }
0x42: {  	[tilespmem:$0x16F0] =	vst v1  }
0x43: {  	[spmem:s4] =	stream.linear.scatter [tilespmem:s8], [sflag:$0x2], $0x280, $0x38;
	[tilespmem:$0x1980] =	vst v63  }
0x44: {  	_ =	swait.ge [sflag:s9], $0x280  }
0x45: {  	[sflag:s9] =	ssyncset.done $0x0  }
0x46: {  	[sflag:s9] =	ssyncadd.s32 $0xFFFFFD80  }
0x47: {  	[bflag:$0x0] =	sbarrier.arrive $0xFFFF  }
0x48: {  	[tilespmem:s3], [sflag:$0x2] =	stream.linear.gather [hbm4b:s5+s3], $0x1400, $0x38;
	[tilespmem:$0x1980] =	vst v63  }
0x49: {  	_ =	swait.ge [sflag:s9], $0x1400  }
0x4a: {  	[sflag:s9] =	ssyncset.done $0x0  }
0x4b: {  	[sflag:s9] =	ssyncadd.s32 $0xFFFFEC00  }
0x4c: {  	[spmem:s2] =	stream.indirect.scatter.add.f32 [tilespmem:s11], [sflag:$0x1], $0x1, s3, s10, $0xb8;
	[tilespmem:$0x1980] =	vst v63  }
0x4d: {  	_ = 	snop  }
0x4e: {  	[spmem:s2] =	stream.indirect.scatter.add.f32 [tilespmem:s11], [sflag:$0x1], $0x1, s10, s10, $0xb8;
	[tilespmem:$0x1980] =	vst v63  }
0x4f: {  	_ = 	snop  }
0x50: {  	[spmem:s2] =	stream.indirect.scatter.add.f32 [tilespmem:s11], [sflag:$0x1], $0x1, s12, s10, $0xb8;
	[tilespmem:$0x1980] =	vst v63  }
0x51: {  	s1 =	simm.s32 $0x180  }
0x52: {  	[spmem:s2] =	stream.indirect.scatter.add.f32 [tilespmem:s11], [sflag:$0x1], $0x1, s1, s10, $0xb8;
	[tilespmem:$0x1980] =	vst v63  }
0x53: {  	s1 =	simm.s32 $0x200  }
0x54: {  	[spmem:s2] =	stream.indirect.scatter.add.f32 [tilespmem:s11], [sflag:$0x1], $0x1, s1, s10, $0xb8;
	[tilespmem:$0x1980] =	vst v63  }
0x55: {  	s1 =	simm.s32 $0x280  }
0x56: {  	[spmem:s2] =	stream.indirect.scatter.add.f32 [tilespmem:s11], [sflag:$0x1], $0x1, s1, s10, $0xb8;
	[tilespmem:$0x1980] =	vst v63  }
0x57: {  	s1 =	simm.s32 $0x300  }
0x58: {  	[spmem:s2] =	stream.indirect.scatter.add.f32 [tilespmem:s11], [sflag:$0x1], $0x1, s1, s10, $0xb8;
	[tilespmem:$0x1980] =	vst v63  }
0x59: {  	s1 =	simm.s32 $0x380  }
0x5a: {  	[spmem:s2] =	stream.indirect.scatter.add.f32 [tilespmem:s11], [sflag:$0x1], $0x1, s1, s10, $0xb8;
	[tilespmem:$0x1980] =	vst v63  }
0x5b: {  	s1 =	simm.s32 $0x400  }
0x5c: {  	[spmem:s2] =	stream.indirect.scatter.add.f32 [tilespmem:s11], [sflag:$0x1], $0x1, s1, s10, $0xb8;
	[tilespmem:$0x1980] =	vst v63  }
0x5d: {  	s1 =	simm.s32 $0x480  }
0x5e: {  	[spmem:s2] =	stream.indirect.scatter.add.f32 [tilespmem:s11], [sflag:$0x1], $0x1, s1, s10, $0xb8;
	[tilespmem:$0x1980] =	vst v63  }
0x5f: {  	s1 =	simm.s32 $0x500  }
0x60: {  	[spmem:s2] =	stream.indirect.scatter.add.f32 [tilespmem:s11], [sflag:$0x1], $0x1, s1, s10, $0xb8;
	[tilespmem:$0x1980] =	vst v63  }
0x61: {  	s1 =	simm.s32 $0x580  }
0x62: {  	[spmem:s2] =	stream.indirect.scatter.add.f32 [tilespmem:s11], [sflag:$0x1], $0x1, s1, s10, $0xb8;
	[tilespmem:$0x1980] =	vst v63  }
0x63: {  	s1 =	simm.s32 $0x600  }
0x64: {  	[spmem:s2] =	stream.indirect.scatter.add.f32 [tilespmem:s11], [sflag:$0x1], $0x1, s1, s10, $0xb8;
	[tilespmem:$0x1980] =	vst v63  }
0x65: {  	s1 =	simm.s32 $0x680  }
0x66: {  	[spmem:s2] =	stream.indirect.scatter.add.f32 [tilespmem:s11], [sflag:$0x1], $0x1, s1, s10, $0xb8;
	[tilespmem:$0x1980] =	vst v63  }
0x67: {  	s1 =	simm.s32 $0x700  }
0x68: {  	[spmem:s2] =	stream.indirect.scatter.add.f32 [tilespmem:s11], [sflag:$0x1], $0x1, s1, s10, $0xb8;
	[tilespmem:$0x1980] =	vst v63  }
0x69: {  	s1 =	simm.s32 $0x780  }
0x6a: {  	[spmem:s2] =	stream.indirect.scatter.add.f32 [tilespmem:s11], [sflag:$0x1], $0x1, s1, s10, $0xb8;
	[tilespmem:$0x1980] =	vst v63  }
0x6b: {  	s1 =	simm.s32 $0x800  }
0x6c: {  	[spmem:s2] =	stream.indirect.scatter.add.f32 [tilespmem:s11], [sflag:$0x1], $0x1, s1, s10, $0xb8;
	[tilespmem:$0x1980] =	vst v63  }
0x6d: {  	s1 =	simm.s32 $0x880  }
0x6e: {  	[spmem:s2] =	stream.indirect.scatter.add.f32 [tilespmem:s11], [sflag:$0x1], $0x1, s1, s10, $0xb8;
	[tilespmem:$0x1980] =	vst v63  }
0x6f: {  	s1 =	simm.s32 $0x900  }
0x70: {  	[spmem:s2] =	stream.indirect.scatter.add.f32 [tilespmem:s11], [sflag:$0x1], $0x1, s1, s10, $0xb8;
	[tilespmem:$0x1980] =	vst v63  }
0x71: {  	s1 =	simm.s32 $0x980  }
0x72: {  	[spmem:s2] =	stream.indirect.scatter.add.f32 [tilespmem:s11], [sflag:$0x1], $0x1, s1, s10, $0xb8;
	[tilespmem:$0x1980] =	vst v63  }
0x73: {  	s1 =	simm.s32 $0xA00  }
0x74: {  	[spmem:s2] =	stream.indirect.scatter.add.f32 [tilespmem:s11], [sflag:$0x1], $0x1, s1, s10, $0xb8;
	[tilespmem:$0x1980] =	vst v63  }
0x75: {  	s1 =	simm.s32 $0xA80  }
0x76: {  	[spmem:s2] =	stream.indirect.scatter.add.f32 [tilespmem:s11], [sflag:$0x1], $0x1, s1, s10, $0xb8;
	[tilespmem:$0x1980] =	vst v63  }
0x77: {  	s1 =	simm.s32 $0xB00  }
0x78: {  	[spmem:s2] =	stream.indirect.scatter.add.f32 [tilespmem:s11], [sflag:$0x1], $0x1, s1, s10, $0xb8;
	[tilespmem:$0x1980] =	vst v63  }
0x79: {  	_ = 	snop  }
0x7a: {  	[spmem:s2] =	stream.indirect.scatter.add.f32 [tilespmem:s11], [sflag:$0x1], $0x1, s13, s10, $0xb8;
	[tilespmem:$0x1980] =	vst v63  }
0x7b: {  	_ = 	snop  }
0x7c: {  	[spmem:s2] =	stream.indirect.scatter.add.f32 [tilespmem:s11], [sflag:$0x1], $0x1, s14, s10, $0xb8;
	[tilespmem:$0x1980] =	vst v63  }
0x7d: {  	_ = 	snop  }
0x7e: {  	[spmem:s2] =	stream.indirect.scatter.add.f32 [tilespmem:s11], [sflag:$0x1], $0x1, s15, s10, $0xb8;
	[tilespmem:$0x1980] =	vst v63  }
0x7f: {  	_ = 	snop  }
0x80: {  	[spmem:s2] =	stream.indirect.scatter.add.f32 [tilespmem:s11], [sflag:$0x1], $0x1, s16, s10, $0xb8;
	[tilespmem:$0x1980] =	vst v63  }
0x81: {  	_ = 	snop  }
0x82: {  	[spmem:s2] =	stream.indirect.scatter.add.f32 [tilespmem:s11], [sflag:$0x1], $0x1, s17, s10, $0xb8;
	[tilespmem:$0x1980] =	vst v63  }
0x83: {  	_ = 	snop  }
0x84: {  	[spmem:s2] =	stream.indirect.scatter.add.f32 [tilespmem:s11], [sflag:$0x1], $0x1, s18, s10, $0xb8;
	[tilespmem:$0x1980] =	vst v63  }
0x85: {  	_ = 	snop  }
0x86: {  	[spmem:s2] =	stream.indirect.scatter.add.f32 [tilespmem:s11], [sflag:$0x1], $0x1, s19, s10, $0xb8;
	[tilespmem:$0x1980] =	vst v63  }
0x87: {  	_ = 	snop  }
0x88: {  	[spmem:s2] =	stream.indirect.scatter.add.f32 [tilespmem:s11], [sflag:$0x1], $0x1, s20, s10, $0xb8;
	[tilespmem:$0x1980] =	vst v63  }
0x89: {  	_ = 	snop  }
0x8a: {  	[spmem:s2] =	stream.indirect.scatter.add.f32 [tilespmem:s11], [sflag:$0x1], $0x1, s21, s10, $0xb8;
	[tilespmem:$0x1980] =	vst v63  }
0x8b: {  	_ = 	snop  }
0x8c: {  	[spmem:s2] =	stream.indirect.scatter.add.f32 [tilespmem:s11], [sflag:$0x1], $0x1, s22, s10, $0xb8;
	[tilespmem:$0x1980] =	vst v63  }
0x8d: {  	_ = 	snop  }
0x8e: {  	[spmem:s2] =	stream.indirect.scatter.add.f32 [tilespmem:s11], [sflag:$0x1], $0x1, s23, s10, $0xb8;
	[tilespmem:$0x1980] =	vst v63  }
0x8f: {  	_ = 	snop  }
0x90: {  	[spmem:s2] =	stream.indirect.scatter.add.f32 [tilespmem:s11], [sflag:$0x1], $0x1, s24, s10, $0xb8;
	[tilespmem:$0x1980] =	vst v63  }
0x91: {  	_ = 	snop  }
0x92: {  	[spmem:s2] =	stream.indirect.scatter.add.f32 [tilespmem:s11], [sflag:$0x1], $0x1, s25, s10, $0xb8;
	[tilespmem:$0x1980] =	vst v63  }
0x93: {  	_ = 	snop  }
0x94: {  	[spmem:s2] =	stream.indirect.scatter.add.f32 [tilespmem:s11], [sflag:$0x1], $0x1, s26, s10, $0xb8;
	[tilespmem:$0x1980] =	vst v63  }
0x95: {  	_ = 	snop  }
0x96: {  	[spmem:s2] =	stream.indirect.scatter.add.f32 [tilespmem:s11], [sflag:$0x1], $0x1, s28, s10, $0xb8;
	[tilespmem:$0x1980] =	vst v63  }
0x97: {  	_ = 	snop  }
0x98: {  	[spmem:s2] =	stream.indirect.scatter.add.f32 [tilespmem:s11], [sflag:$0x1], $0x1, s29, s10, $0xb8;
	[tilespmem:$0x1980] =	vst v63  }
0x99: {  	_ = 	snop  }
0x9a: {  	[spmem:s2] =	stream.indirect.scatter.add.f32 [tilespmem:s11], [sflag:$0x1], $0x1, s30, s10, $0xb8;
	[tilespmem:$0x1980] =	vst v63  }
0x9b: {  	_ =	swait.ge [sflag:s31], $0x80  }
0x9c: {  	s1 =	simm.s32 $0x27;
	[sflag:s31] =	ssyncset.done $0x0  }
.LBB2_2:
0x9d: {  	p0 =	sne.s32 s1, $0x1;
	s1 =	sadd.s32 $0xFFFFFFFF, s1;
	[sflag:s31] =	ssyncadd.s32 $0xFFFFFF80  }
.Ltmp0:
0x9e: {  	(pc) =	sbr.rel @p0 .LBB2_2-.Ltmp0, $3  }
0x9f: {  	_ =	sdelay $0x1  }
0xa0: {  	_ =	swait.ge [sflag:s31], $0x80  }
0xa1: {  	[sflag:s31] =	ssyncset.done $0x0  }
0xa2: {  	[sflag:s31] =	ssyncadd.s32 $0xFFFFFF80  }
0xa3: {  	[bflag:$0x0] =	sbarrier.arrive $0xFFFF  }
0xa4: {  	[tilespmem:s8], [sflag:$0x2] =	stream.linear.gather [spmem:s4], $0x280, $0x38;
	[tilespmem:$0x1980] =	vst v63  }
0xa5: {  	s0 =	sadd.s32 $0x1, s0;
	_ =	swait.ge [sflag:s9], $0x280  }
0xa6: {  	p0 =	sne.s32 s0, s7;
	[sflag:s9] =	ssyncset.done $0x0  }
.Ltmp1:
0xa7: {  	[sflag:s9] =	ssyncadd.s32 $0xFFFFFD80;
	(pc) =	sbr.rel @p0 .LBB2_1-.Ltmp1, $4  }
0xa8: {  	[hbm4b:s6+s10] =	stream.strided.scatter [tilespmem:s8], [sflag:$0x2], $0x280, s12, s10, $0x38;
	[tilespmem:$0x1980] =	vst v63  }
0xa9: {  	_ =	swait.ge [sflag:s9], $0x280  }
0xaa: {  	[sflag:s9] =	ssyncset.done $0x0  }
0xab: {  	[sflag:s9] =	ssyncadd.s32 $0xFFFFFD80  }
0xac: {  	_ =	sfence.sel $0x180000  }
0xad: {  	[bflag:$0x0] =	sbarrier.arrive $0xFFFF  }
0xae: {  	_ =	strace $0x90000047  }
0xaf: {  	s0 =	stileid.u32;
	[bflag:$0x2] =	sbarrier.arrive $0xFFFF  }
0xb0: {  	p0 =	sne.s32 s0, $0x0;
	s0 =	rddreg [dreg:$0x3]  }
0xb1: {  	s0 =	sadd.s32 @!p0 $0x100000, s0  }
0xb2: {  	[sflag:s0] =	ssyncadd.tile.s32 @!p0 $0x1;
	_ =	shalt  }
.Lfunc_end2:
_tile_overlayer_lowered:
.L_overlay_start_2:
0xb3: {  	(tag) =	ssettag $0x2  }
0xb4: {  	s0 =	rddreg [dreg:$0x0];
	s2 =	stileid.u32  }
0xb5: {  	s1 =	rddreg [dreg:$0x1];
	p0 =	sne.s32 s2, $0x0  }
0xb6: {  	s3 =	rddreg [dreg:$0x2];
	[bflag:$0x3] =	sbarrier.arrive $0xFFFF;
	s2 =	simm.s32 @!p0 $0x1C02  }
0xb7: {  	[timem:s3], [sflag:s2] =	dma.local @!p0 [hbm:s0], s1  }
0xb8: {  	s0 =	simm.s32 @!p0 $0x2  }
0xb9: {  	_ =	swait.ge @!p0 [sflag:s0], s1  }
0xba: {  	s1 =	ssub.s32 @!p0 $0x0, s1;
	[sflag:s0] =	ssyncset.done @!p0 $0x0  }
0xbb: {  	[sflag:s0] =	ssyncadd.s32 @!p0 s1  }
0xbc: {  	[bflag:$0x3] =	sbarrier.arrive $0xFFFF  }
0xbd: {  	_ =	shalt  }

</sc_bundles>
